<compile_context>
chip_gen: v7x
topology: tpu7x:2x2x1
jax: 0.10.2.dev20260603
libtpu: 0.0.44.dev20260713+nightly
codegen_flags: <defaults>
</compile_context>

<pallas_src>
import functools

import jax
import jax.numpy as jnp
from jax import lax
from jax.experimental import pallas as pl
from jax.experimental.pallas import tpu as pltpu
from jax.experimental.pallas import tpu_sc as plsc

_D = 128
_NC = 2
_NS = 16
_NW = _NC * _NS
_B = 128


def _pad_to(n, m):
    return ((n + m - 1) // m) * m


@functools.cache
def _make_deg_kernel(EP, NP):
    nb = EP // (_NW * _B)
    rpt = NP // _NS
    mesh = plsc.VectorSubcoreMesh(core_axis_name="c", subcore_axis_name="s",
                                  num_cores=_NC, num_subcores=_NS)

    @functools.partial(
        pl.kernel,
        out_type=jax.ShapeDtypeStruct((_NC, NP), jnp.float32),
        mesh=mesh,
        scratch_types=[
            pltpu.VMEM((_B,), jnp.int32),
            pltpu.VMEM((_B,), jnp.float32),
            pltpu.VMEM((rpt,), jnp.float32),
            pltpu.VMEM_SHARED((NP,), jnp.float32),
        ],
    )
    def deg_kernel(dst_hbm, out_hbm, idx_v, ones_v, zeros_v, hist_s):
        cid = lax.axis_index("c")
        sid = lax.axis_index("s")
        wid = sid * _NC + cid
        one16 = jnp.ones((16,), jnp.float32)
        zero16 = jnp.zeros((16,), jnp.float32)
        for i in range(_B // 16):
            ones_v[pl.ds(i * 16, 16)] = one16

        def zbody(i, c):
            zeros_v[pl.ds(pl.multiple_of(i * 16, 8), 16)] = zero16
            return c
        lax.fori_loop(0, rpt // 16, zbody, 0)
        r0 = pl.multiple_of(sid * rpt, 8)
        pltpu.sync_copy(zeros_v, hist_s.at[pl.ds(r0, rpt)])
        plsc.subcore_barrier()

        ebase = wid * nb * _B

        def body(j, c):
            off = pl.multiple_of(ebase + j * _B, 8)
            pltpu.sync_copy(dst_hbm.at[pl.ds(off, _B)], idx_v)
            pltpu.sync_copy(ones_v, hist_s.at[idx_v], add=True)
            return c
        lax.fori_loop(0, nb, body, 0)
        plsc.subcore_barrier()
        pltpu.sync_copy(hist_s.at[pl.ds(r0, rpt)], out_hbm.at[cid, pl.ds(r0, rpt)])

    return deg_kernel


@functools.cache
def _make_scatter_kernel(EP, NP):
    nb = EP // (_NW * _B)
    rpt = NP // _NS
    mesh = plsc.VectorSubcoreMesh(core_axis_name="c", subcore_axis_name="s",
                                  num_cores=_NC, num_subcores=_NS)

    @functools.partial(
        pl.kernel,
        out_type=jax.ShapeDtypeStruct((_NC, NP, _D), jnp.float32),
        mesh=mesh,
        scratch_types=[
            pltpu.VMEM((_B,), jnp.int32),
            pltpu.VMEM((_B,), jnp.int32),
            pltpu.VMEM((_B, _D), jnp.float32),
            pltpu.VMEM((8, _D), jnp.float32),
            pltpu.VMEM_SHARED((NP, _D), jnp.float32),
            pltpu.SemaphoreType.DMA,
        ],
    )
    def scatter_kernel(g_hbm, src_hbm, dst_hbm, out_hbm,
                       src_v, dst_v, rows_v, zeros_v, acc_s, sem):
        cid = lax.axis_index("c")
        sid = lax.axis_index("s")
        wid = sid * _NC + cid
        r0 = pl.multiple_of(sid * rpt, 8)

        @pl.when(cid == 0)
        def _():
            pltpu.sync_copy(g_hbm.at[pl.ds(r0, rpt)], acc_s.at[pl.ds(r0, rpt)])

        @pl.when(cid != 0)
        def _():
            zero16 = jnp.zeros((16,), jnp.float32)
            for i in range(8):
                for j in range(_D // 16):
                    zeros_v[i, pl.ds(j * 16, 16)] = zero16

            def zcopy(i, c):
                pltpu.sync_copy(
                    zeros_v, acc_s.at[pl.ds(pl.multiple_of(r0 + i * 8, 8), 8)])
                return c
            lax.fori_loop(0, rpt // 8, zcopy, 0)

        plsc.subcore_barrier()

        ebase = wid * nb * _B

        def body(j, c):
            off = pl.multiple_of(ebase + j * _B, 8)
            pltpu.sync_copy(src_hbm.at[pl.ds(off, _B)], src_v)
            pltpu.sync_copy(dst_hbm.at[pl.ds(off, _B)], dst_v)
            pltpu.async_copy(g_hbm.at[src_v], rows_v, sem).wait()
            pltpu.sync_copy(rows_v, acc_s.at[dst_v], add=True)
            return c
        lax.fori_loop(0, nb, body, 0)
        plsc.subcore_barrier()
        pltpu.sync_copy(acc_s.at[pl.ds(r0, rpt)], out_hbm.at[cid, pl.ds(r0, rpt)])

    return scatter_kernel


_BM = 1024


def _first_body(d0_ref, d1_ref, x_ref, w_ref, dinv_ref, g_ref):
    deg = d0_ref[...] + d1_ref[...] + 1.0
    dinv = lax.rsqrt(deg)
    dinv_ref[...] = dinv
    g_ref[...] = dinv * jnp.dot(x_ref[...], w_ref[...],
                                preferred_element_type=jnp.float32)


def _mid_body(p0_ref, p1_ref, dinv_ref, b_ref, w_ref, g_ref):
    dinv = dinv_ref[...]
    h = jnp.maximum(dinv * (p0_ref[...] + p1_ref[...]) + b_ref[...], 0.0)
    g_ref[...] = dinv * jnp.dot(h, w_ref[...],
                                preferred_element_type=jnp.float32)


def _last_body(p0_ref, p1_ref, dinv_ref, b_ref, o_ref):
    o_ref[...] = dinv_ref[...] * (p0_ref[...] + p1_ref[...]) + b_ref[...]


def _row_spec(i):
    return (i, 0)


def _const_spec(i):
    return (0, 0)


def _tc_first(d0, d1, x, w, NP):
    return pl.pallas_call(
        _first_body,
        grid=(NP // _BM,),
        in_specs=[pl.BlockSpec((_BM, 1), _row_spec),
                  pl.BlockSpec((_BM, 1), _row_spec),
                  pl.BlockSpec((_BM, _D), _row_spec),
                  pl.BlockSpec((_D, _D), _const_spec)],
        out_specs=[pl.BlockSpec((_BM, 1), _row_spec),
                   pl.BlockSpec((_BM, _D), _row_spec)],
        out_shape=[jax.ShapeDtypeStruct((NP, 1), jnp.float32),
                   jax.ShapeDtypeStruct((NP, _D), jnp.float32)],
    )(d0, d1, x, w)


def _tc_mid(p0, p1, dinv, b, w, NP):
    return pl.pallas_call(
        _mid_body,
        grid=(NP // _BM,),
        in_specs=[pl.BlockSpec((_BM, _D), _row_spec),
                  pl.BlockSpec((_BM, _D), _row_spec),
                  pl.BlockSpec((_BM, 1), _row_spec),
                  pl.BlockSpec((1, _D), _const_spec),
                  pl.BlockSpec((_D, _D), _const_spec)],
        out_specs=pl.BlockSpec((_BM, _D), _row_spec),
        out_shape=jax.ShapeDtypeStruct((NP, _D), jnp.float32),
    )(p0, p1, dinv, b, w)


def _tc_last(p0, p1, dinv, b, NP):
    return pl.pallas_call(
        _last_body,
        grid=(NP // _BM,),
        in_specs=[pl.BlockSpec((_BM, _D), _row_spec),
                  pl.BlockSpec((_BM, _D), _row_spec),
                  pl.BlockSpec((_BM, 1), _row_spec),
                  pl.BlockSpec((1, _D), _const_spec)],
        out_specs=pl.BlockSpec((_BM, _D), _row_spec),
        out_shape=jax.ShapeDtypeStruct((NP, _D), jnp.float32),
    )(p0, p1, dinv, b)


def kernel(x, edge_index, W0, b0, W1, b1, W2, b2):
    N, D = x.shape
    E = edge_index.shape[1]
    NP = _pad_to(N, _BM)
    EP = _pad_to(E, _NW * _B)

    xp = jnp.pad(x, ((0, NP - N), (0, 0)))
    src = jnp.pad(edge_index[0], (0, EP - E))
    dst = jnp.pad(edge_index[1], (0, EP - E), constant_values=N)

    deg_kernel = _make_deg_kernel(EP, NP)
    scatter_kernel = _make_scatter_kernel(EP, NP)

    degp = deg_kernel(dst)
    d0 = degp[0].reshape(NP, 1)
    d1 = degp[1].reshape(NP, 1)

    dinv, g = _tc_first(d0, d1, xp, W0, NP)
    b0r = b0.reshape(1, _D)
    b1r = b1.reshape(1, _D)
    b2r = b2.reshape(1, _D)

    p = scatter_kernel(g, src, dst)
    g = _tc_mid(p[0], p[1], dinv, b0r, W1, NP)

    p = scatter_kernel(g, src, dst)
    g = _tc_mid(p[0], p[1], dinv, b1r, W2, NP)

    p = scatter_kernel(g, src, dst)
    out = _tc_last(p[0], p[1], dinv, b2r, NP)
    return out[:N]

# --- scband reference (transcript-rebuilt; emitter-appended) ---
"""Pipeline reference for scband-traditional-gnn-61787399520423 (READ-ONLY COPY).

The authoritative reference and input builder live on the scoring server;
editing this copy changes nothing except your own understanding.
"""

import jax, jax.numpy as jnp
import numpy as np

N = 10000
E = 320000
D = 128


def setup_inputs(seed: int = 0) -> dict:
    key = jax.random.key(seed)
    ks = jax.random.split(key, 10)
    x = jax.random.normal(ks[0], (N, D), dtype=jnp.float32)
    edge_index = jax.random.randint(ks[1], (2, E), 0, N, dtype=jnp.int32)
    s = 1.0 / np.sqrt(D)
    W0 = jax.random.uniform(ks[2], (D, D), dtype=jnp.float32, minval=-s, maxval=s)
    b0 = jnp.zeros((D,), dtype=jnp.float32)
    W1 = jax.random.uniform(ks[3], (D, D), dtype=jnp.float32, minval=-s, maxval=s)
    b1 = jnp.zeros((D,), dtype=jnp.float32)
    W2 = jax.random.uniform(ks[4], (D, D), dtype=jnp.float32, minval=-s, maxval=s)
    b2 = jnp.zeros((D,), dtype=jnp.float32)
    return {"x": x, "edge_index": edge_index, "W0": W0, "b0": b0, "W1": W1, "b1": b1, "W2": W2, "b2": b2}


def _gcn_layer(h_in, W, b, src, dst, num_nodes):
    # GCNConv: x' = D^{-1/2} (A + I) D^{-1/2} X W + b  (self-loops already appended to src/dst)
    h = h_in @ W
    deg = jnp.zeros((num_nodes,), dtype=h.dtype).at[dst].add(1.0)
    dinv = jnp.where(deg > 0, 1.0 / jnp.sqrt(deg), 0.0)
    norm = dinv[src] * dinv[dst]
    msg = h[src] * norm[:, None]
    out = jnp.zeros((num_nodes, h.shape[1]), dtype=h.dtype).at[dst].add(msg)
    return out + b


def reference(x, edge_index, W0, b0, W1, b1, W2, b2):
    loop = jnp.arange(N, dtype=edge_index.dtype)
    src = jnp.concatenate([edge_index[0], loop])
    dst = jnp.concatenate([edge_index[1], loop])
    h = _gcn_layer(x, W0, b0, src, dst, N)
    h = jax.nn.relu(h)  # dropout p=0.0 -> identity in eval
    h = _gcn_layer(h, W1, b1, src, dst, N)
    h = jax.nn.relu(h)
    h = _gcn_layer(h, W2, b2, src, dst, N)
    return h

if __name__ == "__main__":
    import jax
    _d = setup_inputs()
    print(jax.jit(kernel)(*tuple(_d.values())))

</pallas_src>

<mosaic_0001>
#map = affine_map<(d0, d1) -> (0, 0)>
#map1 = affine_map<(d0, d1) -> (0)>
#map2 = affine_map<(d0, d1) -> (0, 0, 0)>
module attributes {stable_mosaic.version = 14 : i64} {
  func.func @scatter_kernel(%arg0: i32, %arg1: i32, %arg2: memref<10240x128xf32, #tpu.memory_space<hbm>>, %arg3: memref<323584xi32, #tpu.memory_space<hbm>>, %arg4: memref<323584xi32, #tpu.memory_space<hbm>>, %arg5: memref<2x10240x128xf32, #tpu.memory_space<hbm>>, %arg6: memref<128xi32, #tpu.memory_space<vmem>>, %arg7: memref<128xi32, #tpu.memory_space<vmem>>, %arg8: memref<128x128xf32, #tpu.memory_space<vmem>>, %arg9: memref<8x128xf32, #tpu.memory_space<vmem>>, %arg10: memref<10240x128xf32, #tpu.memory_space<vmem_shared>>, %arg11: memref<!tpu.dma_semaphore, #tpu.memory_space<semaphore_mem>>) attributes {dimension_semantics = [#tpu.dimension_semantics<core_parallel>, #tpu.dimension_semantics<subcore_parallel>], iteration_bounds = array<i64: 2, 16>, scalar_prefetch = 0 : i64, scratch_operands = 6 : i64, tpu.core_type = #tpu.core_type<sc_vector_subcore>, window_params = [{transform_indices = #map}, {transform_indices = #map1}, {transform_indices = #map1}, {transform_indices = #map2}]} {
    %mul3A = arith.constant 2 : i32
    %mul3A_0 = arith.muli %arg1, %mul3A : i32
    %add3A = arith.addi %mul3A_0, %arg0 : i32
    %mul3A_1 = arith.constant 640 : i32
    %mul3A_2 = arith.muli %arg1, %mul3A_1 : i32
    %multiple_of3A = tpu.assume_multiple %mul3A_2, 8 : i32
    %eq3A = arith.constant 0 : i32
    %eq3A_3 = arith.cmpi eq, %arg0, %eq3A : i32
    %convert_element_type3A = arith.extui %eq3A_3 : i1 to i32
    %cond3A = arith.constant 0 : i32
    %cond3A_4 = arith.cmpi ne, %convert_element_type3A, %cond3A : i32
    scf.if %cond3A_4 {
      "tpu.region"() ({
        %run_scoped3A = tpu.sem_alloc : memref<!tpu.dma_semaphore, #tpu.memory_space<semaphore_mem>>
        %dma_start3A = arith.constant 0 : i32
        %dma_start3A_19 = tpu.memref_slice %arg10[%multiple_of3A, %dma_start3A] : memref<10240x128xf32, #tpu.memory_space<vmem_shared>> -> memref<640x128xf32, #tpu.memory_space<vmem_shared>>
        %dma_start3A_20 = arith.constant 0 : i32
        %dma_start3A_21 = tpu.memref_slice %arg2[%multiple_of3A, %dma_start3A_20] : memref<10240x128xf32, #tpu.memory_space<hbm>> -> memref<640x128xf32, #tpu.memory_space<hbm>>
        tpu.enqueue_dma source(%dma_start3A_21 : memref<640x128xf32, #tpu.memory_space<hbm>>) target(%dma_start3A_19 : memref<640x128xf32, #tpu.memory_space<vmem_shared>>) target_semaphore(%run_scoped3A : memref<!tpu.dma_semaphore, #tpu.memory_space<semaphore_mem>>)
        %dma_wait3A = arith.constant 0 : i32
        %dma_wait3A_22 = tpu.memref_slice %arg10[%multiple_of3A, %dma_wait3A] : memref<10240x128xf32, #tpu.memory_space<vmem_shared>> -> memref<640x128xf32, #tpu.memory_space<vmem_shared>>
        %dma_wait3A_23 = arith.constant 0 : i32
        %dma_wait3A_24 = tpu.memref_slice %arg2[%multiple_of3A, %dma_wait3A_23] : memref<10240x128xf32, #tpu.memory_space<hbm>> -> memref<640x128xf32, #tpu.memory_space<hbm>>
        tpu.wait_dma2 semaphore(%run_scoped3A : memref<!tpu.dma_semaphore, #tpu.memory_space<semaphore_mem>>) src(%dma_wait3A_24 : memref<640x128xf32, #tpu.memory_space<hbm>>) dst(%dma_wait3A_22 : memref<640x128xf32, #tpu.memory_space<vmem_shared>>)
        tpu.yield
      }) : () -> ()
    } else {
    }
    %ne3A = arith.constant 0 : i32
    %ne3A_5 = arith.cmpi ne, %arg0, %ne3A : i32
    %convert_element_type3A_6 = arith.extui %ne3A_5 : i1 to i32
    %cond3A_7 = arith.constant 0 : i32
    %cond3A_8 = arith.cmpi ne, %convert_element_type3A_6, %cond3A_7 : i32
    scf.if %cond3A_8 {
      %broadcast_in_dim3A = arith.constant 0.000000e+00 : f32
      %broadcast_in_dim3A_19 = vector.broadcast %broadcast_in_dim3A : f32 to vector<16xf32>
      %swap3A = arith.constant 0 : i32
      %swap3A_20 = arith.index_cast %swap3A : i32 to index
      %swap3A_21 = arith.constant 0 : index
      %swap3A_22 = tpu.vector_load %arg9[%swap3A_20, %swap3A_21] {strides = array<i32>} : memref<8x128xf32, #tpu.memory_space<vmem>>, vector<1x16xf32>,
      %swap3A_23 = vector.shape_cast %swap3A_22 : vector<1x16xf32> to vector<16xf32>
      %swap3A_24 = vector.shape_cast %broadcast_in_dim3A_19 : vector<16xf32> to vector<1x16xf32>
      tpu.vector_store %arg9[%swap3A_20, %swap3A_21], %swap3A_24 {strides = array<i32>} : memref<8x128xf32, #tpu.memory_space<vmem>>, vector<1x16xf32>,
      %swap3A_25 = arith.constant 0 : i32
      %swap3A_26 = arith.index_cast %swap3A_25 : i32 to index
      %swap3A_27 = arith.constant 16 : index
      %swap3A_28 = tpu.vector_load %arg9[%swap3A_26, %swap3A_27] {strides = array<i32>} : memref<8x128xf32, #tpu.memory_space<vmem>>, vector<1x16xf32>,
      %swap3A_29 = vector.shape_cast %swap3A_28 : vector<1x16xf32> to vector<16xf32>
      %swap3A_30 = vector.shape_cast %broadcast_in_dim3A_19 : vector<16xf32> to vector<1x16xf32>
      tpu.vector_store %arg9[%swap3A_26, %swap3A_27], %swap3A_30 {strides = array<i32>} : memref<8x128xf32, #tpu.memory_space<vmem>>, vector<1x16xf32>,
      %swap3A_31 = arith.constant 0 : i32
      %swap3A_32 = arith.index_cast %swap3A_31 : i32 to index
      %swap3A_33 = arith.constant 32 : index
      %swap3A_34 = tpu.vector_load %arg9[%swap3A_32, %swap3A_33] {strides = array<i32>} : memref<8x128xf32, #tpu.memory_space<vmem>>, vector<1x16xf32>,
      %swap3A_35 = vector.shape_cast %swap3A_34 : vector<1x16xf32> to vector<16xf32>
      %swap3A_36 = vector.shape_cast %broadcast_in_dim3A_19 : vector<16xf32> to vector<1x16xf32>
      tpu.vector_store %arg9[%swap3A_32, %swap3A_33], %swap3A_36 {strides = array<i32>} : memref<8x128xf32, #tpu.memory_space<vmem>>, vector<1x16xf32>,
      %swap3A_37 = arith.constant 0 : i32
      %swap3A_38 = arith.index_cast %swap3A_37 : i32 to index
      %swap3A_39 = arith.constant 48 : index
      %swap3A_40 = tpu.vector_load %arg9[%swap3A_38, %swap3A_39] {strides = array<i32>} : memref<8x128xf32, #tpu.memory_space<vmem>>, vector<1x16xf32>,
      %swap3A_41 = vector.shape_cast %swap3A_40 : vector<1x16xf32> to vector<16xf32>
      %swap3A_42 = vector.shape_cast %broadcast_in_dim3A_19 : vector<16xf32> to vector<1x16xf32>
      tpu.vector_store %arg9[%swap3A_38, %swap3A_39], %swap3A_42 {strides = array<i32>} : memref<8x128xf32, #tpu.memory_space<vmem>>, vector<1x16xf32>,
      %swap3A_43 = arith.constant 0 : i32
      %swap3A_44 = arith.index_cast %swap3A_43 : i32 to index
      %swap3A_45 = arith.constant 64 : index
      %swap3A_46 = tpu.vector_load %arg9[%swap3A_44, %swap3A_45] {strides = array<i32>} : memref<8x128xf32, #tpu.memory_space<vmem>>, vector<1x16xf32>,
      %swap3A_47 = vector.shape_cast %swap3A_46 : vector<1x16xf32> to vector<16xf32>
      %swap3A_48 = vector.shape_cast %broadcast_in_dim3A_19 : vector<16xf32> to vector<1x16xf32>
      tpu.vector_store %arg9[%swap3A_44, %swap3A_45], %swap3A_48 {strides = array<i32>} : memref<8x128xf32, #tpu.memory_space<vmem>>, vector<1x16xf32>,
      %swap3A_49 = arith.constant 0 : i32
      %swap3A_50 = arith.index_cast %swap3A_49 : i32 to index
      %swap3A_51 = arith.constant 80 : index
      %swap3A_52 = tpu.vector_load %arg9[%swap3A_50, %swap3A_51] {strides = array<i32>} : memref<8x128xf32, #tpu.memory_space<vmem>>, vector<1x16xf32>,
      %swap3A_53 = vector.shape_cast %swap3A_52 : vector<1x16xf32> to vector<16xf32>
      %swap3A_54 = vector.shape_cast %broadcast_in_dim3A_19 : vector<16xf32> to vector<1x16xf32>
      tpu.vector_store %arg9[%swap3A_50, %swap3A_51], %swap3A_54 {strides = array<i32>} : memref<8x128xf32, #tpu.memory_space<vmem>>, vector<1x16xf32>,
      %swap3A_55 = arith.constant 0 : i32
      %swap3A_56 = arith.index_cast %swap3A_55 : i32 to index
      %swap3A_57 = arith.constant 96 : index
      %swap3A_58 = tpu.vector_load %arg9[%swap3A_56, %swap3A_57] {strides = array<i32>} : memref<8x128xf32, #tpu.memory_space<vmem>>, vector<1x16xf32>,
      %swap3A_59 = vector.shape_cast %swap3A_58 : vector<1x16xf32> to vector<16xf32>
      %swap3A_60 = vector.shape_cast %broadcast_in_dim3A_19 : vector<16xf32> to vector<1x16xf32>
      tpu.vector_store %arg9[%swap3A_56, %swap3A_57], %swap3A_60 {strides = array<i32>} : memref<8x128xf32, #tpu.memory_space<vmem>>, vector<1x16xf32>,
      %swap3A_61 = arith.constant 0 : i32
      %swap3A_62 = arith.index_cast %swap3A_61 : i32 to index
      %swap3A_63 = arith.constant 112 : index
      %swap3A_64 = tpu.vector_load %arg9[%swap3A_62, %swap3A_63] {strides = array<i32>} : memref<8x128xf32, #tpu.memory_space<vmem>>, vector<1x16xf32>,
      %swap3A_65 = vector.shape_cast %swap3A_64 : vector<1x16xf32> to vector<16xf32>
      %swap3A_66 = vector.shape_cast %broadcast_in_dim3A_19 : vector<16xf32> to vector<1x16xf32>
      tpu.vector_store %arg9[%swap3A_62, %swap3A_63], %swap3A_66 {strides = array<i32>} : memref<8x128xf32, #tpu.memory_space<vmem>>, vector<1x16xf32>,
      %swap3A_67 = arith.constant 1 : i32
      %swap3A_68 = arith.index_cast %swap3A_67 : i32 to index
      %swap3A_69 = arith.constant 0 : index
      %swap3A_70 = tpu.vector_load %arg9[%swap3A_68, %swap3A_69] {strides = array<i32>} : memref<8x128xf32, #tpu.memory_space<vmem>>, vector<1x16xf32>,
      %swap3A_71 = vector.shape_cast %swap3A_70 : vector<1x16xf32> to vector<16xf32>
      %swap3A_72 = vector.shape_cast %broadcast_in_dim3A_19 : vector<16xf32> to vector<1x16xf32>
      tpu.vector_store %arg9[%swap3A_68, %swap3A_69], %swap3A_72 {strides = array<i32>} : memref<8x128xf32, #tpu.memory_space<vmem>>, vector<1x16xf32>,
      %swap3A_73 = arith.constant 1 : i32
      %swap3A_74 = arith.index_cast %swap3A_73 : i32 to index
      %swap3A_75 = arith.constant 16 : index
      %swap3A_76 = tpu.vector_load %arg9[%swap3A_74, %swap3A_75] {strides = array<i32>} : memref<8x128xf32, #tpu.memory_space<vmem>>, vector<1x16xf32>,
      %swap3A_77 = vector.shape_cast %swap3A_76 : vector<1x16xf32> to vector<16xf32>
      %swap3A_78 = vector.shape_cast %broadcast_in_dim3A_19 : vector<16xf32> to vector<1x16xf32>
      tpu.vector_store %arg9[%swap3A_74, %swap3A_75], %swap3A_78 {strides = array<i32>} : memref<8x128xf32, #tpu.memory_space<vmem>>, vector<1x16xf32>,
      %swap3A_79 = arith.constant 1 : i32
      %swap3A_80 = arith.index_cast %swap3A_79 : i32 to index
      %swap3A_81 = arith.constant 32 : index
      %swap3A_82 = tpu.vector_load %arg9[%swap3A_80, %swap3A_81] {strides = array<i32>} : memref<8x128xf32, #tpu.memory_space<vmem>>, vector<1x16xf32>,
      %swap3A_83 = vector.shape_cast %swap3A_82 : vector<1x16xf32> to vector<16xf32>
      %swap3A_84 = vector.shape_cast %broadcast_in_dim3A_19 : vector<16xf32> to vector<1x16xf32>
      tpu.vector_store %arg9[%swap3A_80, %swap3A_81], %swap3A_84 {strides = array<i32>} : memref<8x128xf32, #tpu.memory_space<vmem>>, vector<1x16xf32>,
      %swap3A_85 = arith.constant 1 : i32
      %swap3A_86 = arith.index_cast %swap3A_85 : i32 to index
      %swap3A_87 = arith.constant 48 : index
      %swap3A_88 = tpu.vector_load %arg9[%swap3A_86, %swap3A_87] {strides = array<i32>} : memref<8x128xf32, #tpu.memory_space<vmem>>, vector<1x16xf32>,
      %swap3A_89 = vector.shape_cast %swap3A_88 : vector<1x16xf32> to vector<16xf32>
      %swap3A_90 = vector.shape_cast %broadcast_in_dim3A_19 : vector<16xf32> to vector<1x16xf32>
      tpu.vector_store %arg9[%swap3A_86, %swap3A_87], %swap3A_90 {strides = array<i32>} : memref<8x128xf32, #tpu.memory_space<vmem>>, vector<1x16xf32>,
      %swap3A_91 = arith.constant 1 : i32
      %swap3A_92 = arith.index_cast %swap3A_91 : i32 to index
      %swap3A_93 = arith.constant 64 : index
      %swap3A_94 = tpu.vector_load %arg9[%swap3A_92, %swap3A_93] {strides = array<i32>} : memref<8x128xf32, #tpu.memory_space<vmem>>, vector<1x16xf32>,
      %swap3A_95 = vector.shape_cast %swap3A_94 : vector<1x16xf32> to vector<16xf32>
      %swap3A_96 = vector.shape_cast %broadcast_in_dim3A_19 : vector<16xf32> to vector<1x16xf32>
      tpu.vector_store %arg9[%swap3A_92, %swap3A_93], %swap3A_96 {strides = array<i32>} : memref<8x128xf32, #tpu.memory_space<vmem>>, vector<1x16xf32>,
      %swap3A_97 = arith.constant 1 : i32
      %swap3A_98 = arith.index_cast %swap3A_97 : i32 to index
      %swap3A_99 = arith.constant 80 : index
      %swap3A_100 = tpu.vector_load %arg9[%swap3A_98, %swap3A_99] {strides = array<i32>} : memref<8x128xf32, #tpu.memory_space<vmem>>, vector<1x16xf32>,
      %swap3A_101 = vector.shape_cast %swap3A_100 : vector<1x16xf32> to vector<16xf32>
      %swap3A_102 = vector.shape_cast %broadcast_in_dim3A_19 : vector<16xf32> to vector<1x16xf32>
      tpu.vector_store %arg9[%swap3A_98, %swap3A_99], %swap3A_102 {strides = array<i32>} : memref<8x128xf32, #tpu.memory_space<vmem>>, vector<1x16xf32>,
      %swap3A_103 = arith.constant 1 : i32
      %swap3A_104 = arith.index_cast %swap3A_103 : i32 to index
      %swap3A_105 = arith.constant 96 : index
      %swap3A_106 = tpu.vector_load %arg9[%swap3A_104, %swap3A_105] {strides = array<i32>} : memref<8x128xf32, #tpu.memory_space<vmem>>, vector<1x16xf32>,
      %swap3A_107 = vector.shape_cast %swap3A_106 : vector<1x16xf32> to vector<16xf32>
      %swap3A_108 = vector.shape_cast %broadcast_in_dim3A_19 : vector<16xf32> to vector<1x16xf32>
      tpu.vector_store %arg9[%swap3A_104, %swap3A_105], %swap3A_108 {strides = array<i32>} : memref<8x128xf32, #tpu.memory_space<vmem>>, vector<1x16xf32>,
      %swap3A_109 = arith.constant 1 : i32
      %swap3A_110 = arith.index_cast %swap3A_109 : i32 to index
      %swap3A_111 = arith.constant 112 : index
      %swap3A_112 = tpu.vector_load %arg9[%swap3A_110, %swap3A_111] {strides = array<i32>} : memref<8x128xf32, #tpu.memory_space<vmem>>, vector<1x16xf32>,
      %swap3A_113 = vector.shape_cast %swap3A_112 : vector<1x16xf32> to vector<16xf32>
      %swap3A_114 = vector.shape_cast %broadcast_in_dim3A_19 : vector<16xf32> to vector<1x16xf32>
      tpu.vector_store %arg9[%swap3A_110, %swap3A_111], %swap3A_114 {strides = array<i32>} : memref<8x128xf32, #tpu.memory_space<vmem>>, vector<1x16xf32>,
      %swap3A_115 = arith.constant 2 : i32
      %swap3A_116 = arith.index_cast %swap3A_115 : i32 to index
      %swap3A_117 = arith.constant 0 : index
      %swap3A_118 = tpu.vector_load %arg9[%swap3A_116, %swap3A_117] {strides = array<i32>} : memref<8x128xf32, #tpu.memory_space<vmem>>, vector<1x16xf32>,
      %swap3A_119 = vector.shape_cast %swap3A_118 : vector<1x16xf32> to vector<16xf32>
      %swap3A_120 = vector.shape_cast %broadcast_in_dim3A_19 : vector<16xf32> to vector<1x16xf32>
      tpu.vector_store %arg9[%swap3A_116, %swap3A_117], %swap3A_120 {strides = array<i32>} : memref<8x128xf32, #tpu.memory_space<vmem>>, vector<1x16xf32>,
      %swap3A_121 = arith.constant 2 : i32
      %swap3A_122 = arith.index_cast %swap3A_121 : i32 to index
      %swap3A_123 = arith.constant 16 : index
      %swap3A_124 = tpu.vector_load %arg9[%swap3A_122, %swap3A_123] {strides = array<i32>} : memref<8x128xf32, #tpu.memory_space<vmem>>, vector<1x16xf32>,
      %swap3A_125 = vector.shape_cast %swap3A_124 : vector<1x16xf32> to vector<16xf32>
      %swap3A_126 = vector.shape_cast %broadcast_in_dim3A_19 : vector<16xf32> to vector<1x16xf32>
      tpu.vector_store %arg9[%swap3A_122, %swap3A_123], %swap3A_126 {strides = array<i32>} : memref<8x128xf32, #tpu.memory_space<vmem>>, vector<1x16xf32>,
      %swap3A_127 = arith.constant 2 : i32
      %swap3A_128 = arith.index_cast %swap3A_127 : i32 to index
      %swap3A_129 = arith.constant 32 : index
      %swap3A_130 = tpu.vector_load %arg9[%swap3A_128, %swap3A_129] {strides = array<i32>} : memref<8x128xf32, #tpu.memory_space<vmem>>, vector<1x16xf32>,
      %swap3A_131 = vector.shape_cast %swap3A_130 : vector<1x16xf32> to vector<16xf32>
      %swap3A_132 = vector.shape_cast %broadcast_in_dim3A_19 : vector<16xf32> to vector<1x16xf32>
      tpu.vector_store %arg9[%swap3A_128, %swap3A_129], %swap3A_132 {strides = array<i32>} : memref<8x128xf32, #tpu.memory_space<vmem>>, vector<1x16xf32>,
      %swap3A_133 = arith.constant 2 : i32
      %swap3A_134 = arith.index_cast %swap3A_133 : i32 to index
      %swap3A_135 = arith.constant 48 : index
      %swap3A_136 = tpu.vector_load %arg9[%swap3A_134, %swap3A_135] {strides = array<i32>} : memref<8x128xf32, #tpu.memory_space<vmem>>, vector<1x16xf32>,
      %swap3A_137 = vector.shape_cast %swap3A_136 : vector<1x16xf32> to vector<16xf32>
      %swap3A_138 = vector.shape_cast %broadcast_in_dim3A_19 : vector<16xf32> to vector<1x16xf32>
      tpu.vector_store %arg9[%swap3A_134, %swap3A_135], %swap3A_138 {strides = array<i32>} : memref<8x128xf32, #tpu.memory_space<vmem>>, vector<1x16xf32>,
      %swap3A_139 = arith.constant 2 : i32
      %swap3A_140 = arith.index_cast %swap3A_139 : i32 to index
      %swap3A_141 = arith.constant 64 : index
      %swap3A_142 = tpu.vector_load %arg9[%swap3A_140, %swap3A_141] {strides = array<i32>} : memref<8x128xf32, #tpu.memory_space<vmem>>, vector<1x16xf32>,
      %swap3A_143 = vector.shape_cast %swap3A_142 : vector<1x16xf32> to vector<16xf32>
      %swap3A_144 = vector.shape_cast %broadcast_in_dim3A_19 : vector<16xf32> to vector<1x16xf32>
      tpu.vector_store %arg9[%swap3A_140, %swap3A_141], %swap3A_144 {strides = array<i32>} : memref<8x128xf32, #tpu.memory_space<vmem>>, vector<1x16xf32>,
      %swap3A_145 = arith.constant 2 : i32
      %swap3A_146 = arith.index_cast %swap3A_145 : i32 to index
      %swap3A_147 = arith.constant 80 : index
      %swap3A_148 = tpu.vector_load %arg9[%swap3A_146, %swap3A_147] {strides = array<i32>} : memref<8x128xf32, #tpu.memory_space<vmem>>, vector<1x16xf32>,
      %swap3A_149 = vector.shape_cast %swap3A_148 : vector<1x16xf32> to vector<16xf32>
      %swap3A_150 = vector.shape_cast %broadcast_in_dim3A_19 : vector<16xf32> to vector<1x16xf32>
      tpu.vector_store %arg9[%swap3A_146, %swap3A_147], %swap3A_150 {strides = array<i32>} : memref<8x128xf32, #tpu.memory_space<vmem>>, vector<1x16xf32>,
      %swap3A_151 = arith.constant 2 : i32
      %swap3A_152 = arith.index_cast %swap3A_151 : i32 to index
      %swap3A_153 = arith.constant 96 : index
      %swap3A_154 = tpu.vector_load %arg9[%swap3A_152, %swap3A_153] {strides = array<i32>} : memref<8x128xf32, #tpu.memory_space<vmem>>, vector<1x16xf32>,
      %swap3A_155 = vector.shape_cast %swap3A_154 : vector<1x16xf32> to vector<16xf32>
      %swap3A_156 = vector.shape_cast %broadcast_in_dim3A_19 : vector<16xf32> to vector<1x16xf32>
      tpu.vector_store %arg9[%swap3A_152, %swap3A_153], %swap3A_156 {strides = array<i32>} : memref<8x128xf32, #tpu.memory_space<vmem>>, vector<1x16xf32>,
      %swap3A_157 = arith.constant 2 : i32
      %swap3A_158 = arith.index_cast %swap3A_157 : i32 to index
      %swap3A_159 = arith.constant 112 : index
      %swap3A_160 = tpu.vector_load %arg9[%swap3A_158, %swap3A_159] {strides = array<i32>} : memref<8x128xf32, #tpu.memory_space<vmem>>, vector<1x16xf32>,
      %swap3A_161 = vector.shape_cast %swap3A_160 : vector<1x16xf32> to vector<16xf32>
      %swap3A_162 = vector.shape_cast %broadcast_in_dim3A_19 : vector<16xf32> to vector<1x16xf32>
      tpu.vector_store %arg9[%swap3A_158, %swap3A_159], %swap3A_162 {strides = array<i32>} : memref<8x128xf32, #tpu.memory_space<vmem>>, vector<1x16xf32>,
      %swap3A_163 = arith.constant 3 : i32
      %swap3A_164 = arith.index_cast %swap3A_163 : i32 to index
      %swap3A_165 = arith.constant 0 : index
      %swap3A_166 = tpu.vector_load %arg9[%swap3A_164, %swap3A_165] {strides = array<i32>} : memref<8x128xf32, #tpu.memory_space<vmem>>, vector<1x16xf32>,
      %swap3A_167 = vector.shape_cast %swap3A_166 : vector<1x16xf32> to vector<16xf32>
      %swap3A_168 = vector.shape_cast %broadcast_in_dim3A_19 : vector<16xf32> to vector<1x16xf32>
      tpu.vector_store %arg9[%swap3A_164, %swap3A_165], %swap3A_168 {strides = array<i32>} : memref<8x128xf32, #tpu.memory_space<vmem>>, vector<1x16xf32>,
      %swap3A_169 = arith.constant 3 : i32
      %swap3A_170 = arith.index_cast %swap3A_169 : i32 to index
      %swap3A_171 = arith.constant 16 : index
      %swap3A_172 = tpu.vector_load %arg9[%swap3A_170, %swap3A_171] {strides = array<i32>} : memref<8x128xf32, #tpu.memory_space<vmem>>, vector<1x16xf32>,
      %swap3A_173 = vector.shape_cast %swap3A_172 : vector<1x16xf32> to vector<16xf32>
      %swap3A_174 = vector.shape_cast %broadcast_in_dim3A_19 : vector<16xf32> to vector<1x16xf32>
      tpu.vector_store %arg9[%swap3A_170, %swap3A_171], %swap3A_174 {strides = array<i32>} : memref<8x128xf32, #tpu.memory_space<vmem>>, vector<1x16xf32>,
      %swap3A_175 = arith.constant 3 : i32
      %swap3A_176 = arith.index_cast %swap3A_175 : i32 to index
      %swap3A_177 = arith.constant 32 : index
      %swap3A_178 = tpu.vector_load %arg9[%swap3A_176, %swap3A_177] {strides = array<i32>} : memref<8x128xf32, #tpu.memory_space<vmem>>, vector<1x16xf32>,
      %swap3A_179 = vector.shape_cast %swap3A_178 : vector<1x16xf32> to vector<16xf32>
      %swap3A_180 = vector.shape_cast %broadcast_in_dim3A_19 : vector<16xf32> to vector<1x16xf32>
      tpu.vector_store %arg9[%swap3A_176, %swap3A_177], %swap3A_180 {strides = array<i32>} : memref<8x128xf32, #tpu.memory_space<vmem>>, vector<1x16xf32>,
      %swap3A_181 = arith.constant 3 : i32
      %swap3A_182 = arith.index_cast %swap3A_181 : i32 to index
      %swap3A_183 = arith.constant 48 : index
      %swap3A_184 = tpu.vector_load %arg9[%swap3A_182, %swap3A_183] {strides = array<i32>} : memref<8x128xf32, #tpu.memory_space<vmem>>, vector<1x16xf32>,
      %swap3A_185 = vector.shape_cast %swap3A_184 : vector<1x16xf32> to vector<16xf32>
      %swap3A_186 = vector.shape_cast %broadcast_in_dim3A_19 : vector<16xf32> to vector<1x16xf32>
      tpu.vector_store %arg9[%swap3A_182, %swap3A_183], %swap3A_186 {strides = array<i32>} : memref<8x128xf32, #tpu.memory_space<vmem>>, vector<1x16xf32>,
      %swap3A_187 = arith.constant 3 : i32
      %swap3A_188 = arith.index_cast %swap3A_187 : i32 to index
      %swap3A_189 = arith.constant 64 : index
      %swap3A_190 = tpu.vector_load %arg9[%swap3A_188, %swap3A_189] {strides = array<i32>} : memref<8x128xf32, #tpu.memory_space<vmem>>, vector<1x16xf32>,
      %swap3A_191 = vector.shape_cast %swap3A_190 : vector<1x16xf32> to vector<16xf32>
      %swap3A_192 = vector.shape_cast %broadcast_in_dim3A_19 : vector<16xf32> to vector<1x16xf32>
      tpu.vector_store %arg9[%swap3A_188, %swap3A_189], %swap3A_192 {strides = array<i32>} : memref<8x128xf32, #tpu.memory_space<vmem>>, vector<1x16xf32>,
      %swap3A_193 = arith.constant 3 : i32
      %swap3A_194 = arith.index_cast %swap3A_193 : i32 to index
      %swap3A_195 = arith.constant 80 : index
      %swap3A_196 = tpu.vector_load %arg9[%swap3A_194, %swap3A_195] {strides = array<i32>} : memref<8x128xf32, #tpu.memory_space<vmem>>, vector<1x16xf32>,
      %swap3A_197 = vector.shape_cast %swap3A_196 : vector<1x16xf32> to vector<16xf32>
      %swap3A_198 = vector.shape_cast %broadcast_in_dim3A_19 : vector<16xf32> to vector<1x16xf32>
      tpu.vector_store %arg9[%swap3A_194, %swap3A_195], %swap3A_198 {strides = array<i32>} : memref<8x128xf32, #tpu.memory_space<vmem>>, vector<1x16xf32>,
      %swap3A_199 = arith.constant 3 : i32
      %swap3A_200 = arith.index_cast %swap3A_199 : i32 to index
      %swap3A_201 = arith.constant 96 : index
      %swap3A_202 = tpu.vector_load %arg9[%swap3A_200, %swap3A_201] {strides = array<i32>} : memref<8x128xf32, #tpu.memory_space<vmem>>, vector<1x16xf32>,
      %swap3A_203 = vector.shape_cast %swap3A_202 : vector<1x16xf32> to vector<16xf32>
      %swap3A_204 = vector.shape_cast %broadcast_in_dim3A_19 : vector<16xf32> to vector<1x16xf32>
      tpu.vector_store %arg9[%swap3A_200, %swap3A_201], %swap3A_204 {strides = array<i32>} : memref<8x128xf32, #tpu.memory_space<vmem>>, vector<1x16xf32>,
      %swap3A_205 = arith.constant 3 : i32
      %swap3A_206 = arith.index_cast %swap3A_205 : i32 to index
      %swap3A_207 = arith.constant 112 : index
      %swap3A_208 = tpu.vector_load %arg9[%swap3A_206, %swap3A_207] {strides = array<i32>} : memref<8x128xf32, #tpu.memory_space<vmem>>, vector<1x16xf32>,
      %swap3A_209 = vector.shape_cast %swap3A_208 : vector<1x16xf32> to vector<16xf32>
      %swap3A_210 = vector.shape_cast %broadcast_in_dim3A_19 : vector<16xf32> to vector<1x16xf32>
      tpu.vector_store %arg9[%swap3A_206, %swap3A_207], %swap3A_210 {strides = array<i32>} : memref<8x128xf32, #tpu.memory_space<vmem>>, vector<1x16xf32>,
      %swap3A_211 = arith.constant 4 : i32
      %swap3A_212 = arith.index_cast %swap3A_211 : i32 to index
      %swap3A_213 = arith.constant 0 : index
      %swap3A_214 = tpu.vector_load %arg9[%swap3A_212, %swap3A_213] {strides = array<i32>} : memref<8x128xf32, #tpu.memory_space<vmem>>, vector<1x16xf32>,
      %swap3A_215 = vector.shape_cast %swap3A_214 : vector<1x16xf32> to vector<16xf32>
      %swap3A_216 = vector.shape_cast %broadcast_in_dim3A_19 : vector<16xf32> to vector<1x16xf32>
      tpu.vector_store %arg9[%swap3A_212, %swap3A_213], %swap3A_216 {strides = array<i32>} : memref<8x128xf32, #tpu.memory_space<vmem>>, vector<1x16xf32>,
      %swap3A_217 = arith.constant 4 : i32
      %swap3A_218 = arith.index_cast %swap3A_217 : i32 to index
      %swap3A_219 = arith.constant 16 : index
      %swap3A_220 = tpu.vector_load %arg9[%swap3A_218, %swap3A_219] {strides = array<i32>} : memref<8x128xf32, #tpu.memory_space<vmem>>, vector<1x16xf32>,
      %swap3A_221 = vector.shape_cast %swap3A_220 : vector<1x16xf32> to vector<16xf32>
      %swap3A_222 = vector.shape_cast %broadcast_in_dim3A_19 : vector<16xf32> to vector<1x16xf32>
      tpu.vector_store %arg9[%swap3A_218, %swap3A_219], %swap3A_222 {strides = array<i32>} : memref<8x128xf32, #tpu.memory_space<vmem>>, vector<1x16xf32>,
      %swap3A_223 = arith.constant 4 : i32
      %swap3A_224 = arith.index_cast %swap3A_223 : i32 to index
      %swap3A_225 = arith.constant 32 : index
      %swap3A_226 = tpu.vector_load %arg9[%swap3A_224, %swap3A_225] {strides = array<i32>} : memref<8x128xf32, #tpu.memory_space<vmem>>, vector<1x16xf32>,
      %swap3A_227 = vector.shape_cast %swap3A_226 : vector<1x16xf32> to vector<16xf32>
      %swap3A_228 = vector.shape_cast %broadcast_in_dim3A_19 : vector<16xf32> to vector<1x16xf32>
      tpu.vector_store %arg9[%swap3A_224, %swap3A_225], %swap3A_228 {strides = array<i32>} : memref<8x128xf32, #tpu.memory_space<vmem>>, vector<1x16xf32>,
      %swap3A_229 = arith.constant 4 : i32
      %swap3A_230 = arith.index_cast %swap3A_229 : i32 to index
      %swap3A_231 = arith.constant 48 : index
      %swap3A_232 = tpu.vector_load %arg9[%swap3A_230, %swap3A_231] {strides = array<i32>} : memref<8x128xf32, #tpu.memory_space<vmem>>, vector<1x16xf32>,
      %swap3A_233 = vector.shape_cast %swap3A_232 : vector<1x16xf32> to vector<16xf32>
      %swap3A_234 = vector.shape_cast %broadcast_in_dim3A_19 : vector<16xf32> to vector<1x16xf32>
      tpu.vector_store %arg9[%swap3A_230, %swap3A_231], %swap3A_234 {strides = array<i32>} : memref<8x128xf32, #tpu.memory_space<vmem>>, vector<1x16xf32>,
      %swap3A_235 = arith.constant 4 : i32
      %swap3A_236 = arith.index_cast %swap3A_235 : i32 to index
      %swap3A_237 = arith.constant 64 : index
      %swap3A_238 = tpu.vector_load %arg9[%swap3A_236, %swap3A_237] {strides = array<i32>} : memref<8x128xf32, #tpu.memory_space<vmem>>, vector<1x16xf32>,
      %swap3A_239 = vector.shape_cast %swap3A_238 : vector<1x16xf32> to vector<16xf32>
      %swap3A_240 = vector.shape_cast %broadcast_in_dim3A_19 : vector<16xf32> to vector<1x16xf32>
      tpu.vector_store %arg9[%swap3A_236, %swap3A_237], %swap3A_240 {strides = array<i32>} : memref<8x128xf32, #tpu.memory_space<vmem>>, vector<1x16xf32>,
      %swap3A_241 = arith.constant 4 : i32
      %swap3A_242 = arith.index_cast %swap3A_241 : i32 to index
      %swap3A_243 = arith.constant 80 : index
      %swap3A_244 = tpu.vector_load %arg9[%swap3A_242, %swap3A_243] {strides = array<i32>} : memref<8x128xf32, #tpu.memory_space<vmem>>, vector<1x16xf32>,
      %swap3A_245 = vector.shape_cast %swap3A_244 : vector<1x16xf32> to vector<16xf32>
      %swap3A_246 = vector.shape_cast %broadcast_in_dim3A_19 : vector<16xf32> to vector<1x16xf32>
      tpu.vector_store %arg9[%swap3A_242, %swap3A_243], %swap3A_246 {strides = array<i32>} : memref<8x128xf32, #tpu.memory_space<vmem>>, vector<1x16xf32>,
      %swap3A_247 = arith.constant 4 : i32
      %swap3A_248 = arith.index_cast %swap3A_247 : i32 to index
      %swap3A_249 = arith.constant 96 : index
      %swap3A_250 = tpu.vector_load %arg9[%swap3A_248, %swap3A_249] {strides = array<i32>} : memref<8x128xf32, #tpu.memory_space<vmem>>, vector<1x16xf32>,
      %swap3A_251 = vector.shape_cast %swap3A_250 : vector<1x16xf32> to vector<16xf32>
      %swap3A_252 = vector.shape_cast %broadcast_in_dim3A_19 : vector<16xf32> to vector<1x16xf32>
      tpu.vector_store %arg9[%swap3A_248, %swap3A_249], %swap3A_252 {strides = array<i32>} : memref<8x128xf32, #tpu.memory_space<vmem>>, vector<1x16xf32>,
      %swap3A_253 = arith.constant 4 : i32
      %swap3A_254 = arith.index_cast %swap3A_253 : i32 to index
      %swap3A_255 = arith.constant 112 : index
      %swap3A_256 = tpu.vector_load %arg9[%swap3A_254, %swap3A_255] {strides = array<i32>} : memref<8x128xf32, #tpu.memory_space<vmem>>, vector<1x16xf32>,
      %swap3A_257 = vector.shape_cast %swap3A_256 : vector<1x16xf32> to vector<16xf32>
      %swap3A_258 = vector.shape_cast %broadcast_in_dim3A_19 : vector<16xf32> to vector<1x16xf32>
      tpu.vector_store %arg9[%swap3A_254, %swap3A_255], %swap3A_258 {strides = array<i32>} : memref<8x128xf32, #tpu.memory_space<vmem>>, vector<1x16xf32>,
      %swap3A_259 = arith.constant 5 : i32
      %swap3A_260 = arith.index_cast %swap3A_259 : i32 to index
      %swap3A_261 = arith.constant 0 : index
      %swap3A_262 = tpu.vector_load %arg9[%swap3A_260, %swap3A_261] {strides = array<i32>} : memref<8x128xf32, #tpu.memory_space<vmem>>, vector<1x16xf32>,
      %swap3A_263 = vector.shape_cast %swap3A_262 : vector<1x16xf32> to vector<16xf32>
      %swap3A_264 = vector.shape_cast %broadcast_in_dim3A_19 : vector<16xf32> to vector<1x16xf32>
      tpu.vector_store %arg9[%swap3A_260, %swap3A_261], %swap3A_264 {strides = array<i32>} : memref<8x128xf32, #tpu.memory_space<vmem>>, vector<1x16xf32>,
      %swap3A_265 = arith.constant 5 : i32
      %swap3A_266 = arith.index_cast %swap3A_265 : i32 to index
      %swap3A_267 = arith.constant 16 : index
      %swap3A_268 = tpu.vector_load %arg9[%swap3A_266, %swap3A_267] {strides = array<i32>} : memref<8x128xf32, #tpu.memory_space<vmem>>, vector<1x16xf32>,
      %swap3A_269 = vector.shape_cast %swap3A_268 : vector<1x16xf32> to vector<16xf32>
      %swap3A_270 = vector.shape_cast %broadcast_in_dim3A_19 : vector<16xf32> to vector<1x16xf32>
      tpu.vector_store %arg9[%swap3A_266, %swap3A_267], %swap3A_270 {strides = array<i32>} : memref<8x128xf32, #tpu.memory_space<vmem>>, vector<1x16xf32>,
      %swap3A_271 = arith.constant 5 : i32
      %swap3A_272 = arith.index_cast %swap3A_271 : i32 to index
      %swap3A_273 = arith.constant 32 : index
      %swap3A_274 = tpu.vector_load %arg9[%swap3A_272, %swap3A_273] {strides = array<i32>} : memref<8x128xf32, #tpu.memory_space<vmem>>, vector<1x16xf32>,
      %swap3A_275 = vector.shape_cast %swap3A_274 : vector<1x16xf32> to vector<16xf32>
      %swap3A_276 = vector.shape_cast %broadcast_in_dim3A_19 : vector<16xf32> to vector<1x16xf32>
      tpu.vector_store %arg9[%swap3A_272, %swap3A_273], %swap3A_276 {strides = array<i32>} : memref<8x128xf32, #tpu.memory_space<vmem>>, vector<1x16xf32>,
      %swap3A_277 = arith.constant 5 : i32
      %swap3A_278 = arith.index_cast %swap3A_277 : i32 to index
      %swap3A_279 = arith.constant 48 : index
      %swap3A_280 = tpu.vector_load %arg9[%swap3A_278, %swap3A_279] {strides = array<i32>} : memref<8x128xf32, #tpu.memory_space<vmem>>, vector<1x16xf32>,
      %swap3A_281 = vector.shape_cast %swap3A_280 : vector<1x16xf32> to vector<16xf32>
      %swap3A_282 = vector.shape_cast %broadcast_in_dim3A_19 : vector<16xf32> to vector<1x16xf32>
      tpu.vector_store %arg9[%swap3A_278, %swap3A_279], %swap3A_282 {strides = array<i32>} : memref<8x128xf32, #tpu.memory_space<vmem>>, vector<1x16xf32>,
      %swap3A_283 = arith.constant 5 : i32
      %swap3A_284 = arith.index_cast %swap3A_283 : i32 to index
      %swap3A_285 = arith.constant 64 : index
      %swap3A_286 = tpu.vector_load %arg9[%swap3A_284, %swap3A_285] {strides = array<i32>} : memref<8x128xf32, #tpu.memory_space<vmem>>, vector<1x16xf32>,
      %swap3A_287 = vector.shape_cast %swap3A_286 : vector<1x16xf32> to vector<16xf32>
      %swap3A_288 = vector.shape_cast %broadcast_in_dim3A_19 : vector<16xf32> to vector<1x16xf32>
      tpu.vector_store %arg9[%swap3A_284, %swap3A_285], %swap3A_288 {strides = array<i32>} : memref<8x128xf32, #tpu.memory_space<vmem>>, vector<1x16xf32>,
      %swap3A_289 = arith.constant 5 : i32
      %swap3A_290 = arith.index_cast %swap3A_289 : i32 to index
      %swap3A_291 = arith.constant 80 : index
      %swap3A_292 = tpu.vector_load %arg9[%swap3A_290, %swap3A_291] {strides = array<i32>} : memref<8x128xf32, #tpu.memory_space<vmem>>, vector<1x16xf32>,
      %swap3A_293 = vector.shape_cast %swap3A_292 : vector<1x16xf32> to vector<16xf32>
      %swap3A_294 = vector.shape_cast %broadcast_in_dim3A_19 : vector<16xf32> to vector<1x16xf32>
      tpu.vector_store %arg9[%swap3A_290, %swap3A_291], %swap3A_294 {strides = array<i32>} : memref<8x128xf32, #tpu.memory_space<vmem>>, vector<1x16xf32>,
      %swap3A_295 = arith.constant 5 : i32
      %swap3A_296 = arith.index_cast %swap3A_295 : i32 to index
      %swap3A_297 = arith.constant 96 : index
      %swap3A_298 = tpu.vector_load %arg9[%swap3A_296, %swap3A_297] {strides = array<i32>} : memref<8x128xf32, #tpu.memory_space<vmem>>, vector<1x16xf32>,
      %swap3A_299 = vector.shape_cast %swap3A_298 : vector<1x16xf32> to vector<16xf32>
      %swap3A_300 = vector.shape_cast %broadcast_in_dim3A_19 : vector<16xf32> to vector<1x16xf32>
      tpu.vector_store %arg9[%swap3A_296, %swap3A_297], %swap3A_300 {strides = array<i32>} : memref<8x128xf32, #tpu.memory_space<vmem>>, vector<1x16xf32>,
      %swap3A_301 = arith.constant 5 : i32
      %swap3A_302 = arith.index_cast %swap3A_301 : i32 to index
      %swap3A_303 = arith.constant 112 : index
      %swap3A_304 = tpu.vector_load %arg9[%swap3A_302, %swap3A_303] {strides = array<i32>} : memref<8x128xf32, #tpu.memory_space<vmem>>, vector<1x16xf32>,
      %swap3A_305 = vector.shape_cast %swap3A_304 : vector<1x16xf32> to vector<16xf32>
      %swap3A_306 = vector.shape_cast %broadcast_in_dim3A_19 : vector<16xf32> to vector<1x16xf32>
      tpu.vector_store %arg9[%swap3A_302, %swap3A_303], %swap3A_306 {strides = array<i32>} : memref<8x128xf32, #tpu.memory_space<vmem>>, vector<1x16xf32>,
      %swap3A_307 = arith.constant 6 : i32
      %swap3A_308 = arith.index_cast %swap3A_307 : i32 to index
      %swap3A_309 = arith.constant 0 : index
      %swap3A_310 = tpu.vector_load %arg9[%swap3A_308, %swap3A_309] {strides = array<i32>} : memref<8x128xf32, #tpu.memory_space<vmem>>, vector<1x16xf32>,
      %swap3A_311 = vector.shape_cast %swap3A_310 : vector<1x16xf32> to vector<16xf32>
      %swap3A_312 = vector.shape_cast %broadcast_in_dim3A_19 : vector<16xf32> to vector<1x16xf32>
      tpu.vector_store %arg9[%swap3A_308, %swap3A_309], %swap3A_312 {strides = array<i32>} : memref<8x128xf32, #tpu.memory_space<vmem>>, vector<1x16xf32>,
      %swap3A_313 = arith.constant 6 : i32
      %swap3A_314 = arith.index_cast %swap3A_313 : i32 to index
      %swap3A_315 = arith.constant 16 : index
      %swap3A_316 = tpu.vector_load %arg9[%swap3A_314, %swap3A_315] {strides = array<i32>} : memref<8x128xf32, #tpu.memory_space<vmem>>, vector<1x16xf32>,
      %swap3A_317 = vector.shape_cast %swap3A_316 : vector<1x16xf32> to vector<16xf32>
      %swap3A_318 = vector.shape_cast %broadcast_in_dim3A_19 : vector<16xf32> to vector<1x16xf32>
      tpu.vector_store %arg9[%swap3A_314, %swap3A_315], %swap3A_318 {strides = array<i32>} : memref<8x128xf32, #tpu.memory_space<vmem>>, vector<1x16xf32>,
      %swap3A_319 = arith.constant 6 : i32
      %swap3A_320 = arith.index_cast %swap3A_319 : i32 to index
      %swap3A_321 = arith.constant 32 : index
      %swap3A_322 = tpu.vector_load %arg9[%swap3A_320, %swap3A_321] {strides = array<i32>} : memref<8x128xf32, #tpu.memory_space<vmem>>, vector<1x16xf32>,
      %swap3A_323 = vector.shape_cast %swap3A_322 : vector<1x16xf32> to vector<16xf32>
      %swap3A_324 = vector.shape_cast %broadcast_in_dim3A_19 : vector<16xf32> to vector<1x16xf32>
      tpu.vector_store %arg9[%swap3A_320, %swap3A_321], %swap3A_324 {strides = array<i32>} : memref<8x128xf32, #tpu.memory_space<vmem>>, vector<1x16xf32>,
      %swap3A_325 = arith.constant 6 : i32
      %swap3A_326 = arith.index_cast %swap3A_325 : i32 to index
      %swap3A_327 = arith.constant 48 : index
      %swap3A_328 = tpu.vector_load %arg9[%swap3A_326, %swap3A_327] {strides = array<i32>} : memref<8x128xf32, #tpu.memory_space<vmem>>, vector<1x16xf32>,
      %swap3A_329 = vector.shape_cast %swap3A_328 : vector<1x16xf32> to vector<16xf32>
      %swap3A_330 = vector.shape_cast %broadcast_in_dim3A_19 : vector<16xf32> to vector<1x16xf32>
      tpu.vector_store %arg9[%swap3A_326, %swap3A_327], %swap3A_330 {strides = array<i32>} : memref<8x128xf32, #tpu.memory_space<vmem>>, vector<1x16xf32>,
      %swap3A_331 = arith.constant 6 : i32
      %swap3A_332 = arith.index_cast %swap3A_331 : i32 to index
      %swap3A_333 = arith.constant 64 : index
      %swap3A_334 = tpu.vector_load %arg9[%swap3A_332, %swap3A_333] {strides = array<i32>} : memref<8x128xf32, #tpu.memory_space<vmem>>, vector<1x16xf32>,
      %swap3A_335 = vector.shape_cast %swap3A_334 : vector<1x16xf32> to vector<16xf32>
      %swap3A_336 = vector.shape_cast %broadcast_in_dim3A_19 : vector<16xf32> to vector<1x16xf32>
      tpu.vector_store %arg9[%swap3A_332, %swap3A_333], %swap3A_336 {strides = array<i32>} : memref<8x128xf32, #tpu.memory_space<vmem>>, vector<1x16xf32>,
      %swap3A_337 = arith.constant 6 : i32
      %swap3A_338 = arith.index_cast %swap3A_337 : i32 to index
      %swap3A_339 = arith.constant 80 : index
      %swap3A_340 = tpu.vector_load %arg9[%swap3A_338, %swap3A_339] {strides = array<i32>} : memref<8x128xf32, #tpu.memory_space<vmem>>, vector<1x16xf32>,
      %swap3A_341 = vector.shape_cast %swap3A_340 : vector<1x16xf32> to vector<16xf32>
      %swap3A_342 = vector.shape_cast %broadcast_in_dim3A_19 : vector<16xf32> to vector<1x16xf32>
      tpu.vector_store %arg9[%swap3A_338, %swap3A_339], %swap3A_342 {strides = array<i32>} : memref<8x128xf32, #tpu.memory_space<vmem>>, vector<1x16xf32>,
      %swap3A_343 = arith.constant 6 : i32
      %swap3A_344 = arith.index_cast %swap3A_343 : i32 to index
      %swap3A_345 = arith.constant 96 : index
      %swap3A_346 = tpu.vector_load %arg9[%swap3A_344, %swap3A_345] {strides = array<i32>} : memref<8x128xf32, #tpu.memory_space<vmem>>, vector<1x16xf32>,
      %swap3A_347 = vector.shape_cast %swap3A_346 : vector<1x16xf32> to vector<16xf32>
      %swap3A_348 = vector.shape_cast %broadcast_in_dim3A_19 : vector<16xf32> to vector<1x16xf32>
      tpu.vector_store %arg9[%swap3A_344, %swap3A_345], %swap3A_348 {strides = array<i32>} : memref<8x128xf32, #tpu.memory_space<vmem>>, vector<1x16xf32>,
      %swap3A_349 = arith.constant 6 : i32
      %swap3A_350 = arith.index_cast %swap3A_349 : i32 to index
      %swap3A_351 = arith.constant 112 : index
      %swap3A_352 = tpu.vector_load %arg9[%swap3A_350, %swap3A_351] {strides = array<i32>} : memref<8x128xf32, #tpu.memory_space<vmem>>, vector<1x16xf32>,
      %swap3A_353 = vector.shape_cast %swap3A_352 : vector<1x16xf32> to vector<16xf32>
      %swap3A_354 = vector.shape_cast %broadcast_in_dim3A_19 : vector<16xf32> to vector<1x16xf32>
      tpu.vector_store %arg9[%swap3A_350, %swap3A_351], %swap3A_354 {strides = array<i32>} : memref<8x128xf32, #tpu.memory_space<vmem>>, vector<1x16xf32>,
      %swap3A_355 = arith.constant 7 : i32
      %swap3A_356 = arith.index_cast %swap3A_355 : i32 to index
      %swap3A_357 = arith.constant 0 : index
      %swap3A_358 = tpu.vector_load %arg9[%swap3A_356, %swap3A_357] {strides = array<i32>} : memref<8x128xf32, #tpu.memory_space<vmem>>, vector<1x16xf32>,
      %swap3A_359 = vector.shape_cast %swap3A_358 : vector<1x16xf32> to vector<16xf32>
      %swap3A_360 = vector.shape_cast %broadcast_in_dim3A_19 : vector<16xf32> to vector<1x16xf32>
      tpu.vector_store %arg9[%swap3A_356, %swap3A_357], %swap3A_360 {strides = array<i32>} : memref<8x128xf32, #tpu.memory_space<vmem>>, vector<1x16xf32>,
      %swap3A_361 = arith.constant 7 : i32
      %swap3A_362 = arith.index_cast %swap3A_361 : i32 to index
      %swap3A_363 = arith.constant 16 : index
      %swap3A_364 = tpu.vector_load %arg9[%swap3A_362, %swap3A_363] {strides = array<i32>} : memref<8x128xf32, #tpu.memory_space<vmem>>, vector<1x16xf32>,
      %swap3A_365 = vector.shape_cast %swap3A_364 : vector<1x16xf32> to vector<16xf32>
      %swap3A_366 = vector.shape_cast %broadcast_in_dim3A_19 : vector<16xf32> to vector<1x16xf32>
      tpu.vector_store %arg9[%swap3A_362, %swap3A_363], %swap3A_366 {strides = array<i32>} : memref<8x128xf32, #tpu.memory_space<vmem>>, vector<1x16xf32>,
      %swap3A_367 = arith.constant 7 : i32
      %swap3A_368 = arith.index_cast %swap3A_367 : i32 to index
      %swap3A_369 = arith.constant 32 : index
      %swap3A_370 = tpu.vector_load %arg9[%swap3A_368, %swap3A_369] {strides = array<i32>} : memref<8x128xf32, #tpu.memory_space<vmem>>, vector<1x16xf32>,
      %swap3A_371 = vector.shape_cast %swap3A_370 : vector<1x16xf32> to vector<16xf32>
      %swap3A_372 = vector.shape_cast %broadcast_in_dim3A_19 : vector<16xf32> to vector<1x16xf32>
      tpu.vector_store %arg9[%swap3A_368, %swap3A_369], %swap3A_372 {strides = array<i32>} : memref<8x128xf32, #tpu.memory_space<vmem>>, vector<1x16xf32>,
      %swap3A_373 = arith.constant 7 : i32
      %swap3A_374 = arith.index_cast %swap3A_373 : i32 to index
      %swap3A_375 = arith.constant 48 : index
      %swap3A_376 = tpu.vector_load %arg9[%swap3A_374, %swap3A_375] {strides = array<i32>} : memref<8x128xf32, #tpu.memory_space<vmem>>, vector<1x16xf32>,
      %swap3A_377 = vector.shape_cast %swap3A_376 : vector<1x16xf32> to vector<16xf32>
      %swap3A_378 = vector.shape_cast %broadcast_in_dim3A_19 : vector<16xf32> to vector<1x16xf32>
      tpu.vector_store %arg9[%swap3A_374, %swap3A_375], %swap3A_378 {strides = array<i32>} : memref<8x128xf32, #tpu.memory_space<vmem>>, vector<1x16xf32>,
      %swap3A_379 = arith.constant 7 : i32
      %swap3A_380 = arith.index_cast %swap3A_379 : i32 to index
      %swap3A_381 = arith.constant 64 : index
      %swap3A_382 = tpu.vector_load %arg9[%swap3A_380, %swap3A_381] {strides = array<i32>} : memref<8x128xf32, #tpu.memory_space<vmem>>, vector<1x16xf32>,
      %swap3A_383 = vector.shape_cast %swap3A_382 : vector<1x16xf32> to vector<16xf32>
      %swap3A_384 = vector.shape_cast %broadcast_in_dim3A_19 : vector<16xf32> to vector<1x16xf32>
      tpu.vector_store %arg9[%swap3A_380, %swap3A_381], %swap3A_384 {strides = array<i32>} : memref<8x128xf32, #tpu.memory_space<vmem>>, vector<1x16xf32>,
      %swap3A_385 = arith.constant 7 : i32
      %swap3A_386 = arith.index_cast %swap3A_385 : i32 to index
      %swap3A_387 = arith.constant 80 : index
      %swap3A_388 = tpu.vector_load %arg9[%swap3A_386, %swap3A_387] {strides = array<i32>} : memref<8x128xf32, #tpu.memory_space<vmem>>, vector<1x16xf32>,
      %swap3A_389 = vector.shape_cast %swap3A_388 : vector<1x16xf32> to vector<16xf32>
      %swap3A_390 = vector.shape_cast %broadcast_in_dim3A_19 : vector<16xf32> to vector<1x16xf32>
      tpu.vector_store %arg9[%swap3A_386, %swap3A_387], %swap3A_390 {strides = array<i32>} : memref<8x128xf32, #tpu.memory_space<vmem>>, vector<1x16xf32>,
      %swap3A_391 = arith.constant 7 : i32
      %swap3A_392 = arith.index_cast %swap3A_391 : i32 to index
      %swap3A_393 = arith.constant 96 : index
      %swap3A_394 = tpu.vector_load %arg9[%swap3A_392, %swap3A_393] {strides = array<i32>} : memref<8x128xf32, #tpu.memory_space<vmem>>, vector<1x16xf32>,
      %swap3A_395 = vector.shape_cast %swap3A_394 : vector<1x16xf32> to vector<16xf32>
      %swap3A_396 = vector.shape_cast %broadcast_in_dim3A_19 : vector<16xf32> to vector<1x16xf32>
      tpu.vector_store %arg9[%swap3A_392, %swap3A_393], %swap3A_396 {strides = array<i32>} : memref<8x128xf32, #tpu.memory_space<vmem>>, vector<1x16xf32>,
      %swap3A_397 = arith.constant 7 : i32
      %swap3A_398 = arith.index_cast %swap3A_397 : i32 to index
      %swap3A_399 = arith.constant 112 : index
      %swap3A_400 = tpu.vector_load %arg9[%swap3A_398, %swap3A_399] {strides = array<i32>} : memref<8x128xf32, #tpu.memory_space<vmem>>, vector<1x16xf32>,
      %swap3A_401 = vector.shape_cast %swap3A_400 : vector<1x16xf32> to vector<16xf32>
      %swap3A_402 = vector.shape_cast %broadcast_in_dim3A_19 : vector<16xf32> to vector<1x16xf32>
      tpu.vector_store %arg9[%swap3A_398, %swap3A_399], %swap3A_402 {strides = array<i32>} : memref<8x128xf32, #tpu.memory_space<vmem>>, vector<1x16xf32>,
      %scan3A_403 = arith.constant 0 : i32
      %scan3A_404 = arith.constant 0 : i32
      %scan3A_405 = arith.constant 80 : i32
      %scan3A_406 = arith.addi %scan3A_404, %scan3A_405 : i32
      %scan3A_407 = arith.constant 1 : i32
      scf.for %scan3A_409 = %scan3A_404 to %scan3A_406 step %scan3A_407  : i32 {
        %mul3A_410 = arith.constant 8 : i32
        %mul3A_411 = arith.muli %scan3A_409, %mul3A_410 : i32
        %add3A_412 = arith.addi %multiple_of3A, %mul3A_411 : i32
        %multiple_of3A_413 = tpu.assume_multiple %add3A_412, 8 : i32
        "tpu.region"() ({
          %run_scoped3A = tpu.sem_alloc : memref<!tpu.dma_semaphore, #tpu.memory_space<semaphore_mem>>
          %dma_start3A = arith.constant 0 : i32
          %dma_start3A_414 = tpu.memref_slice %arg10[%multiple_of3A_413, %dma_start3A] : memref<10240x128xf32, #tpu.memory_space<vmem_shared>> -> memref<8x128xf32, #tpu.memory_space<vmem_shared>>
          %dma_start3A_415 = arith.constant 0 : i32
          %dma_start3A_416 = tpu.memref_slice %arg10[%multiple_of3A_413, %dma_start3A_415] : memref<10240x128xf32, #tpu.memory_space<vmem_shared>> -> memref<8x128xf32, #tpu.memory_space<vmem_shared>>
          tpu.enqueue_dma source(%arg9 : memref<8x128xf32, #tpu.memory_space<vmem>>) target(%dma_start3A_416 : memref<8x128xf32, #tpu.memory_space<vmem_shared>>) target_semaphore(%run_scoped3A : memref<!tpu.dma_semaphore, #tpu.memory_space<semaphore_mem>>)
          %dma_wait3A = arith.constant 0 : i32
          %dma_wait3A_417 = tpu.memref_slice %arg10[%multiple_of3A_413, %dma_wait3A] : memref<10240x128xf32, #tpu.memory_space<vmem_shared>> -> memref<8x128xf32, #tpu.memory_space<vmem_shared>>
          %dma_wait3A_418 = arith.constant 0 : i32
          %dma_wait3A_419 = tpu.memref_slice %arg10[%multiple_of3A_413, %dma_wait3A_418] : memref<10240x128xf32, #tpu.memory_space<vmem_shared>> -> memref<8x128xf32, #tpu.memory_space<vmem_shared>>
          tpu.wait_dma2 semaphore(%run_scoped3A : memref<!tpu.dma_semaphore, #tpu.memory_space<semaphore_mem>>) src(%arg9 : memref<8x128xf32, #tpu.memory_space<vmem>>) dst(%dma_wait3A_419 : memref<8x128xf32, #tpu.memory_space<vmem_shared>>)
          tpu.yield
        }) : () -> ()
      }
      %scan3A_408 = arith.constant 80 : i32
    } else {
    }
    %barrier3A = arith.constant 0 : index
    tpu.barrier barrier_id(%barrier3A)
    %mul3A_9 = arith.constant 79 : i32
    %mul3A_10 = arith.muli %add3A, %mul3A_9 : i32
    %mul3A_11 = arith.constant 128 : i32
    %mul3A_12 = arith.muli %mul3A_10, %mul3A_11 : i32
    %scan3A = arith.constant 0 : i32
    %scan3A_13 = arith.constant 0 : i32
    %scan3A_14 = arith.constant 79 : i32
    %scan3A_15 = arith.addi %scan3A_13, %scan3A_14 : i32
    %scan3A_16 = arith.constant 1 : i32
    scf.for %scan3A_19 = %scan3A_13 to %scan3A_15 step %scan3A_16  : i32 {
      %mul3A_20 = arith.constant 128 : i32
      %mul3A_21 = arith.muli %scan3A_19, %mul3A_20 : i32
      %add3A_22 = arith.addi %mul3A_12, %mul3A_21 : i32
      %multiple_of3A_23 = tpu.assume_multiple %add3A_22, 8 : i32
      "tpu.region"() ({
        %run_scoped3A = tpu.sem_alloc : memref<!tpu.dma_semaphore, #tpu.memory_space<semaphore_mem>>
        %dma_start3A_28 = tpu.memref_slice %arg3[%multiple_of3A_23] : memref<323584xi32, #tpu.memory_space<hbm>> -> memref<128xi32, #tpu.memory_space<hbm>>
        %dma_start3A_29 = tpu.memref_slice %arg3[%multiple_of3A_23] : memref<323584xi32, #tpu.memory_space<hbm>> -> memref<128xi32, #tpu.memory_space<hbm>>
        tpu.enqueue_dma source(%dma_start3A_29 : memref<128xi32, #tpu.memory_space<hbm>>) target(%arg6 : memref<128xi32, #tpu.memory_space<vmem>>) target_semaphore(%run_scoped3A : memref<!tpu.dma_semaphore, #tpu.memory_space<semaphore_mem>>)
        %dma_wait3A_30 = tpu.memref_slice %arg3[%multiple_of3A_23] : memref<323584xi32, #tpu.memory_space<hbm>> -> memref<128xi32, #tpu.memory_space<hbm>>
        %dma_wait3A_31 = tpu.memref_slice %arg3[%multiple_of3A_23] : memref<323584xi32, #tpu.memory_space<hbm>> -> memref<128xi32, #tpu.memory_space<hbm>>
        tpu.wait_dma2 semaphore(%run_scoped3A : memref<!tpu.dma_semaphore, #tpu.memory_space<semaphore_mem>>) src(%dma_wait3A_31 : memref<128xi32, #tpu.memory_space<hbm>>) dst(%arg6 : memref<128xi32, #tpu.memory_space<vmem>>)
        tpu.yield
      }) : () -> ()
      "tpu.region"() ({
        %run_scoped3A = tpu.sem_alloc : memref<!tpu.dma_semaphore, #tpu.memory_space<semaphore_mem>>
        %dma_start3A_28 = tpu.memref_slice %arg4[%multiple_of3A_23] : memref<323584xi32, #tpu.memory_space<hbm>> -> memref<128xi32, #tpu.memory_space<hbm>>
        %dma_start3A_29 = tpu.memref_slice %arg4[%multiple_of3A_23] : memref<323584xi32, #tpu.memory_space<hbm>> -> memref<128xi32, #tpu.memory_space<hbm>>
        tpu.enqueue_dma source(%dma_start3A_29 : memref<128xi32, #tpu.memory_space<hbm>>) target(%arg7 : memref<128xi32, #tpu.memory_space<vmem>>) target_semaphore(%run_scoped3A : memref<!tpu.dma_semaphore, #tpu.memory_space<semaphore_mem>>)
        %dma_wait3A_30 = tpu.memref_slice %arg4[%multiple_of3A_23] : memref<323584xi32, #tpu.memory_space<hbm>> -> memref<128xi32, #tpu.memory_space<hbm>>
        %dma_wait3A_31 = tpu.memref_slice %arg4[%multiple_of3A_23] : memref<323584xi32, #tpu.memory_space<hbm>> -> memref<128xi32, #tpu.memory_space<hbm>>
        tpu.wait_dma2 semaphore(%run_scoped3A : memref<!tpu.dma_semaphore, #tpu.memory_space<semaphore_mem>>) src(%dma_wait3A_31 : memref<128xi32, #tpu.memory_space<hbm>>) dst(%arg7 : memref<128xi32, #tpu.memory_space<vmem>>)
        tpu.yield
      }) : () -> ()
      %dma_start3A = arith.constant 0 : i32
      %dma_start3A_24 = arith.constant 0 : i32
      %dma_start3A_25 = tpu.memref_slice %arg2[%dma_start3A, %dma_start3A_24] : memref<10240x128xf32, #tpu.memory_space<hbm>> -> memref<10240x128xf32, #tpu.memory_space<hbm>>
      tpu.enqueue_indirect_dma source(%dma_start3A_25 : memref<10240x128xf32, #tpu.memory_space<hbm>>) target(%arg8 : memref<128x128xf32, #tpu.memory_space<vmem>>) offsets(%arg6 : memref<128xi32, #tpu.memory_space<vmem>>) semaphore(%arg11 : memref<!tpu.dma_semaphore, #tpu.memory_space<semaphore_mem>>)
      %dma_wait3A = arith.constant 0 : i32
      %dma_wait3A_26 = arith.constant 0 : i32
      %dma_wait3A_27 = tpu.memref_slice %arg2[%dma_wait3A, %dma_wait3A_26] : memref<10240x128xf32, #tpu.memory_space<hbm>> -> memref<10240x128xf32, #tpu.memory_space<hbm>>
      tpu.wait_indirect_dma semaphore(%arg11 : memref<!tpu.dma_semaphore, #tpu.memory_space<semaphore_mem>>) src(%dma_wait3A_27 : memref<10240x128xf32, #tpu.memory_space<hbm>>) dst(%arg8 : memref<128x128xf32, #tpu.memory_space<vmem>>)
      "tpu.region"() ({
        %run_scoped3A = tpu.sem_alloc : memref<!tpu.dma_semaphore, #tpu.memory_space<semaphore_mem>>
        %dma_start3A_28 = arith.constant 0 : i32
        %dma_start3A_29 = arith.constant 0 : i32
        %dma_start3A_30 = tpu.memref_slice %arg10[%dma_start3A_28, %dma_start3A_29] : memref<10240x128xf32, #tpu.memory_space<vmem_shared>> -> memref<10240x128xf32, #tpu.memory_space<vmem_shared>>
        tpu.enqueue_indirect_dma source(%arg8 : memref<128x128xf32, #tpu.memory_space<vmem>>) target(%dma_start3A_30 : memref<10240x128xf32, #tpu.memory_space<vmem_shared>>) offsets(%arg7 : memref<128xi32, #tpu.memory_space<vmem>>) semaphore(%run_scoped3A : memref<!tpu.dma_semaphore, #tpu.memory_space<semaphore_mem>>) {add = true}
        %dma_wait3A_31 = arith.constant 0 : i32
        %dma_wait3A_32 = arith.constant 0 : i32
        %dma_wait3A_33 = tpu.memref_slice %arg10[%dma_wait3A_31, %dma_wait3A_32] : memref<10240x128xf32, #tpu.memory_space<vmem_shared>> -> memref<10240x128xf32, #tpu.memory_space<vmem_shared>>
        tpu.wait_indirect_dma semaphore(%run_scoped3A : memref<!tpu.dma_semaphore, #tpu.memory_space<semaphore_mem>>) src(%arg8 : memref<128x128xf32, #tpu.memory_space<vmem>>) dst(%dma_wait3A_33 : memref<10240x128xf32, #tpu.memory_space<vmem_shared>>)
        tpu.yield
      }) : () -> ()
    }
    %scan3A_17 = arith.constant 79 : i32
    %barrier3A_18 = arith.constant 0 : index
    tpu.barrier barrier_id(%barrier3A_18)
    "tpu.region"() ({
      %run_scoped3A = tpu.sem_alloc : memref<!tpu.dma_semaphore, #tpu.memory_space<semaphore_mem>>
      %dma_start3A = arith.constant 0 : i32
      %dma_start3A_19 = tpu.memref_slice %arg5[%arg0, %multiple_of3A, %dma_start3A] : memref<2x10240x128xf32, #tpu.memory_space<hbm>> -> memref<1x640x128xf32, #tpu.memory_space<hbm>>
      %dma_start3A_20 = tpu.memref_squeeze %dma_start3A_19 : memref<1x640x128xf32, #tpu.memory_space<hbm>> -> memref<640x128xf32, #tpu.memory_space<hbm>>
      %dma_start3A_21 = arith.constant 0 : i32
      %dma_start3A_22 = tpu.memref_slice %arg10[%multiple_of3A, %dma_start3A_21] : memref<10240x128xf32, #tpu.memory_space<vmem_shared>> -> memref<640x128xf32, #tpu.memory_space<vmem_shared>>
      tpu.enqueue_dma source(%dma_start3A_22 : memref<640x128xf32, #tpu.memory_space<vmem_shared>>) target(%dma_start3A_20 : memref<640x128xf32, #tpu.memory_space<hbm>>) target_semaphore(%run_scoped3A : memref<!tpu.dma_semaphore, #tpu.memory_space<semaphore_mem>>)
      %dma_wait3A = arith.constant 0 : i32
      %dma_wait3A_23 = tpu.memref_slice %arg5[%arg0, %multiple_of3A, %dma_wait3A] : memref<2x10240x128xf32, #tpu.memory_space<hbm>> -> memref<1x640x128xf32, #tpu.memory_space<hbm>>
      %dma_wait3A_24 = tpu.memref_squeeze %dma_wait3A_23 : memref<1x640x128xf32, #tpu.memory_space<hbm>> -> memref<640x128xf32, #tpu.memory_space<hbm>>
      %dma_wait3A_25 = arith.constant 0 : i32
      %dma_wait3A_26 = tpu.memref_slice %arg10[%multiple_of3A, %dma_wait3A_25] : memref<10240x128xf32, #tpu.memory_space<vmem_shared>> -> memref<640x128xf32, #tpu.memory_space<vmem_shared>>
      tpu.wait_dma2 semaphore(%run_scoped3A : memref<!tpu.dma_semaphore, #tpu.memory_space<semaphore_mem>>) src(%dma_wait3A_26 : memref<640x128xf32, #tpu.memory_space<vmem_shared>>) dst(%dma_wait3A_24 : memref<640x128xf32, #tpu.memory_space<hbm>>)
      tpu.yield
    }) : () -> ()
    return
  }
}

#map = affine_map<(d0, d1) -> (0, 0)>
#map1 = affine_map<(d0, d1) -> (0)>
#map2 = affine_map<(d0, d1) -> (0, 0, 0)>
module attributes {stable_mosaic.version = 14 : i64} {
  func.func @scatter_kernel(%arg0: i32, %arg1: i32, %arg2: memref<10240x128xf32, #tpu.memory_space<hbm>>, %arg3: memref<323584xi32, #tpu.memory_space<hbm>>, %arg4: memref<323584xi32, #tpu.memory_space<hbm>>, %arg5: memref<2x10240x128xf32, #tpu.memory_space<hbm>>, %arg6: memref<128xi32, #tpu.memory_space<vmem>>, %arg7: memref<128xi32, #tpu.memory_space<vmem>>, %arg8: memref<128x128xf32, #tpu.memory_space<vmem>>, %arg9: memref<8x128xf32, #tpu.memory_space<vmem>>, %arg10: memref<10240x128xf32, #tpu.memory_space<vmem_shared>>, %arg11: memref<!tpu.dma_semaphore, #tpu.memory_space<semaphore_mem>>) attributes {dimension_semantics = [#tpu.dimension_semantics<core_parallel>, #tpu.dimension_semantics<subcore_parallel>], iteration_bounds = array<i64: 2, 16>, scalar_prefetch = 0 : i64, scratch_operands = 6 : i64, tpu.core_type = #tpu.core_type<sc_vector_subcore>, window_params = [{transform_indices = #map}, {transform_indices = #map1}, {transform_indices = #map1}, {transform_indices = #map2}]} {
    %mul3A = arith.constant 2 : i32
    %mul3A_0 = arith.muli %arg1, %mul3A : i32
    %add3A = arith.addi %mul3A_0, %arg0 : i32
    %mul3A_1 = arith.constant 640 : i32
    %mul3A_2 = arith.muli %arg1, %mul3A_1 : i32
    %multiple_of3A = tpu.assume_multiple %mul3A_2, 8 : i32
    %eq3A = arith.constant 0 : i32
    %eq3A_3 = arith.cmpi eq, %arg0, %eq3A : i32
    %convert_element_type3A = arith.extui %eq3A_3 : i1 to i32
    %cond3A = arith.constant 0 : i32
    %cond3A_4 = arith.cmpi ne, %convert_element_type3A, %cond3A : i32
    scf.if %cond3A_4 {
      "tpu.region"() ({
        %run_scoped3A = tpu.sem_alloc : memref<!tpu.dma_semaphore, #tpu.memory_space<semaphore_mem>>
        %dma_start3A = arith.constant 0 : i32
        %dma_start3A_19 = tpu.memref_slice %arg10[%multiple_of3A, %dma_start3A] : memref<10240x128xf32, #tpu.memory_space<vmem_shared>> -> memref<640x128xf32, #tpu.memory_space<vmem_shared>>
        %dma_start3A_20 = arith.constant 0 : i32
        %dma_start3A_21 = tpu.memref_slice %arg2[%multiple_of3A, %dma_start3A_20] : memref<10240x128xf32, #tpu.memory_space<hbm>> -> memref<640x128xf32, #tpu.memory_space<hbm>>
        tpu.enqueue_dma source(%dma_start3A_21 : memref<640x128xf32, #tpu.memory_space<hbm>>) target(%dma_start3A_19 : memref<640x128xf32, #tpu.memory_space<vmem_shared>>) target_semaphore(%run_scoped3A : memref<!tpu.dma_semaphore, #tpu.memory_space<semaphore_mem>>)
        %dma_wait3A = arith.constant 0 : i32
        %dma_wait3A_22 = tpu.memref_slice %arg10[%multiple_of3A, %dma_wait3A] : memref<10240x128xf32, #tpu.memory_space<vmem_shared>> -> memref<640x128xf32, #tpu.memory_space<vmem_shared>>
        %dma_wait3A_23 = arith.constant 0 : i32
        %dma_wait3A_24 = tpu.memref_slice %arg2[%multiple_of3A, %dma_wait3A_23] : memref<10240x128xf32, #tpu.memory_space<hbm>> -> memref<640x128xf32, #tpu.memory_space<hbm>>
        tpu.wait_dma2 semaphore(%run_scoped3A : memref<!tpu.dma_semaphore, #tpu.memory_space<semaphore_mem>>) src(%dma_wait3A_24 : memref<640x128xf32, #tpu.memory_space<hbm>>) dst(%dma_wait3A_22 : memref<640x128xf32, #tpu.memory_space<vmem_shared>>)
        tpu.yield
      }) : () -> ()
    } else {
    }
    %ne3A = arith.constant 0 : i32
    %ne3A_5 = arith.cmpi ne, %arg0, %ne3A : i32
    %convert_element_type3A_6 = arith.extui %ne3A_5 : i1 to i32
    %cond3A_7 = arith.constant 0 : i32
    %cond3A_8 = arith.cmpi ne, %convert_element_type3A_6, %cond3A_7 : i32
    scf.if %cond3A_8 {
      %broadcast_in_dim3A = arith.constant 0.000000e+00 : f32
      %broadcast_in_dim3A_19 = vector.broadcast %broadcast_in_dim3A : f32 to vector<16xf32>
      %swap3A = arith.constant 0 : i32
      %swap3A_20 = arith.index_cast %swap3A : i32 to index
      %swap3A_21 = arith.constant 0 : index
      %swap3A_22 = tpu.vector_load %arg9[%swap3A_20, %swap3A_21] {strides = array<i32>} : memref<8x128xf32, #tpu.memory_space<vmem>>, vector<1x16xf32>,
      %swap3A_23 = vector.shape_cast %swap3A_22 : vector<1x16xf32> to vector<16xf32>
      %swap3A_24 = vector.shape_cast %broadcast_in_dim3A_19 : vector<16xf32> to vector<1x16xf32>
      tpu.vector_store %arg9[%swap3A_20, %swap3A_21], %swap3A_24 {strides = array<i32>} : memref<8x128xf32, #tpu.memory_space<vmem>>, vector<1x16xf32>,
      %swap3A_25 = arith.constant 0 : i32
      %swap3A_26 = arith.index_cast %swap3A_25 : i32 to index
      %swap3A_27 = arith.constant 16 : index
      %swap3A_28 = tpu.vector_load %arg9[%swap3A_26, %swap3A_27] {strides = array<i32>} : memref<8x128xf32, #tpu.memory_space<vmem>>, vector<1x16xf32>,
      %swap3A_29 = vector.shape_cast %swap3A_28 : vector<1x16xf32> to vector<16xf32>
      %swap3A_30 = vector.shape_cast %broadcast_in_dim3A_19 : vector<16xf32> to vector<1x16xf32>
      tpu.vector_store %arg9[%swap3A_26, %swap3A_27], %swap3A_30 {strides = array<i32>} : memref<8x128xf32, #tpu.memory_space<vmem>>, vector<1x16xf32>,
      %swap3A_31 = arith.constant 0 : i32
      %swap3A_32 = arith.index_cast %swap3A_31 : i32 to index
      %swap3A_33 = arith.constant 32 : index
      %swap3A_34 = tpu.vector_load %arg9[%swap3A_32, %swap3A_33] {strides = array<i32>} : memref<8x128xf32, #tpu.memory_space<vmem>>, vector<1x16xf32>,
      %swap3A_35 = vector.shape_cast %swap3A_34 : vector<1x16xf32> to vector<16xf32>
      %swap3A_36 = vector.shape_cast %broadcast_in_dim3A_19 : vector<16xf32> to vector<1x16xf32>
      tpu.vector_store %arg9[%swap3A_32, %swap3A_33], %swap3A_36 {strides = array<i32>} : memref<8x128xf32, #tpu.memory_space<vmem>>, vector<1x16xf32>,
      %swap3A_37 = arith.constant 0 : i32
      %swap3A_38 = arith.index_cast %swap3A_37 : i32 to index
      %swap3A_39 = arith.constant 48 : index
      %swap3A_40 = tpu.vector_load %arg9[%swap3A_38, %swap3A_39] {strides = array<i32>} : memref<8x128xf32, #tpu.memory_space<vmem>>, vector<1x16xf32>,
      %swap3A_41 = vector.shape_cast %swap3A_40 : vector<1x16xf32> to vector<16xf32>
      %swap3A_42 = vector.shape_cast %broadcast_in_dim3A_19 : vector<16xf32> to vector<1x16xf32>
      tpu.vector_store %arg9[%swap3A_38, %swap3A_39], %swap3A_42 {strides = array<i32>} : memref<8x128xf32, #tpu.memory_space<vmem>>, vector<1x16xf32>,
      %swap3A_43 = arith.constant 0 : i32
      %swap3A_44 = arith.index_cast %swap3A_43 : i32 to index
      %swap3A_45 = arith.constant 64 : index
      %swap3A_46 = tpu.vector_load %arg9[%swap3A_44, %swap3A_45] {strides = array<i32>} : memref<8x128xf32, #tpu.memory_space<vmem>>, vector<1x16xf32>,
      %swap3A_47 = vector.shape_cast %swap3A_46 : vector<1x16xf32> to vector<16xf32>
      %swap3A_48 = vector.shape_cast %broadcast_in_dim3A_19 : vector<16xf32> to vector<1x16xf32>
      tpu.vector_store %arg9[%swap3A_44, %swap3A_45], %swap3A_48 {strides = array<i32>} : memref<8x128xf32, #tpu.memory_space<vmem>>, vector<1x16xf32>,
      %swap3A_49 = arith.constant 0 : i32
      %swap3A_50 = arith.index_cast %swap3A_49 : i32 to index
      %swap3A_51 = arith.constant 80 : index
      %swap3A_52 = tpu.vector_load %arg9[%swap3A_50, %swap3A_51] {strides = array<i32>} : memref<8x128xf32, #tpu.memory_space<vmem>>, vector<1x16xf32>,
      %swap3A_53 = vector.shape_cast %swap3A_52 : vector<1x16xf32> to vector<16xf32>
      %swap3A_54 = vector.shape_cast %broadcast_in_dim3A_19 : vector<16xf32> to vector<1x16xf32>
      tpu.vector_store %arg9[%swap3A_50, %swap3A_51], %swap3A_54 {strides = array<i32>} : memref<8x128xf32, #tpu.memory_space<vmem>>, vector<1x16xf32>,
      %swap3A_55 = arith.constant 0 : i32
      %swap3A_56 = arith.index_cast %swap3A_55 : i32 to index
      %swap3A_57 = arith.constant 96 : index
      %swap3A_58 = tpu.vector_load %arg9[%swap3A_56, %swap3A_57] {strides = array<i32>} : memref<8x128xf32, #tpu.memory_space<vmem>>, vector<1x16xf32>,
      %swap3A_59 = vector.shape_cast %swap3A_58 : vector<1x16xf32> to vector<16xf32>
      %swap3A_60 = vector.shape_cast %broadcast_in_dim3A_19 : vector<16xf32> to vector<1x16xf32>
      tpu.vector_store %arg9[%swap3A_56, %swap3A_57], %swap3A_60 {strides = array<i32>} : memref<8x128xf32, #tpu.memory_space<vmem>>, vector<1x16xf32>,
      %swap3A_61 = arith.constant 0 : i32
      %swap3A_62 = arith.index_cast %swap3A_61 : i32 to index
      %swap3A_63 = arith.constant 112 : index
      %swap3A_64 = tpu.vector_load %arg9[%swap3A_62, %swap3A_63] {strides = array<i32>} : memref<8x128xf32, #tpu.memory_space<vmem>>, vector<1x16xf32>,
      %swap3A_65 = vector.shape_cast %swap3A_64 : vector<1x16xf32> to vector<16xf32>
      %swap3A_66 = vector.shape_cast %broadcast_in_dim3A_19 : vector<16xf32> to vector<1x16xf32>
      tpu.vector_store %arg9[%swap3A_62, %swap3A_63], %swap3A_66 {strides = array<i32>} : memref<8x128xf32, #tpu.memory_space<vmem>>, vector<1x16xf32>,
      %swap3A_67 = arith.constant 1 : i32
      %swap3A_68 = arith.index_cast %swap3A_67 : i32 to index
      %swap3A_69 = arith.constant 0 : index
      %swap3A_70 = tpu.vector_load %arg9[%swap3A_68, %swap3A_69] {strides = array<i32>} : memref<8x128xf32, #tpu.memory_space<vmem>>, vector<1x16xf32>,
      %swap3A_71 = vector.shape_cast %swap3A_70 : vector<1x16xf32> to vector<16xf32>
      %swap3A_72 = vector.shape_cast %broadcast_in_dim3A_19 : vector<16xf32> to vector<1x16xf32>
      tpu.vector_store %arg9[%swap3A_68, %swap3A_69], %swap3A_72 {strides = array<i32>} : memref<8x128xf32, #tpu.memory_space<vmem>>, vector<1x16xf32>,
      %swap3A_73 = arith.constant 1 : i32
      %swap3A_74 = arith.index_cast %swap3A_73 : i32 to index
      %swap3A_75 = arith.constant 16 : index
      %swap3A_76 = tpu.vector_load %arg9[%swap3A_74, %swap3A_75] {strides = array<i32>} : memref<8x128xf32, #tpu.memory_space<vmem>>, vector<1x16xf32>,
      %swap3A_77 = vector.shape_cast %swap3A_76 : vector<1x16xf32> to vector<16xf32>
      %swap3A_78 = vector.shape_cast %broadcast_in_dim3A_19 : vector<16xf32> to vector<1x16xf32>
      tpu.vector_store %arg9[%swap3A_74, %swap3A_75], %swap3A_78 {strides = array<i32>} : memref<8x128xf32, #tpu.memory_space<vmem>>, vector<1x16xf32>,
      %swap3A_79 = arith.constant 1 : i32
      %swap3A_80 = arith.index_cast %swap3A_79 : i32 to index
      %swap3A_81 = arith.constant 32 : index
      %swap3A_82 = tpu.vector_load %arg9[%swap3A_80, %swap3A_81] {strides = array<i32>} : memref<8x128xf32, #tpu.memory_space<vmem>>, vector<1x16xf32>,
      %swap3A_83 = vector.shape_cast %swap3A_82 : vector<1x16xf32> to vector<16xf32>
      %swap3A_84 = vector.shape_cast %broadcast_in_dim3A_19 : vector<16xf32> to vector<1x16xf32>
      tpu.vector_store %arg9[%swap3A_80, %swap3A_81], %swap3A_84 {strides = array<i32>} : memref<8x128xf32, #tpu.memory_space<vmem>>, vector<1x16xf32>,
      %swap3A_85 = arith.constant 1 : i32
      %swap3A_86 = arith.index_cast %swap3A_85 : i32 to index
      %swap3A_87 = arith.constant 48 : index
      %swap3A_88 = tpu.vector_load %arg9[%swap3A_86, %swap3A_87] {strides = array<i32>} : memref<8x128xf32, #tpu.memory_space<vmem>>, vector<1x16xf32>,
      %swap3A_89 = vector.shape_cast %swap3A_88 : vector<1x16xf32> to vector<16xf32>
      %swap3A_90 = vector.shape_cast %broadcast_in_dim3A_19 : vector<16xf32> to vector<1x16xf32>
      tpu.vector_store %arg9[%swap3A_86, %swap3A_87], %swap3A_90 {strides = array<i32>} : memref<8x128xf32, #tpu.memory_space<vmem>>, vector<1x16xf32>,
      %swap3A_91 = arith.constant 1 : i32
      %swap3A_92 = arith.index_cast %swap3A_91 : i32 to index
      %swap3A_93 = arith.constant 64 : index
      %swap3A_94 = tpu.vector_load %arg9[%swap3A_92, %swap3A_93] {strides = array<i32>} : memref<8x128xf32, #tpu.memory_space<vmem>>, vector<1x16xf32>,
      %swap3A_95 = vector.shape_cast %swap3A_94 : vector<1x16xf32> to vector<16xf32>
      %swap3A_96 = vector.shape_cast %broadcast_in_dim3A_19 : vector<16xf32> to vector<1x16xf32>
      tpu.vector_store %arg9[%swap3A_92, %swap3A_93], %swap3A_96 {strides = array<i32>} : memref<8x128xf32, #tpu.memory_space<vmem>>, vector<1x16xf32>,
      %swap3A_97 = arith.constant 1 : i32
      %swap3A_98 = arith.index_cast %swap3A_97 : i32 to index
      %swap3A_99 = arith.constant 80 : index
      %swap3A_100 = tpu.vector_load %arg9[%swap3A_98, %swap3A_99] {strides = array<i32>} : memref<8x128xf32, #tpu.memory_space<vmem>>, vector<1x16xf32>,
      %swap3A_101 = vector.shape_cast %swap3A_100 : vector<1x16xf32> to vector<16xf32>
      %swap3A_102 = vector.shape_cast %broadcast_in_dim3A_19 : vector<16xf32> to vector<1x16xf32>
      tpu.vector_store %arg9[%swap3A_98, %swap3A_99], %swap3A_102 {strides = array<i32>} : memref<8x128xf32, #tpu.memory_space<vmem>>, vector<1x16xf32>,
      %swap3A_103 = arith.constant 1 : i32
      %swap3A_104 = arith.index_cast %swap3A_103 : i32 to index
      %swap3A_105 = arith.constant 96 : index
      %swap3A_106 = tpu.vector_load %arg9[%swap3A_104, %swap3A_105] {strides = array<i32>} : memref<8x128xf32, #tpu.memory_space<vmem>>, vector<1x16xf32>,
      %swap3A_107 = vector.shape_cast %swap3A_106 : vector<1x16xf32> to vector<16xf32>
      %swap3A_108 = vector.shape_cast %broadcast_in_dim3A_19 : vector<16xf32> to vector<1x16xf32>
      tpu.vector_store %arg9[%swap3A_104, %swap3A_105], %swap3A_108 {strides = array<i32>} : memref<8x128xf32, #tpu.memory_space<vmem>>, vector<1x16xf32>,
      %swap3A_109 = arith.constant 1 : i32
      %swap3A_110 = arith.index_cast %swap3A_109 : i32 to index
      %swap3A_111 = arith.constant 112 : index
      %swap3A_112 = tpu.vector_load %arg9[%swap3A_110, %swap3A_111] {strides = array<i32>} : memref<8x128xf32, #tpu.memory_space<vmem>>, vector<1x16xf32>,
      %swap3A_113 = vector.shape_cast %swap3A_112 : vector<1x16xf32> to vector<16xf32>
      %swap3A_114 = vector.shape_cast %broadcast_in_dim3A_19 : vector<16xf32> to vector<1x16xf32>
      tpu.vector_store %arg9[%swap3A_110, %swap3A_111], %swap3A_114 {strides = array<i32>} : memref<8x128xf32, #tpu.memory_space<vmem>>, vector<1x16xf32>,
      %swap3A_115 = arith.constant 2 : i32
      %swap3A_116 = arith.index_cast %swap3A_115 : i32 to index
      %swap3A_117 = arith.constant 0 : index
      %swap3A_118 = tpu.vector_load %arg9[%swap3A_116, %swap3A_117] {strides = array<i32>} : memref<8x128xf32, #tpu.memory_space<vmem>>, vector<1x16xf32>,
      %swap3A_119 = vector.shape_cast %swap3A_118 : vector<1x16xf32> to vector<16xf32>
      %swap3A_120 = vector.shape_cast %broadcast_in_dim3A_19 : vector<16xf32> to vector<1x16xf32>
      tpu.vector_store %arg9[%swap3A_116, %swap3A_117], %swap3A_120 {strides = array<i32>} : memref<8x128xf32, #tpu.memory_space<vmem>>, vector<1x16xf32>,
      %swap3A_121 = arith.constant 2 : i32
      %swap3A_122 = arith.index_cast %swap3A_121 : i32 to index
      %swap3A_123 = arith.constant 16 : index
      %swap3A_124 = tpu.vector_load %arg9[%swap3A_122, %swap3A_123] {strides = array<i32>} : memref<8x128xf32, #tpu.memory_space<vmem>>, vector<1x16xf32>,
      %swap3A_125 = vector.shape_cast %swap3A_124 : vector<1x16xf32> to vector<16xf32>
      %swap3A_126 = vector.shape_cast %broadcast_in_dim3A_19 : vector<16xf32> to vector<1x16xf32>
      tpu.vector_store %arg9[%swap3A_122, %swap3A_123], %swap3A_126 {strides = array<i32>} : memref<8x128xf32, #tpu.memory_space<vmem>>, vector<1x16xf32>,
      %swap3A_127 = arith.constant 2 : i32
      %swap3A_128 = arith.index_cast %swap3A_127 : i32 to index
      %swap3A_129 = arith.constant 32 : index
      %swap3A_130 = tpu.vector_load %arg9[%swap3A_128, %swap3A_129] {strides = array<i32>} : memref<8x128xf32, #tpu.memory_space<vmem>>, vector<1x16xf32>,
      %swap3A_131 = vector.shape_cast %swap3A_130 : vector<1x16xf32> to vector<16xf32>
      %swap3A_132 = vector.shape_cast %broadcast_in_dim3A_19 : vector<16xf32> to vector<1x16xf32>
      tpu.vector_store %arg9[%swap3A_128, %swap3A_129], %swap3A_132 {strides = array<i32>} : memref<8x128xf32, #tpu.memory_space<vmem>>, vector<1x16xf32>,
      %swap3A_133 = arith.constant 2 : i32
      %swap3A_134 = arith.index_cast %swap3A_133 : i32 to index
      %swap3A_135 = arith.constant 48 : index
      %swap3A_136 = tpu.vector_load %arg9[%swap3A_134, %swap3A_135] {strides = array<i32>} : memref<8x128xf32, #tpu.memory_space<vmem>>, vector<1x16xf32>,
      %swap3A_137 = vector.shape_cast %swap3A_136 : vector<1x16xf32> to vector<16xf32>
      %swap3A_138 = vector.shape_cast %broadcast_in_dim3A_19 : vector<16xf32> to vector<1x16xf32>
      tpu.vector_store %arg9[%swap3A_134, %swap3A_135], %swap3A_138 {strides = array<i32>} : memref<8x128xf32, #tpu.memory_space<vmem>>, vector<1x16xf32>,
      %swap3A_139 = arith.constant 2 : i32
      %swap3A_140 = arith.index_cast %swap3A_139 : i32 to index
      %swap3A_141 = arith.constant 64 : index
      %swap3A_142 = tpu.vector_load %arg9[%swap3A_140, %swap3A_141] {strides = array<i32>} : memref<8x128xf32, #tpu.memory_space<vmem>>, vector<1x16xf32>,
      %swap3A_143 = vector.shape_cast %swap3A_142 : vector<1x16xf32> to vector<16xf32>
      %swap3A_144 = vector.shape_cast %broadcast_in_dim3A_19 : vector<16xf32> to vector<1x16xf32>
      tpu.vector_store %arg9[%swap3A_140, %swap3A_141], %swap3A_144 {strides = array<i32>} : memref<8x128xf32, #tpu.memory_space<vmem>>, vector<1x16xf32>,
      %swap3A_145 = arith.constant 2 : i32
      %swap3A_146 = arith.index_cast %swap3A_145 : i32 to index
      %swap3A_147 = arith.constant 80 : index
      %swap3A_148 = tpu.vector_load %arg9[%swap3A_146, %swap3A_147] {strides = array<i32>} : memref<8x128xf32, #tpu.memory_space<vmem>>, vector<1x16xf32>,
      %swap3A_149 = vector.shape_cast %swap3A_148 : vector<1x16xf32> to vector<16xf32>
      %swap3A_150 = vector.shape_cast %broadcast_in_dim3A_19 : vector<16xf32> to vector<1x16xf32>
      tpu.vector_store %arg9[%swap3A_146, %swap3A_147], %swap3A_150 {strides = array<i32>} : memref<8x128xf32, #tpu.memory_space<vmem>>, vector<1x16xf32>,
      %swap3A_151 = arith.constant 2 : i32
      %swap3A_152 = arith.index_cast %swap3A_151 : i32 to index
      %swap3A_153 = arith.constant 96 : index
      %swap3A_154 = tpu.vector_load %arg9[%swap3A_152, %swap3A_153] {strides = array<i32>} : memref<8x128xf32, #tpu.memory_space<vmem>>, vector<1x16xf32>,
      %swap3A_155 = vector.shape_cast %swap3A_154 : vector<1x16xf32> to vector<16xf32>
      %swap3A_156 = vector.shape_cast %broadcast_in_dim3A_19 : vector<16xf32> to vector<1x16xf32>
      tpu.vector_store %arg9[%swap3A_152, %swap3A_153], %swap3A_156 {strides = array<i32>} : memref<8x128xf32, #tpu.memory_space<vmem>>, vector<1x16xf32>,
      %swap3A_157 = arith.constant 2 : i32
      %swap3A_158 = arith.index_cast %swap3A_157 : i32 to index
      %swap3A_159 = arith.constant 112 : index
      %swap3A_160 = tpu.vector_load %arg9[%swap3A_158, %swap3A_159] {strides = array<i32>} : memref<8x128xf32, #tpu.memory_space<vmem>>, vector<1x16xf32>,
      %swap3A_161 = vector.shape_cast %swap3A_160 : vector<1x16xf32> to vector<16xf32>
      %swap3A_162 = vector.shape_cast %broadcast_in_dim3A_19 : vector<16xf32> to vector<1x16xf32>
      tpu.vector_store %arg9[%swap3A_158, %swap3A_159], %swap3A_162 {strides = array<i32>} : memref<8x128xf32, #tpu.memory_space<vmem>>, vector<1x16xf32>,
      %swap3A_163 = arith.constant 3 : i32
      %swap3A_164 = arith.index_cast %swap3A_163 : i32 to index
      %swap3A_165 = arith.constant 0 : index
      %swap3A_166 = tpu.vector_load %arg9[%swap3A_164, %swap3A_165] {strides = array<i32>} : memref<8x128xf32, #tpu.memory_space<vmem>>, vector<1x16xf32>,
      %swap3A_167 = vector.shape_cast %swap3A_166 : vector<1x16xf32> to vector<16xf32>
      %swap3A_168 = vector.shape_cast %broadcast_in_dim3A_19 : vector<16xf32> to vector<1x16xf32>
      tpu.vector_store %arg9[%swap3A_164, %swap3A_165], %swap3A_168 {strides = array<i32>} : memref<8x128xf32, #tpu.memory_space<vmem>>, vector<1x16xf32>,
      %swap3A_169 = arith.constant 3 : i32
      %swap3A_170 = arith.index_cast %swap3A_169 : i32 to index
      %swap3A_171 = arith.constant 16 : index
      %swap3A_172 = tpu.vector_load %arg9[%swap3A_170, %swap3A_171] {strides = array<i32>} : memref<8x128xf32, #tpu.memory_space<vmem>>, vector<1x16xf32>,
      %swap3A_173 = vector.shape_cast %swap3A_172 : vector<1x16xf32> to vector<16xf32>
      %swap3A_174 = vector.shape_cast %broadcast_in_dim3A_19 : vector<16xf32> to vector<1x16xf32>
      tpu.vector_store %arg9[%swap3A_170, %swap3A_171], %swap3A_174 {strides = array<i32>} : memref<8x128xf32, #tpu.memory_space<vmem>>, vector<1x16xf32>,
      %swap3A_175 = arith.constant 3 : i32
      %swap3A_176 = arith.index_cast %swap3A_175 : i32 to index
      %swap3A_177 = arith.constant 32 : index
      %swap3A_178 = tpu.vector_load %arg9[%swap3A_176, %swap3A_177] {strides = array<i32>} : memref<8x128xf32, #tpu.memory_space<vmem>>, vector<1x16xf32>,
      %swap3A_179 = vector.shape_cast %swap3A_178 : vector<1x16xf32> to vector<16xf32>
      %swap3A_180 = vector.shape_cast %broadcast_in_dim3A_19 : vector<16xf32> to vector<1x16xf32>
      tpu.vector_store %arg9[%swap3A_176, %swap3A_177], %swap3A_180 {strides = array<i32>} : memref<8x128xf32, #tpu.memory_space<vmem>>, vector<1x16xf32>,
      %swap3A_181 = arith.constant 3 : i32
      %swap3A_182 = arith.index_cast %swap3A_181 : i32 to index
      %swap3A_183 = arith.constant 48 : index
      %swap3A_184 = tpu.vector_load %arg9[%swap3A_182, %swap3A_183] {strides = array<i32>} : memref<8x128xf32, #tpu.memory_space<vmem>>, vector<1x16xf32>,
      %swap3A_185 = vector.shape_cast %swap3A_184 : vector<1x16xf32> to vector<16xf32>
      %swap3A_186 = vector.shape_cast %broadcast_in_dim3A_19 : vector<16xf32> to vector<1x16xf32>
      tpu.vector_store %arg9[%swap3A_182, %swap3A_183], %swap3A_186 {strides = array<i32>} : memref<8x128xf32, #tpu.memory_space<vmem>>, vector<1x16xf32>,
      %swap3A_187 = arith.constant 3 : i32
      %swap3A_188 = arith.index_cast %swap3A_187 : i32 to index
      %swap3A_189 = arith.constant 64 : index
      %swap3A_190 = tpu.vector_load %arg9[%swap3A_188, %swap3A_189] {strides = array<i32>} : memref<8x128xf32, #tpu.memory_space<vmem>>, vector<1x16xf32>,
      %swap3A_191 = vector.shape_cast %swap3A_190 : vector<1x16xf32> to vector<16xf32>
      %swap3A_192 = vector.shape_cast %broadcast_in_dim3A_19 : vector<16xf32> to vector<1x16xf32>
      tpu.vector_store %arg9[%swap3A_188, %swap3A_189], %swap3A_192 {strides = array<i32>} : memref<8x128xf32, #tpu.memory_space<vmem>>, vector<1x16xf32>,
      %swap3A_193 = arith.constant 3 : i32
      %swap3A_194 = arith.index_cast %swap3A_193 : i32 to index
      %swap3A_195 = arith.constant 80 : index
      %swap3A_196 = tpu.vector_load %arg9[%swap3A_194, %swap3A_195] {strides = array<i32>} : memref<8x128xf32, #tpu.memory_space<vmem>>, vector<1x16xf32>,
      %swap3A_197 = vector.shape_cast %swap3A_196 : vector<1x16xf32> to vector<16xf32>
      %swap3A_198 = vector.shape_cast %broadcast_in_dim3A_19 : vector<16xf32> to vector<1x16xf32>
      tpu.vector_store %arg9[%swap3A_194, %swap3A_195], %swap3A_198 {strides = array<i32>} : memref<8x128xf32, #tpu.memory_space<vmem>>, vector<1x16xf32>,
      %swap3A_199 = arith.constant 3 : i32
      %swap3A_200 = arith.index_cast %swap3A_199 : i32 to index
      %swap3A_201 = arith.constant 96 : index
      %swap3A_202 = tpu.vector_load %arg9[%swap3A_200, %swap3A_201] {strides = array<i32>} : memref<8x128xf32, #tpu.memory_space<vmem>>, vector<1x16xf32>,
      %swap3A_203 = vector.shape_cast %swap3A_202 : vector<1x16xf32> to vector<16xf32>
      %swap3A_204 = vector.shape_cast %broadcast_in_dim3A_19 : vector<16xf32> to vector<1x16xf32>
      tpu.vector_store %arg9[%swap3A_200, %swap3A_201], %swap3A_204 {strides = array<i32>} : memref<8x128xf32, #tpu.memory_space<vmem>>, vector<1x16xf32>,
      %swap3A_205 = arith.constant 3 : i32
      %swap3A_206 = arith.index_cast %swap3A_205 : i32 to index
      %swap3A_207 = arith.constant 112 : index
      %swap3A_208 = tpu.vector_load %arg9[%swap3A_206, %swap3A_207] {strides = array<i32>} : memref<8x128xf32, #tpu.memory_space<vmem>>, vector<1x16xf32>,
      %swap3A_209 = vector.shape_cast %swap3A_208 : vector<1x16xf32> to vector<16xf32>
      %swap3A_210 = vector.shape_cast %broadcast_in_dim3A_19 : vector<16xf32> to vector<1x16xf32>
      tpu.vector_store %arg9[%swap3A_206, %swap3A_207], %swap3A_210 {strides = array<i32>} : memref<8x128xf32, #tpu.memory_space<vmem>>, vector<1x16xf32>,
      %swap3A_211 = arith.constant 4 : i32
      %swap3A_212 = arith.index_cast %swap3A_211 : i32 to index
      %swap3A_213 = arith.constant 0 : index
      %swap3A_214 = tpu.vector_load %arg9[%swap3A_212, %swap3A_213] {strides = array<i32>} : memref<8x128xf32, #tpu.memory_space<vmem>>, vector<1x16xf32>,
      %swap3A_215 = vector.shape_cast %swap3A_214 : vector<1x16xf32> to vector<16xf32>
      %swap3A_216 = vector.shape_cast %broadcast_in_dim3A_19 : vector<16xf32> to vector<1x16xf32>
      tpu.vector_store %arg9[%swap3A_212, %swap3A_213], %swap3A_216 {strides = array<i32>} : memref<8x128xf32, #tpu.memory_space<vmem>>, vector<1x16xf32>,
      %swap3A_217 = arith.constant 4 : i32
      %swap3A_218 = arith.index_cast %swap3A_217 : i32 to index
      %swap3A_219 = arith.constant 16 : index
      %swap3A_220 = tpu.vector_load %arg9[%swap3A_218, %swap3A_219] {strides = array<i32>} : memref<8x128xf32, #tpu.memory_space<vmem>>, vector<1x16xf32>,
      %swap3A_221 = vector.shape_cast %swap3A_220 : vector<1x16xf32> to vector<16xf32>
      %swap3A_222 = vector.shape_cast %broadcast_in_dim3A_19 : vector<16xf32> to vector<1x16xf32>
      tpu.vector_store %arg9[%swap3A_218, %swap3A_219], %swap3A_222 {strides = array<i32>} : memref<8x128xf32, #tpu.memory_space<vmem>>, vector<1x16xf32>,
      %swap3A_223 = arith.constant 4 : i32
      %swap3A_224 = arith.index_cast %swap3A_223 : i32 to index
      %swap3A_225 = arith.constant 32 : index
      %swap3A_226 = tpu.vector_load %arg9[%swap3A_224, %swap3A_225] {strides = array<i32>} : memref<8x128xf32, #tpu.memory_space<vmem>>, vector<1x16xf32>,
      %swap3A_227 = vector.shape_cast %swap3A_226 : vector<1x16xf32> to vector<16xf32>
      %swap3A_228 = vector.shape_cast %broadcast_in_dim3A_19 : vector<16xf32> to vector<1x16xf32>
      tpu.vector_store %arg9[%swap3A_224, %swap3A_225], %swap3A_228 {strides = array<i32>} : memref<8x128xf32, #tpu.memory_space<vmem>>, vector<1x16xf32>,
      %swap3A_229 = arith.constant 4 : i32
      %swap3A_230 = arith.index_cast %swap3A_229 : i32 to index
      %swap3A_231 = arith.constant 48 : index
      %swap3A_232 = tpu.vector_load %arg9[%swap3A_230, %swap3A_231] {strides = array<i32>} : memref<8x128xf32, #tpu.memory_space<vmem>>, vector<1x16xf32>,
      %swap3A_233 = vector.shape_cast %swap3A_232 : vector<1x16xf32> to vector<16xf32>
      %swap3A_234 = vector.shape_cast %broadcast_in_dim3A_19 : vector<16xf32> to vector<1x16xf32>
      tpu.vector_store %arg9[%swap3A_230, %swap3A_231], %swap3A_234 {strides = array<i32>} : memref<8x128xf32, #tpu.memory_space<vmem>>, vector<1x16xf32>,
      %swap3A_235 = arith.constant 4 : i32
      %swap3A_236 = arith.index_cast %swap3A_235 : i32 to index
      %swap3A_237 = arith.constant 64 : index
      %swap3A_238 = tpu.vector_load %arg9[%swap3A_236, %swap3A_237] {strides = array<i32>} : memref<8x128xf32, #tpu.memory_space<vmem>>, vector<1x16xf32>,
      %swap3A_239 = vector.shape_cast %swap3A_238 : vector<1x16xf32> to vector<16xf32>
      %swap3A_240 = vector.shape_cast %broadcast_in_dim3A_19 : vector<16xf32> to vector<1x16xf32>
      tpu.vector_store %arg9[%swap3A_236, %swap3A_237], %swap3A_240 {strides = array<i32>} : memref<8x128xf32, #tpu.memory_space<vmem>>, vector<1x16xf32>,
      %swap3A_241 = arith.constant 4 : i32
      %swap3A_242 = arith.index_cast %swap3A_241 : i32 to index
      %swap3A_243 = arith.constant 80 : index
      %swap3A_244 = tpu.vector_load %arg9[%swap3A_242, %swap3A_243] {strides = array<i32>} : memref<8x128xf32, #tpu.memory_space<vmem>>, vector<1x16xf32>,
      %swap3A_245 = vector.shape_cast %swap3A_244 : vector<1x16xf32> to vector<16xf32>
      %swap3A_246 = vector.shape_cast %broadcast_in_dim3A_19 : vector<16xf32> to vector<1x16xf32>
      tpu.vector_store %arg9[%swap3A_242, %swap3A_243], %swap3A_246 {strides = array<i32>} : memref<8x128xf32, #tpu.memory_space<vmem>>, vector<1x16xf32>,
      %swap3A_247 = arith.constant 4 : i32
      %swap3A_248 = arith.index_cast %swap3A_247 : i32 to index
      %swap3A_249 = arith.constant 96 : index
      %swap3A_250 = tpu.vector_load %arg9[%swap3A_248, %swap3A_249] {strides = array<i32>} : memref<8x128xf32, #tpu.memory_space<vmem>>, vector<1x16xf32>,
      %swap3A_251 = vector.shape_cast %swap3A_250 : vector<1x16xf32> to vector<16xf32>
      %swap3A_252 = vector.shape_cast %broadcast_in_dim3A_19 : vector<16xf32> to vector<1x16xf32>
      tpu.vector_store %arg9[%swap3A_248, %swap3A_249], %swap3A_252 {strides = array<i32>} : memref<8x128xf32, #tpu.memory_space<vmem>>, vector<1x16xf32>,
      %swap3A_253 = arith.constant 4 : i32
      %swap3A_254 = arith.index_cast %swap3A_253 : i32 to index
      %swap3A_255 = arith.constant 112 : index
      %swap3A_256 = tpu.vector_load %arg9[%swap3A_254, %swap3A_255] {strides = array<i32>} : memref<8x128xf32, #tpu.memory_space<vmem>>, vector<1x16xf32>,
      %swap3A_257 = vector.shape_cast %swap3A_256 : vector<1x16xf32> to vector<16xf32>
      %swap3A_258 = vector.shape_cast %broadcast_in_dim3A_19 : vector<16xf32> to vector<1x16xf32>
      tpu.vector_store %arg9[%swap3A_254, %swap3A_255], %swap3A_258 {strides = array<i32>} : memref<8x128xf32, #tpu.memory_space<vmem>>, vector<1x16xf32>,
      %swap3A_259 = arith.constant 5 : i32
      %swap3A_260 = arith.index_cast %swap3A_259 : i32 to index
      %swap3A_261 = arith.constant 0 : index
      %swap3A_262 = tpu.vector_load %arg9[%swap3A_260, %swap3A_261] {strides = array<i32>} : memref<8x128xf32, #tpu.memory_space<vmem>>, vector<1x16xf32>,
      %swap3A_263 = vector.shape_cast %swap3A_262 : vector<1x16xf32> to vector<16xf32>
      %swap3A_264 = vector.shape_cast %broadcast_in_dim3A_19 : vector<16xf32> to vector<1x16xf32>
      tpu.vector_store %arg9[%swap3A_260, %swap3A_261], %swap3A_264 {strides = array<i32>} : memref<8x128xf32, #tpu.memory_space<vmem>>, vector<1x16xf32>,
      %swap3A_265 = arith.constant 5 : i32
      %swap3A_266 = arith.index_cast %swap3A_265 : i32 to index
      %swap3A_267 = arith.constant 16 : index
      %swap3A_268 = tpu.vector_load %arg9[%swap3A_266, %swap3A_267] {strides = array<i32>} : memref<8x128xf32, #tpu.memory_space<vmem>>, vector<1x16xf32>,
      %swap3A_269 = vector.shape_cast %swap3A_268 : vector<1x16xf32> to vector<16xf32>
      %swap3A_270 = vector.shape_cast %broadcast_in_dim3A_19 : vector<16xf32> to vector<1x16xf32>
      tpu.vector_store %arg9[%swap3A_266, %swap3A_267], %swap3A_270 {strides = array<i32>} : memref<8x128xf32, #tpu.memory_space<vmem>>, vector<1x16xf32>,
      %swap3A_271 = arith.constant 5 : i32
      %swap3A_272 = arith.index_cast %swap3A_271 : i32 to index
      %swap3A_273 = arith.constant 32 : index
      %swap3A_274 = tpu.vector_load %arg9[%swap3A_272, %swap3A_273] {strides = array<i32>} : memref<8x128xf32, #tpu.memory_space<vmem>>, vector<1x16xf32>,
      %swap3A_275 = vector.shape_cast %swap3A_274 : vector<1x16xf32> to vector<16xf32>
      %swap3A_276 = vector.shape_cast %broadcast_in_dim3A_19 : vector<16xf32> to vector<1x16xf32>
      tpu.vector_store %arg9[%swap3A_272, %swap3A_273], %swap3A_276 {strides = array<i32>} : memref<8x128xf32, #tpu.memory_space<vmem>>, vector<1x16xf32>,
      %swap3A_277 = arith.constant 5 : i32
      %swap3A_278 = arith.index_cast %swap3A_277 : i32 to index
      %swap3A_279 = arith.constant 48 : index
      %swap3A_280 = tpu.vector_load %arg9[%swap3A_278, %swap3A_279] {strides = array<i32>} : memref<8x128xf32, #tpu.memory_space<vmem>>, vector<1x16xf32>,
      %swap3A_281 = vector.shape_cast %swap3A_280 : vector<1x16xf32> to vector<16xf32>
      %swap3A_282 = vector.shape_cast %broadcast_in_dim3A_19 : vector<16xf32> to vector<1x16xf32>
      tpu.vector_store %arg9[%swap3A_278, %swap3A_279], %swap3A_282 {strides = array<i32>} : memref<8x128xf32, #tpu.memory_space<vmem>>, vector<1x16xf32>,
      %swap3A_283 = arith.constant 5 : i32
      %swap3A_284 = arith.index_cast %swap3A_283 : i32 to index
      %swap3A_285 = arith.constant 64 : index
      %swap3A_286 = tpu.vector_load %arg9[%swap3A_284, %swap3A_285] {strides = array<i32>} : memref<8x128xf32, #tpu.memory_space<vmem>>, vector<1x16xf32>,
      %swap3A_287 = vector.shape_cast %swap3A_286 : vector<1x16xf32> to vector<16xf32>
      %swap3A_288 = vector.shape_cast %broadcast_in_dim3A_19 : vector<16xf32> to vector<1x16xf32>
      tpu.vector_store %arg9[%swap3A_284, %swap3A_285], %swap3A_288 {strides = array<i32>} : memref<8x128xf32, #tpu.memory_space<vmem>>, vector<1x16xf32>,
      %swap3A_289 = arith.constant 5 : i32
      %swap3A_290 = arith.index_cast %swap3A_289 : i32 to index
      %swap3A_291 = arith.constant 80 : index
      %swap3A_292 = tpu.vector_load %arg9[%swap3A_290, %swap3A_291] {strides = array<i32>} : memref<8x128xf32, #tpu.memory_space<vmem>>, vector<1x16xf32>,
      %swap3A_293 = vector.shape_cast %swap3A_292 : vector<1x16xf32> to vector<16xf32>
      %swap3A_294 = vector.shape_cast %broadcast_in_dim3A_19 : vector<16xf32> to vector<1x16xf32>
      tpu.vector_store %arg9[%swap3A_290, %swap3A_291], %swap3A_294 {strides = array<i32>} : memref<8x128xf32, #tpu.memory_space<vmem>>, vector<1x16xf32>,
      %swap3A_295 = arith.constant 5 : i32
      %swap3A_296 = arith.index_cast %swap3A_295 : i32 to index
      %swap3A_297 = arith.constant 96 : index
      %swap3A_298 = tpu.vector_load %arg9[%swap3A_296, %swap3A_297] {strides = array<i32>} : memref<8x128xf32, #tpu.memory_space<vmem>>, vector<1x16xf32>,
      %swap3A_299 = vector.shape_cast %swap3A_298 : vector<1x16xf32> to vector<16xf32>
      %swap3A_300 = vector.shape_cast %broadcast_in_dim3A_19 : vector<16xf32> to vector<1x16xf32>
      tpu.vector_store %arg9[%swap3A_296, %swap3A_297], %swap3A_300 {strides = array<i32>} : memref<8x128xf32, #tpu.memory_space<vmem>>, vector<1x16xf32>,
      %swap3A_301 = arith.constant 5 : i32
      %swap3A_302 = arith.index_cast %swap3A_301 : i32 to index
      %swap3A_303 = arith.constant 112 : index
      %swap3A_304 = tpu.vector_load %arg9[%swap3A_302, %swap3A_303] {strides = array<i32>} : memref<8x128xf32, #tpu.memory_space<vmem>>, vector<1x16xf32>,
      %swap3A_305 = vector.shape_cast %swap3A_304 : vector<1x16xf32> to vector<16xf32>
      %swap3A_306 = vector.shape_cast %broadcast_in_dim3A_19 : vector<16xf32> to vector<1x16xf32>
      tpu.vector_store %arg9[%swap3A_302, %swap3A_303], %swap3A_306 {strides = array<i32>} : memref<8x128xf32, #tpu.memory_space<vmem>>, vector<1x16xf32>,
      %swap3A_307 = arith.constant 6 : i32
      %swap3A_308 = arith.index_cast %swap3A_307 : i32 to index
      %swap3A_309 = arith.constant 0 : index
      %swap3A_310 = tpu.vector_load %arg9[%swap3A_308, %swap3A_309] {strides = array<i32>} : memref<8x128xf32, #tpu.memory_space<vmem>>, vector<1x16xf32>,
      %swap3A_311 = vector.shape_cast %swap3A_310 : vector<1x16xf32> to vector<16xf32>
      %swap3A_312 = vector.shape_cast %broadcast_in_dim3A_19 : vector<16xf32> to vector<1x16xf32>
      tpu.vector_store %arg9[%swap3A_308, %swap3A_309], %swap3A_312 {strides = array<i32>} : memref<8x128xf32, #tpu.memory_space<vmem>>, vector<1x16xf32>,
      %swap3A_313 = arith.constant 6 : i32
      %swap3A_314 = arith.index_cast %swap3A_313 : i32 to index
      %swap3A_315 = arith.constant 16 : index
      %swap3A_316 = tpu.vector_load %arg9[%swap3A_314, %swap3A_315] {strides = array<i32>} : memref<8x128xf32, #tpu.memory_space<vmem>>, vector<1x16xf32>,
      %swap3A_317 = vector.shape_cast %swap3A_316 : vector<1x16xf32> to vector<16xf32>
      %swap3A_318 = vector.shape_cast %broadcast_in_dim3A_19 : vector<16xf32> to vector<1x16xf32>
      tpu.vector_store %arg9[%swap3A_314, %swap3A_315], %swap3A_318 {strides = array<i32>} : memref<8x128xf32, #tpu.memory_space<vmem>>, vector<1x16xf32>,
      %swap3A_319 = arith.constant 6 : i32
      %swap3A_320 = arith.index_cast %swap3A_319 : i32 to index
      %swap3A_321 = arith.constant 32 : index
      %swap3A_322 = tpu.vector_load %arg9[%swap3A_320, %swap3A_321] {strides = array<i32>} : memref<8x128xf32, #tpu.memory_space<vmem>>, vector<1x16xf32>,
      %swap3A_323 = vector.shape_cast %swap3A_322 : vector<1x16xf32> to vector<16xf32>
      %swap3A_324 = vector.shape_cast %broadcast_in_dim3A_19 : vector<16xf32> to vector<1x16xf32>
      tpu.vector_store %arg9[%swap3A_320, %swap3A_321], %swap3A_324 {strides = array<i32>} : memref<8x128xf32, #tpu.memory_space<vmem>>, vector<1x16xf32>,
      %swap3A_325 = arith.constant 6 : i32
      %swap3A_326 = arith.index_cast %swap3A_325 : i32 to index
      %swap3A_327 = arith.constant 48 : index
      %swap3A_328 = tpu.vector_load %arg9[%swap3A_326, %swap3A_327] {strides = array<i32>} : memref<8x128xf32, #tpu.memory_space<vmem>>, vector<1x16xf32>,
      %swap3A_329 = vector.shape_cast %swap3A_328 : vector<1x16xf32> to vector<16xf32>
      %swap3A_330 = vector.shape_cast %broadcast_in_dim3A_19 : vector<16xf32> to vector<1x16xf32>
      tpu.vector_store %arg9[%swap3A_326, %swap3A_327], %swap3A_330 {strides = array<i32>} : memref<8x128xf32, #tpu.memory_space<vmem>>, vector<1x16xf32>,
      %swap3A_331 = arith.constant 6 : i32
      %swap3A_332 = arith.index_cast %swap3A_331 : i32 to index
      %swap3A_333 = arith.constant 64 : index
      %swap3A_334 = tpu.vector_load %arg9[%swap3A_332, %swap3A_333] {strides = array<i32>} : memref<8x128xf32, #tpu.memory_space<vmem>>, vector<1x16xf32>,
      %swap3A_335 = vector.shape_cast %swap3A_334 : vector<1x16xf32> to vector<16xf32>
      %swap3A_336 = vector.shape_cast %broadcast_in_dim3A_19 : vector<16xf32> to vector<1x16xf32>
      tpu.vector_store %arg9[%swap3A_332, %swap3A_333], %swap3A_336 {strides = array<i32>} : memref<8x128xf32, #tpu.memory_space<vmem>>, vector<1x16xf32>,
      %swap3A_337 = arith.constant 6 : i32
      %swap3A_338 = arith.index_cast %swap3A_337 : i32 to index
      %swap3A_339 = arith.constant 80 : index
      %swap3A_340 = tpu.vector_load %arg9[%swap3A_338, %swap3A_339] {strides = array<i32>} : memref<8x128xf32, #tpu.memory_space<vmem>>, vector<1x16xf32>,
      %swap3A_341 = vector.shape_cast %swap3A_340 : vector<1x16xf32> to vector<16xf32>
      %swap3A_342 = vector.shape_cast %broadcast_in_dim3A_19 : vector<16xf32> to vector<1x16xf32>
      tpu.vector_store %arg9[%swap3A_338, %swap3A_339], %swap3A_342 {strides = array<i32>} : memref<8x128xf32, #tpu.memory_space<vmem>>, vector<1x16xf32>,
      %swap3A_343 = arith.constant 6 : i32
      %swap3A_344 = arith.index_cast %swap3A_343 : i32 to index
      %swap3A_345 = arith.constant 96 : index
      %swap3A_346 = tpu.vector_load %arg9[%swap3A_344, %swap3A_345] {strides = array<i32>} : memref<8x128xf32, #tpu.memory_space<vmem>>, vector<1x16xf32>,
      %swap3A_347 = vector.shape_cast %swap3A_346 : vector<1x16xf32> to vector<16xf32>
      %swap3A_348 = vector.shape_cast %broadcast_in_dim3A_19 : vector<16xf32> to vector<1x16xf32>
      tpu.vector_store %arg9[%swap3A_344, %swap3A_345], %swap3A_348 {strides = array<i32>} : memref<8x128xf32, #tpu.memory_space<vmem>>, vector<1x16xf32>,
      %swap3A_349 = arith.constant 6 : i32
      %swap3A_350 = arith.index_cast %swap3A_349 : i32 to index
      %swap3A_351 = arith.constant 112 : index
      %swap3A_352 = tpu.vector_load %arg9[%swap3A_350, %swap3A_351] {strides = array<i32>} : memref<8x128xf32, #tpu.memory_space<vmem>>, vector<1x16xf32>,
      %swap3A_353 = vector.shape_cast %swap3A_352 : vector<1x16xf32> to vector<16xf32>
      %swap3A_354 = vector.shape_cast %broadcast_in_dim3A_19 : vector<16xf32> to vector<1x16xf32>
      tpu.vector_store %arg9[%swap3A_350, %swap3A_351], %swap3A_354 {strides = array<i32>} : memref<8x128xf32, #tpu.memory_space<vmem>>, vector<1x16xf32>,
      %swap3A_355 = arith.constant 7 : i32
      %swap3A_356 = arith.index_cast %swap3A_355 : i32 to index
      %swap3A_357 = arith.constant 0 : index
      %swap3A_358 = tpu.vector_load %arg9[%swap3A_356, %swap3A_357] {strides = array<i32>} : memref<8x128xf32, #tpu.memory_space<vmem>>, vector<1x16xf32>,
      %swap3A_359 = vector.shape_cast %swap3A_358 : vector<1x16xf32> to vector<16xf32>
      %swap3A_360 = vector.shape_cast %broadcast_in_dim3A_19 : vector<16xf32> to vector<1x16xf32>
      tpu.vector_store %arg9[%swap3A_356, %swap3A_357], %swap3A_360 {strides = array<i32>} : memref<8x128xf32, #tpu.memory_space<vmem>>, vector<1x16xf32>,
      %swap3A_361 = arith.constant 7 : i32
      %swap3A_362 = arith.index_cast %swap3A_361 : i32 to index
      %swap3A_363 = arith.constant 16 : index
      %swap3A_364 = tpu.vector_load %arg9[%swap3A_362, %swap3A_363] {strides = array<i32>} : memref<8x128xf32, #tpu.memory_space<vmem>>, vector<1x16xf32>,
      %swap3A_365 = vector.shape_cast %swap3A_364 : vector<1x16xf32> to vector<16xf32>
      %swap3A_366 = vector.shape_cast %broadcast_in_dim3A_19 : vector<16xf32> to vector<1x16xf32>
      tpu.vector_store %arg9[%swap3A_362, %swap3A_363], %swap3A_366 {strides = array<i32>} : memref<8x128xf32, #tpu.memory_space<vmem>>, vector<1x16xf32>,
      %swap3A_367 = arith.constant 7 : i32
      %swap3A_368 = arith.index_cast %swap3A_367 : i32 to index
      %swap3A_369 = arith.constant 32 : index
      %swap3A_370 = tpu.vector_load %arg9[%swap3A_368, %swap3A_369] {strides = array<i32>} : memref<8x128xf32, #tpu.memory_space<vmem>>, vector<1x16xf32>,
      %swap3A_371 = vector.shape_cast %swap3A_370 : vector<1x16xf32> to vector<16xf32>
      %swap3A_372 = vector.shape_cast %broadcast_in_dim3A_19 : vector<16xf32> to vector<1x16xf32>
      tpu.vector_store %arg9[%swap3A_368, %swap3A_369], %swap3A_372 {strides = array<i32>} : memref<8x128xf32, #tpu.memory_space<vmem>>, vector<1x16xf32>,
      %swap3A_373 = arith.constant 7 : i32
      %swap3A_374 = arith.index_cast %swap3A_373 : i32 to index
      %swap3A_375 = arith.constant 48 : index
      %swap3A_376 = tpu.vector_load %arg9[%swap3A_374, %swap3A_375] {strides = array<i32>} : memref<8x128xf32, #tpu.memory_space<vmem>>, vector<1x16xf32>,
      %swap3A_377 = vector.shape_cast %swap3A_376 : vector<1x16xf32> to vector<16xf32>
      %swap3A_378 = vector.shape_cast %broadcast_in_dim3A_19 : vector<16xf32> to vector<1x16xf32>
      tpu.vector_store %arg9[%swap3A_374, %swap3A_375], %swap3A_378 {strides = array<i32>} : memref<8x128xf32, #tpu.memory_space<vmem>>, vector<1x16xf32>,
      %swap3A_379 = arith.constant 7 : i32
      %swap3A_380 = arith.index_cast %swap3A_379 : i32 to index
      %swap3A_381 = arith.constant 64 : index
      %swap3A_382 = tpu.vector_load %arg9[%swap3A_380, %swap3A_381] {strides = array<i32>} : memref<8x128xf32, #tpu.memory_space<vmem>>, vector<1x16xf32>,
      %swap3A_383 = vector.shape_cast %swap3A_382 : vector<1x16xf32> to vector<16xf32>
      %swap3A_384 = vector.shape_cast %broadcast_in_dim3A_19 : vector<16xf32> to vector<1x16xf32>
      tpu.vector_store %arg9[%swap3A_380, %swap3A_381], %swap3A_384 {strides = array<i32>} : memref<8x128xf32, #tpu.memory_space<vmem>>, vector<1x16xf32>,
      %swap3A_385 = arith.constant 7 : i32
      %swap3A_386 = arith.index_cast %swap3A_385 : i32 to index
      %swap3A_387 = arith.constant 80 : index
      %swap3A_388 = tpu.vector_load %arg9[%swap3A_386, %swap3A_387] {strides = array<i32>} : memref<8x128xf32, #tpu.memory_space<vmem>>, vector<1x16xf32>,
      %swap3A_389 = vector.shape_cast %swap3A_388 : vector<1x16xf32> to vector<16xf32>
      %swap3A_390 = vector.shape_cast %broadcast_in_dim3A_19 : vector<16xf32> to vector<1x16xf32>
      tpu.vector_store %arg9[%swap3A_386, %swap3A_387], %swap3A_390 {strides = array<i32>} : memref<8x128xf32, #tpu.memory_space<vmem>>, vector<1x16xf32>,
      %swap3A_391 = arith.constant 7 : i32
      %swap3A_392 = arith.index_cast %swap3A_391 : i32 to index
      %swap3A_393 = arith.constant 96 : index
      %swap3A_394 = tpu.vector_load %arg9[%swap3A_392, %swap3A_393] {strides = array<i32>} : memref<8x128xf32, #tpu.memory_space<vmem>>, vector<1x16xf32>,
      %swap3A_395 = vector.shape_cast %swap3A_394 : vector<1x16xf32> to vector<16xf32>
      %swap3A_396 = vector.shape_cast %broadcast_in_dim3A_19 : vector<16xf32> to vector<1x16xf32>
      tpu.vector_store %arg9[%swap3A_392, %swap3A_393], %swap3A_396 {strides = array<i32>} : memref<8x128xf32, #tpu.memory_space<vmem>>, vector<1x16xf32>,
      %swap3A_397 = arith.constant 7 : i32
      %swap3A_398 = arith.index_cast %swap3A_397 : i32 to index
      %swap3A_399 = arith.constant 112 : index
      %swap3A_400 = tpu.vector_load %arg9[%swap3A_398, %swap3A_399] {strides = array<i32>} : memref<8x128xf32, #tpu.memory_space<vmem>>, vector<1x16xf32>,
      %swap3A_401 = vector.shape_cast %swap3A_400 : vector<1x16xf32> to vector<16xf32>
      %swap3A_402 = vector.shape_cast %broadcast_in_dim3A_19 : vector<16xf32> to vector<1x16xf32>
      tpu.vector_store %arg9[%swap3A_398, %swap3A_399], %swap3A_402 {strides = array<i32>} : memref<8x128xf32, #tpu.memory_space<vmem>>, vector<1x16xf32>,
      %scan3A_403 = arith.constant 0 : i32
      %scan3A_404 = arith.constant 0 : i32
      %scan3A_405 = arith.constant 80 : i32
      %scan3A_406 = arith.addi %scan3A_404, %scan3A_405 : i32
      %scan3A_407 = arith.constant 1 : i32
      scf.for %scan3A_409 = %scan3A_404 to %scan3A_406 step %scan3A_407  : i32 {
        %mul3A_410 = arith.constant 8 : i32
        %mul3A_411 = arith.muli %scan3A_409, %mul3A_410 : i32
        %add3A_412 = arith.addi %multiple_of3A, %mul3A_411 : i32
        %multiple_of3A_413 = tpu.assume_multiple %add3A_412, 8 : i32
        "tpu.region"() ({
          %run_scoped3A = tpu.sem_alloc : memref<!tpu.dma_semaphore, #tpu.memory_space<semaphore_mem>>
          %dma_start3A = arith.constant 0 : i32
          %dma_start3A_414 = tpu.memref_slice %arg10[%multiple_of3A_413, %dma_start3A] : memref<10240x128xf32, #tpu.memory_space<vmem_shared>> -> memref<8x128xf32, #tpu.memory_space<vmem_shared>>
          %dma_start3A_415 = arith.constant 0 : i32
          %dma_start3A_416 = tpu.memref_slice %arg10[%multiple_of3A_413, %dma_start3A_415] : memref<10240x128xf32, #tpu.memory_space<vmem_shared>> -> memref<8x128xf32, #tpu.memory_space<vmem_shared>>
          tpu.enqueue_dma source(%arg9 : memref<8x128xf32, #tpu.memory_space<vmem>>) target(%dma_start3A_416 : memref<8x128xf32, #tpu.memory_space<vmem_shared>>) target_semaphore(%run_scoped3A : memref<!tpu.dma_semaphore, #tpu.memory_space<semaphore_mem>>)
          %dma_wait3A = arith.constant 0 : i32
          %dma_wait3A_417 = tpu.memref_slice %arg10[%multiple_of3A_413, %dma_wait3A] : memref<10240x128xf32, #tpu.memory_space<vmem_shared>> -> memref<8x128xf32, #tpu.memory_space<vmem_shared>>
          %dma_wait3A_418 = arith.constant 0 : i32
          %dma_wait3A_419 = tpu.memref_slice %arg10[%multiple_of3A_413, %dma_wait3A_418] : memref<10240x128xf32, #tpu.memory_space<vmem_shared>> -> memref<8x128xf32, #tpu.memory_space<vmem_shared>>
          tpu.wait_dma2 semaphore(%run_scoped3A : memref<!tpu.dma_semaphore, #tpu.memory_space<semaphore_mem>>) src(%arg9 : memref<8x128xf32, #tpu.memory_space<vmem>>) dst(%dma_wait3A_419 : memref<8x128xf32, #tpu.memory_space<vmem_shared>>)
          tpu.yield
        }) : () -> ()
      }
      %scan3A_408 = arith.constant 80 : i32
    } else {
    }
    %barrier3A = arith.constant 0 : index
    tpu.barrier barrier_id(%barrier3A)
    %mul3A_9 = arith.constant 79 : i32
    %mul3A_10 = arith.muli %add3A, %mul3A_9 : i32
    %mul3A_11 = arith.constant 128 : i32
    %mul3A_12 = arith.muli %mul3A_10, %mul3A_11 : i32
    %scan3A = arith.constant 0 : i32
    %scan3A_13 = arith.constant 0 : i32
    %scan3A_14 = arith.constant 79 : i32
    %scan3A_15 = arith.addi %scan3A_13, %scan3A_14 : i32
    %scan3A_16 = arith.constant 1 : i32
    scf.for %scan3A_19 = %scan3A_13 to %scan3A_15 step %scan3A_16  : i32 {
      %mul3A_20 = arith.constant 128 : i32
      %mul3A_21 = arith.muli %scan3A_19, %mul3A_20 : i32
      %add3A_22 = arith.addi %mul3A_12, %mul3A_21 : i32
      %multiple_of3A_23 = tpu.assume_multiple %add3A_22, 8 : i32
      "tpu.region"() ({
        %run_scoped3A = tpu.sem_alloc : memref<!tpu.dma_semaphore, #tpu.memory_space<semaphore_mem>>
        %dma_start3A_28 = tpu.memref_slice %arg3[%multiple_of3A_23] : memref<323584xi32, #tpu.memory_space<hbm>> -> memref<128xi32, #tpu.memory_space<hbm>>
        %dma_start3A_29 = tpu.memref_slice %arg3[%multiple_of3A_23] : memref<323584xi32, #tpu.memory_space<hbm>> -> memref<128xi32, #tpu.memory_space<hbm>>
        tpu.enqueue_dma source(%dma_start3A_29 : memref<128xi32, #tpu.memory_space<hbm>>) target(%arg6 : memref<128xi32, #tpu.memory_space<vmem>>) target_semaphore(%run_scoped3A : memref<!tpu.dma_semaphore, #tpu.memory_space<semaphore_mem>>)
        %dma_wait3A_30 = tpu.memref_slice %arg3[%multiple_of3A_23] : memref<323584xi32, #tpu.memory_space<hbm>> -> memref<128xi32, #tpu.memory_space<hbm>>
        %dma_wait3A_31 = tpu.memref_slice %arg3[%multiple_of3A_23] : memref<323584xi32, #tpu.memory_space<hbm>> -> memref<128xi32, #tpu.memory_space<hbm>>
        tpu.wait_dma2 semaphore(%run_scoped3A : memref<!tpu.dma_semaphore, #tpu.memory_space<semaphore_mem>>) src(%dma_wait3A_31 : memref<128xi32, #tpu.memory_space<hbm>>) dst(%arg6 : memref<128xi32, #tpu.memory_space<vmem>>)
        tpu.yield
      }) : () -> ()
      "tpu.region"() ({
        %run_scoped3A = tpu.sem_alloc : memref<!tpu.dma_semaphore, #tpu.memory_space<semaphore_mem>>
        %dma_start3A_28 = tpu.memref_slice %arg4[%multiple_of3A_23] : memref<323584xi32, #tpu.memory_space<hbm>> -> memref<128xi32, #tpu.memory_space<hbm>>
        %dma_start3A_29 = tpu.memref_slice %arg4[%multiple_of3A_23] : memref<323584xi32, #tpu.memory_space<hbm>> -> memref<128xi32, #tpu.memory_space<hbm>>
        tpu.enqueue_dma source(%dma_start3A_29 : memref<128xi32, #tpu.memory_space<hbm>>) target(%arg7 : memref<128xi32, #tpu.memory_space<vmem>>) target_semaphore(%run_scoped3A : memref<!tpu.dma_semaphore, #tpu.memory_space<semaphore_mem>>)
        %dma_wait3A_30 = tpu.memref_slice %arg4[%multiple_of3A_23] : memref<323584xi32, #tpu.memory_space<hbm>> -> memref<128xi32, #tpu.memory_space<hbm>>
        %dma_wait3A_31 = tpu.memref_slice %arg4[%multiple_of3A_23] : memref<323584xi32, #tpu.memory_space<hbm>> -> memref<128xi32, #tpu.memory_space<hbm>>
        tpu.wait_dma2 semaphore(%run_scoped3A : memref<!tpu.dma_semaphore, #tpu.memory_space<semaphore_mem>>) src(%dma_wait3A_31 : memref<128xi32, #tpu.memory_space<hbm>>) dst(%arg7 : memref<128xi32, #tpu.memory_space<vmem>>)
        tpu.yield
      }) : () -> ()
      %dma_start3A = arith.constant 0 : i32
      %dma_start3A_24 = arith.constant 0 : i32
      %dma_start3A_25 = tpu.memref_slice %arg2[%dma_start3A, %dma_start3A_24] : memref<10240x128xf32, #tpu.memory_space<hbm>> -> memref<10240x128xf32, #tpu.memory_space<hbm>>
      tpu.enqueue_indirect_dma source(%dma_start3A_25 : memref<10240x128xf32, #tpu.memory_space<hbm>>) target(%arg8 : memref<128x128xf32, #tpu.memory_space<vmem>>) offsets(%arg6 : memref<128xi32, #tpu.memory_space<vmem>>) semaphore(%arg11 : memref<!tpu.dma_semaphore, #tpu.memory_space<semaphore_mem>>)
      %dma_wait3A = arith.constant 0 : i32
      %dma_wait3A_26 = arith.constant 0 : i32
      %dma_wait3A_27 = tpu.memref_slice %arg2[%dma_wait3A, %dma_wait3A_26] : memref<10240x128xf32, #tpu.memory_space<hbm>> -> memref<10240x128xf32, #tpu.memory_space<hbm>>
      tpu.wait_indirect_dma semaphore(%arg11 : memref<!tpu.dma_semaphore, #tpu.memory_space<semaphore_mem>>) src(%dma_wait3A_27 : memref<10240x128xf32, #tpu.memory_space<hbm>>) dst(%arg8 : memref<128x128xf32, #tpu.memory_space<vmem>>)
      "tpu.region"() ({
        %run_scoped3A = tpu.sem_alloc : memref<!tpu.dma_semaphore, #tpu.memory_space<semaphore_mem>>
        %dma_start3A_28 = arith.constant 0 : i32
        %dma_start3A_29 = arith.constant 0 : i32
        %dma_start3A_30 = tpu.memref_slice %arg10[%dma_start3A_28, %dma_start3A_29] : memref<10240x128xf32, #tpu.memory_space<vmem_shared>> -> memref<10240x128xf32, #tpu.memory_space<vmem_shared>>
        tpu.enqueue_indirect_dma source(%arg8 : memref<128x128xf32, #tpu.memory_space<vmem>>) target(%dma_start3A_30 : memref<10240x128xf32, #tpu.memory_space<vmem_shared>>) offsets(%arg7 : memref<128xi32, #tpu.memory_space<vmem>>) semaphore(%run_scoped3A : memref<!tpu.dma_semaphore, #tpu.memory_space<semaphore_mem>>) {add = true}
        %dma_wait3A_31 = arith.constant 0 : i32
        %dma_wait3A_32 = arith.constant 0 : i32
        %dma_wait3A_33 = tpu.memref_slice %arg10[%dma_wait3A_31, %dma_wait3A_32] : memref<10240x128xf32, #tpu.memory_space<vmem_shared>> -> memref<10240x128xf32, #tpu.memory_space<vmem_shared>>
        tpu.wait_indirect_dma semaphore(%run_scoped3A : memref<!tpu.dma_semaphore, #tpu.memory_space<semaphore_mem>>) src(%arg8 : memref<128x128xf32, #tpu.memory_space<vmem>>) dst(%dma_wait3A_33 : memref<10240x128xf32, #tpu.memory_space<vmem_shared>>)
        tpu.yield
      }) : () -> ()
    }
    %scan3A_17 = arith.constant 79 : i32
    %barrier3A_18 = arith.constant 0 : index
    tpu.barrier barrier_id(%barrier3A_18)
    "tpu.region"() ({
      %run_scoped3A = tpu.sem_alloc : memref<!tpu.dma_semaphore, #tpu.memory_space<semaphore_mem>>
      %dma_start3A = arith.constant 0 : i32
      %dma_start3A_19 = tpu.memref_slice %arg5[%arg0, %multiple_of3A, %dma_start3A] : memref<2x10240x128xf32, #tpu.memory_space<hbm>> -> memref<1x640x128xf32, #tpu.memory_space<hbm>>
      %dma_start3A_20 = tpu.memref_squeeze %dma_start3A_19 : memref<1x640x128xf32, #tpu.memory_space<hbm>> -> memref<640x128xf32, #tpu.memory_space<hbm>>
      %dma_start3A_21 = arith.constant 0 : i32
      %dma_start3A_22 = tpu.memref_slice %arg10[%multiple_of3A, %dma_start3A_21] : memref<10240x128xf32, #tpu.memory_space<vmem_shared>> -> memref<640x128xf32, #tpu.memory_space<vmem_shared>>
      tpu.enqueue_dma source(%dma_start3A_22 : memref<640x128xf32, #tpu.memory_space<vmem_shared>>) target(%dma_start3A_20 : memref<640x128xf32, #tpu.memory_space<hbm>>) target_semaphore(%run_scoped3A : memref<!tpu.dma_semaphore, #tpu.memory_space<semaphore_mem>>)
      %dma_wait3A = arith.constant 0 : i32
      %dma_wait3A_23 = tpu.memref_slice %arg5[%arg0, %multiple_of3A, %dma_wait3A] : memref<2x10240x128xf32, #tpu.memory_space<hbm>> -> memref<1x640x128xf32, #tpu.memory_space<hbm>>
      %dma_wait3A_24 = tpu.memref_squeeze %dma_wait3A_23 : memref<1x640x128xf32, #tpu.memory_space<hbm>> -> memref<640x128xf32, #tpu.memory_space<hbm>>
      %dma_wait3A_25 = arith.constant 0 : i32
      %dma_wait3A_26 = tpu.memref_slice %arg10[%multiple_of3A, %dma_wait3A_25] : memref<10240x128xf32, #tpu.memory_space<vmem_shared>> -> memref<640x128xf32, #tpu.memory_space<vmem_shared>>
      tpu.wait_dma2 semaphore(%run_scoped3A : memref<!tpu.dma_semaphore, #tpu.memory_space<semaphore_mem>>) src(%dma_wait3A_26 : memref<640x128xf32, #tpu.memory_space<vmem_shared>>) dst(%dma_wait3A_24 : memref<640x128xf32, #tpu.memory_space<hbm>>)
      tpu.yield
    }) : () -> ()
    return
  }
}

#map = affine_map<(d0, d1) -> (0)>
#map1 = affine_map<(d0, d1) -> (0, 0)>
module attributes {stable_mosaic.version = 14 : i64} {
  func.func @deg_kernel(%arg0: i32, %arg1: i32, %arg2: memref<323584xi32, #tpu.memory_space<hbm>>, %arg3: memref<2x10240xf32, #tpu.memory_space<hbm>>, %arg4: memref<128xi32, #tpu.memory_space<vmem>>, %arg5: memref<128xf32, #tpu.memory_space<vmem>>, %arg6: memref<640xf32, #tpu.memory_space<vmem>>, %arg7: memref<10240xf32, #tpu.memory_space<vmem_shared>>) attributes {dimension_semantics = [#tpu.dimension_semantics<core_parallel>, #tpu.dimension_semantics<subcore_parallel>], iteration_bounds = array<i64: 2, 16>, scalar_prefetch = 0 : i64, scratch_operands = 4 : i64, tpu.core_type = #tpu.core_type<sc_vector_subcore>, window_params = [{transform_indices = #map}, {transform_indices = #map1}]} {
    %mul3A = arith.constant 2 : i32
    %mul3A_0 = arith.muli %arg1, %mul3A : i32
    %add3A = arith.addi %mul3A_0, %arg0 : i32
    %broadcast_in_dim3A = arith.constant 1.000000e+00 : f32
    %broadcast_in_dim3A_1 = vector.broadcast %broadcast_in_dim3A : f32 to vector<16xf32>
    %broadcast_in_dim3A_2 = arith.constant 0.000000e+00 : f32
    %broadcast_in_dim3A_3 = vector.broadcast %broadcast_in_dim3A_2 : f32 to vector<16xf32>
    %swap3A = arith.constant 0 : index
    %swap3A_4 = tpu.vector_load %arg5[%swap3A] {strides = array<i32>} : memref<128xf32, #tpu.memory_space<vmem>>, vector<16xf32>,
    %swap3A_5 = vector.shape_cast %swap3A_4 : vector<16xf32> to vector<16xf32>
    %swap3A_6 = vector.shape_cast %broadcast_in_dim3A_1 : vector<16xf32> to vector<16xf32>
    tpu.vector_store %arg5[%swap3A], %swap3A_6 {strides = array<i32>} : memref<128xf32, #tpu.memory_space<vmem>>, vector<16xf32>,
    %swap3A_7 = arith.constant 16 : index
    %swap3A_8 = tpu.vector_load %arg5[%swap3A_7] {strides = array<i32>} : memref<128xf32, #tpu.memory_space<vmem>>, vector<16xf32>,
    %swap3A_9 = vector.shape_cast %swap3A_8 : vector<16xf32> to vector<16xf32>
    %swap3A_10 = vector.shape_cast %broadcast_in_dim3A_1 : vector<16xf32> to vector<16xf32>
    tpu.vector_store %arg5[%swap3A_7], %swap3A_10 {strides = array<i32>} : memref<128xf32, #tpu.memory_space<vmem>>, vector<16xf32>,
    %swap3A_11 = arith.constant 32 : index
    %swap3A_12 = tpu.vector_load %arg5[%swap3A_11] {strides = array<i32>} : memref<128xf32, #tpu.memory_space<vmem>>, vector<16xf32>,
    %swap3A_13 = vector.shape_cast %swap3A_12 : vector<16xf32> to vector<16xf32>
    %swap3A_14 = vector.shape_cast %broadcast_in_dim3A_1 : vector<16xf32> to vector<16xf32>
    tpu.vector_store %arg5[%swap3A_11], %swap3A_14 {strides = array<i32>} : memref<128xf32, #tpu.memory_space<vmem>>, vector<16xf32>,
    %swap3A_15 = arith.constant 48 : index
    %swap3A_16 = tpu.vector_load %arg5[%swap3A_15] {strides = array<i32>} : memref<128xf32, #tpu.memory_space<vmem>>, vector<16xf32>,
    %swap3A_17 = vector.shape_cast %swap3A_16 : vector<16xf32> to vector<16xf32>
    %swap3A_18 = vector.shape_cast %broadcast_in_dim3A_1 : vector<16xf32> to vector<16xf32>
    tpu.vector_store %arg5[%swap3A_15], %swap3A_18 {strides = array<i32>} : memref<128xf32, #tpu.memory_space<vmem>>, vector<16xf32>,
    %swap3A_19 = arith.constant 64 : index
    %swap3A_20 = tpu.vector_load %arg5[%swap3A_19] {strides = array<i32>} : memref<128xf32, #tpu.memory_space<vmem>>, vector<16xf32>,
    %swap3A_21 = vector.shape_cast %swap3A_20 : vector<16xf32> to vector<16xf32>
    %swap3A_22 = vector.shape_cast %broadcast_in_dim3A_1 : vector<16xf32> to vector<16xf32>
    tpu.vector_store %arg5[%swap3A_19], %swap3A_22 {strides = array<i32>} : memref<128xf32, #tpu.memory_space<vmem>>, vector<16xf32>,
    %swap3A_23 = arith.constant 80 : index
    %swap3A_24 = tpu.vector_load %arg5[%swap3A_23] {strides = array<i32>} : memref<128xf32, #tpu.memory_space<vmem>>, vector<16xf32>,
    %swap3A_25 = vector.shape_cast %swap3A_24 : vector<16xf32> to vector<16xf32>
    %swap3A_26 = vector.shape_cast %broadcast_in_dim3A_1 : vector<16xf32> to vector<16xf32>
    tpu.vector_store %arg5[%swap3A_23], %swap3A_26 {strides = array<i32>} : memref<128xf32, #tpu.memory_space<vmem>>, vector<16xf32>,
    %swap3A_27 = arith.constant 96 : index
    %swap3A_28 = tpu.vector_load %arg5[%swap3A_27] {strides = array<i32>} : memref<128xf32, #tpu.memory_space<vmem>>, vector<16xf32>,
    %swap3A_29 = vector.shape_cast %swap3A_28 : vector<16xf32> to vector<16xf32>
    %swap3A_30 = vector.shape_cast %broadcast_in_dim3A_1 : vector<16xf32> to vector<16xf32>
    tpu.vector_store %arg5[%swap3A_27], %swap3A_30 {strides = array<i32>} : memref<128xf32, #tpu.memory_space<vmem>>, vector<16xf32>,
    %swap3A_31 = arith.constant 112 : index
    %swap3A_32 = tpu.vector_load %arg5[%swap3A_31] {strides = array<i32>} : memref<128xf32, #tpu.memory_space<vmem>>, vector<16xf32>,
    %swap3A_33 = vector.shape_cast %swap3A_32 : vector<16xf32> to vector<16xf32>
    %swap3A_34 = vector.shape_cast %broadcast_in_dim3A_1 : vector<16xf32> to vector<16xf32>
    tpu.vector_store %arg5[%swap3A_31], %swap3A_34 {strides = array<i32>} : memref<128xf32, #tpu.memory_space<vmem>>, vector<16xf32>,
    %scan3A = arith.constant 0 : i32
    %scan3A_35 = arith.constant 0 : i32
    %scan3A_36 = arith.constant 40 : i32
    %scan3A_37 = arith.addi %scan3A_35, %scan3A_36 : i32
    %scan3A_38 = arith.constant 1 : i32
    scf.for %scan3A_53 = %scan3A_35 to %scan3A_37 step %scan3A_38  : i32 {
      %mul3A_54 = arith.constant 16 : i32
      %mul3A_55 = arith.muli %scan3A_53, %mul3A_54 : i32
      %multiple_of3A_56 = tpu.assume_multiple %mul3A_55, 8 : i32
      %swap3A_57 = arith.index_cast %multiple_of3A_56 : i32 to index
      %swap3A_58 = tpu.vector_load %arg6[%swap3A_57] {strides = array<i32>} : memref<640xf32, #tpu.memory_space<vmem>>, vector<16xf32>,
      %swap3A_59 = vector.shape_cast %swap3A_58 : vector<16xf32> to vector<16xf32>
      %swap3A_60 = vector.shape_cast %broadcast_in_dim3A_3 : vector<16xf32> to vector<16xf32>
      tpu.vector_store %arg6[%swap3A_57], %swap3A_60 {strides = array<i32>} : memref<640xf32, #tpu.memory_space<vmem>>, vector<16xf32>,
    }
    %scan3A_39 = arith.constant 40 : i32
    %mul3A_40 = arith.constant 640 : i32
    %mul3A_41 = arith.muli %arg1, %mul3A_40 : i32
    %multiple_of3A = tpu.assume_multiple %mul3A_41, 8 : i32
    "tpu.region"() ({
      %run_scoped3A = tpu.sem_alloc : memref<!tpu.dma_semaphore, #tpu.memory_space<semaphore_mem>>
      %dma_start3A = tpu.memref_slice %arg7[%multiple_of3A] : memref<10240xf32, #tpu.memory_space<vmem_shared>> -> memref<640xf32, #tpu.memory_space<vmem_shared>>
      %dma_start3A_53 = tpu.memref_slice %arg7[%multiple_of3A] : memref<10240xf32, #tpu.memory_space<vmem_shared>> -> memref<640xf32, #tpu.memory_space<vmem_shared>>
      tpu.enqueue_dma source(%arg6 : memref<640xf32, #tpu.memory_space<vmem>>) target(%dma_start3A_53 : memref<640xf32, #tpu.memory_space<vmem_shared>>) target_semaphore(%run_scoped3A : memref<!tpu.dma_semaphore, #tpu.memory_space<semaphore_mem>>)
      %dma_wait3A = tpu.memref_slice %arg7[%multiple_of3A] : memref<10240xf32, #tpu.memory_space<vmem_shared>> -> memref<640xf32, #tpu.memory_space<vmem_shared>>
      %dma_wait3A_54 = tpu.memref_slice %arg7[%multiple_of3A] : memref<10240xf32, #tpu.memory_space<vmem_shared>> -> memref<640xf32, #tpu.memory_space<vmem_shared>>
      tpu.wait_dma2 semaphore(%run_scoped3A : memref<!tpu.dma_semaphore, #tpu.memory_space<semaphore_mem>>) src(%arg6 : memref<640xf32, #tpu.memory_space<vmem>>) dst(%dma_wait3A_54 : memref<640xf32, #tpu.memory_space<vmem_shared>>)
      tpu.yield
    }) : () -> ()
    %barrier3A = arith.constant 0 : index
    tpu.barrier barrier_id(%barrier3A)
    %mul3A_42 = arith.constant 79 : i32
    %mul3A_43 = arith.muli %add3A, %mul3A_42 : i32
    %mul3A_44 = arith.constant 128 : i32
    %mul3A_45 = arith.muli %mul3A_43, %mul3A_44 : i32
    %scan3A_46 = arith.constant 0 : i32
    %scan3A_47 = arith.constant 0 : i32
    %scan3A_48 = arith.constant 79 : i32
    %scan3A_49 = arith.addi %scan3A_47, %scan3A_48 : i32
    %scan3A_50 = arith.constant 1 : i32
    scf.for %scan3A_53 = %scan3A_47 to %scan3A_49 step %scan3A_50  : i32 {
      %mul3A_54 = arith.constant 128 : i32
      %mul3A_55 = arith.muli %scan3A_53, %mul3A_54 : i32
      %add3A_56 = arith.addi %mul3A_45, %mul3A_55 : i32
      %multiple_of3A_57 = tpu.assume_multiple %add3A_56, 8 : i32
      "tpu.region"() ({
        %run_scoped3A = tpu.sem_alloc : memref<!tpu.dma_semaphore, #tpu.memory_space<semaphore_mem>>
        %dma_start3A = tpu.memref_slice %arg2[%multiple_of3A_57] : memref<323584xi32, #tpu.memory_space<hbm>> -> memref<128xi32, #tpu.memory_space<hbm>>
        %dma_start3A_58 = tpu.memref_slice %arg2[%multiple_of3A_57] : memref<323584xi32, #tpu.memory_space<hbm>> -> memref<128xi32, #tpu.memory_space<hbm>>
        tpu.enqueue_dma source(%dma_start3A_58 : memref<128xi32, #tpu.memory_space<hbm>>) target(%arg4 : memref<128xi32, #tpu.memory_space<vmem>>) target_semaphore(%run_scoped3A : memref<!tpu.dma_semaphore, #tpu.memory_space<semaphore_mem>>)
        %dma_wait3A = tpu.memref_slice %arg2[%multiple_of3A_57] : memref<323584xi32, #tpu.memory_space<hbm>> -> memref<128xi32, #tpu.memory_space<hbm>>
        %dma_wait3A_59 = tpu.memref_slice %arg2[%multiple_of3A_57] : memref<323584xi32, #tpu.memory_space<hbm>> -> memref<128xi32, #tpu.memory_space<hbm>>
        tpu.wait_dma2 semaphore(%run_scoped3A : memref<!tpu.dma_semaphore, #tpu.memory_space<semaphore_mem>>) src(%dma_wait3A_59 : memref<128xi32, #tpu.memory_space<hbm>>) dst(%arg4 : memref<128xi32, #tpu.memory_space<vmem>>)
        tpu.yield
      }) : () -> ()
      "tpu.region"() ({
        %run_scoped3A = tpu.sem_alloc : memref<!tpu.dma_semaphore, #tpu.memory_space<semaphore_mem>>
        %dma_start3A = arith.constant 0 : i32
        %dma_start3A_58 = tpu.memref_slice %arg7[%dma_start3A] : memref<10240xf32, #tpu.memory_space<vmem_shared>> -> memref<10240xf32, #tpu.memory_space<vmem_shared>>
        tpu.enqueue_indirect_dma source(%arg5 : memref<128xf32, #tpu.memory_space<vmem>>) target(%dma_start3A_58 : memref<10240xf32, #tpu.memory_space<vmem_shared>>) offsets(%arg4 : memref<128xi32, #tpu.memory_space<vmem>>) semaphore(%run_scoped3A : memref<!tpu.dma_semaphore, #tpu.memory_space<semaphore_mem>>) {add = true}
        %dma_wait3A = arith.constant 0 : i32
        %dma_wait3A_59 = tpu.memref_slice %arg7[%dma_wait3A] : memref<10240xf32, #tpu.memory_space<vmem_shared>> -> memref<10240xf32, #tpu.memory_space<vmem_shared>>
        tpu.wait_indirect_dma semaphore(%run_scoped3A : memref<!tpu.dma_semaphore, #tpu.memory_space<semaphore_mem>>) src(%arg5 : memref<128xf32, #tpu.memory_space<vmem>>) dst(%dma_wait3A_59 : memref<10240xf32, #tpu.memory_space<vmem_shared>>)
        tpu.yield
      }) : () -> ()
    }
    %scan3A_51 = arith.constant 79 : i32
    %barrier3A_52 = arith.constant 0 : index
    tpu.barrier barrier_id(%barrier3A_52)
    "tpu.region"() ({
      %run_scoped3A = tpu.sem_alloc : memref<!tpu.dma_semaphore, #tpu.memory_space<semaphore_mem>>
      %dma_start3A = tpu.memref_slice %arg3[%arg0, %multiple_of3A] : memref<2x10240xf32, #tpu.memory_space<hbm>> -> memref<1x640xf32, #tpu.memory_space<hbm>>
      %dma_start3A_53 = tpu.memref_squeeze %dma_start3A : memref<1x640xf32, #tpu.memory_space<hbm>> -> memref<640xf32, #tpu.memory_space<hbm>>
      %dma_start3A_54 = tpu.memref_slice %arg7[%multiple_of3A] : memref<10240xf32, #tpu.memory_space<vmem_shared>> -> memref<640xf32, #tpu.memory_space<vmem_shared>>
      tpu.enqueue_dma source(%dma_start3A_54 : memref<640xf32, #tpu.memory_space<vmem_shared>>) target(%dma_start3A_53 : memref<640xf32, #tpu.memory_space<hbm>>) target_semaphore(%run_scoped3A : memref<!tpu.dma_semaphore, #tpu.memory_space<semaphore_mem>>)
      %dma_wait3A = tpu.memref_slice %arg3[%arg0, %multiple_of3A] : memref<2x10240xf32, #tpu.memory_space<hbm>> -> memref<1x640xf32, #tpu.memory_space<hbm>>
      %dma_wait3A_55 = tpu.memref_squeeze %dma_wait3A : memref<1x640xf32, #tpu.memory_space<hbm>> -> memref<640xf32, #tpu.memory_space<hbm>>
      %dma_wait3A_56 = tpu.memref_slice %arg7[%multiple_of3A] : memref<10240xf32, #tpu.memory_space<vmem_shared>> -> memref<640xf32, #tpu.memory_space<vmem_shared>>
      tpu.wait_dma2 semaphore(%run_scoped3A : memref<!tpu.dma_semaphore, #tpu.memory_space<semaphore_mem>>) src(%dma_wait3A_56 : memref<640xf32, #tpu.memory_space<vmem_shared>>) dst(%dma_wait3A_55 : memref<640xf32, #tpu.memory_space<hbm>>)
      tpu.yield
    }) : () -> ()
    return
  }
}

#map = affine_map<(d0, d1) -> (0, 0)>
#map1 = affine_map<(d0, d1) -> (0)>
#map2 = affine_map<(d0, d1) -> (0, 0, 0)>
module attributes {stable_mosaic.version = 14 : i64} {
  func.func @scatter_kernel(%arg0: i32, %arg1: i32, %arg2: memref<10240x128xf32, #tpu.memory_space<hbm>>, %arg3: memref<323584xi32, #tpu.memory_space<hbm>>, %arg4: memref<323584xi32, #tpu.memory_space<hbm>>, %arg5: memref<2x10240x128xf32, #tpu.memory_space<hbm>>, %arg6: memref<128xi32, #tpu.memory_space<vmem>>, %arg7: memref<128xi32, #tpu.memory_space<vmem>>, %arg8: memref<128x128xf32, #tpu.memory_space<vmem>>, %arg9: memref<8x128xf32, #tpu.memory_space<vmem>>, %arg10: memref<10240x128xf32, #tpu.memory_space<vmem_shared>>, %arg11: memref<!tpu.dma_semaphore, #tpu.memory_space<semaphore_mem>>) attributes {dimension_semantics = [#tpu.dimension_semantics<core_parallel>, #tpu.dimension_semantics<subcore_parallel>], iteration_bounds = array<i64: 2, 16>, scalar_prefetch = 0 : i64, scratch_operands = 6 : i64, tpu.core_type = #tpu.core_type<sc_vector_subcore>, window_params = [{transform_indices = #map}, {transform_indices = #map1}, {transform_indices = #map1}, {transform_indices = #map2}]} {
    %mul3A = arith.constant 2 : i32
    %mul3A_0 = arith.muli %arg1, %mul3A : i32
    %add3A = arith.addi %mul3A_0, %arg0 : i32
    %mul3A_1 = arith.constant 640 : i32
    %mul3A_2 = arith.muli %arg1, %mul3A_1 : i32
    %multiple_of3A = tpu.assume_multiple %mul3A_2, 8 : i32
    %eq3A = arith.constant 0 : i32
    %eq3A_3 = arith.cmpi eq, %arg0, %eq3A : i32
    %convert_element_type3A = arith.extui %eq3A_3 : i1 to i32
    %cond3A = arith.constant 0 : i32
    %cond3A_4 = arith.cmpi ne, %convert_element_type3A, %cond3A : i32
    scf.if %cond3A_4 {
      "tpu.region"() ({
        %run_scoped3A = tpu.sem_alloc : memref<!tpu.dma_semaphore, #tpu.memory_space<semaphore_mem>>
        %dma_start3A = arith.constant 0 : i32
        %dma_start3A_19 = tpu.memref_slice %arg10[%multiple_of3A, %dma_start3A] : memref<10240x128xf32, #tpu.memory_space<vmem_shared>> -> memref<640x128xf32, #tpu.memory_space<vmem_shared>>
        %dma_start3A_20 = arith.constant 0 : i32
        %dma_start3A_21 = tpu.memref_slice %arg2[%multiple_of3A, %dma_start3A_20] : memref<10240x128xf32, #tpu.memory_space<hbm>> -> memref<640x128xf32, #tpu.memory_space<hbm>>
        tpu.enqueue_dma source(%dma_start3A_21 : memref<640x128xf32, #tpu.memory_space<hbm>>) target(%dma_start3A_19 : memref<640x128xf32, #tpu.memory_space<vmem_shared>>) target_semaphore(%run_scoped3A : memref<!tpu.dma_semaphore, #tpu.memory_space<semaphore_mem>>)
        %dma_wait3A = arith.constant 0 : i32
        %dma_wait3A_22 = tpu.memref_slice %arg10[%multiple_of3A, %dma_wait3A] : memref<10240x128xf32, #tpu.memory_space<vmem_shared>> -> memref<640x128xf32, #tpu.memory_space<vmem_shared>>
        %dma_wait3A_23 = arith.constant 0 : i32
        %dma_wait3A_24 = tpu.memref_slice %arg2[%multiple_of3A, %dma_wait3A_23] : memref<10240x128xf32, #tpu.memory_space<hbm>> -> memref<640x128xf32, #tpu.memory_space<hbm>>
        tpu.wait_dma2 semaphore(%run_scoped3A : memref<!tpu.dma_semaphore, #tpu.memory_space<semaphore_mem>>) src(%dma_wait3A_24 : memref<640x128xf32, #tpu.memory_space<hbm>>) dst(%dma_wait3A_22 : memref<640x128xf32, #tpu.memory_space<vmem_shared>>)
        tpu.yield
      }) : () -> ()
    } else {
    }
    %ne3A = arith.constant 0 : i32
    %ne3A_5 = arith.cmpi ne, %arg0, %ne3A : i32
    %convert_element_type3A_6 = arith.extui %ne3A_5 : i1 to i32
    %cond3A_7 = arith.constant 0 : i32
    %cond3A_8 = arith.cmpi ne, %convert_element_type3A_6, %cond3A_7 : i32
    scf.if %cond3A_8 {
      %broadcast_in_dim3A = arith.constant 0.000000e+00 : f32
      %broadcast_in_dim3A_19 = vector.broadcast %broadcast_in_dim3A : f32 to vector<16xf32>
      %swap3A = arith.constant 0 : i32
      %swap3A_20 = arith.index_cast %swap3A : i32 to index
      %swap3A_21 = arith.constant 0 : index
      %swap3A_22 = tpu.vector_load %arg9[%swap3A_20, %swap3A_21] {strides = array<i32>} : memref<8x128xf32, #tpu.memory_space<vmem>>, vector<1x16xf32>,
      %swap3A_23 = vector.shape_cast %swap3A_22 : vector<1x16xf32> to vector<16xf32>
      %swap3A_24 = vector.shape_cast %broadcast_in_dim3A_19 : vector<16xf32> to vector<1x16xf32>
      tpu.vector_store %arg9[%swap3A_20, %swap3A_21], %swap3A_24 {strides = array<i32>} : memref<8x128xf32, #tpu.memory_space<vmem>>, vector<1x16xf32>,
      %swap3A_25 = arith.constant 0 : i32
      %swap3A_26 = arith.index_cast %swap3A_25 : i32 to index
      %swap3A_27 = arith.constant 16 : index
      %swap3A_28 = tpu.vector_load %arg9[%swap3A_26, %swap3A_27] {strides = array<i32>} : memref<8x128xf32, #tpu.memory_space<vmem>>, vector<1x16xf32>,
      %swap3A_29 = vector.shape_cast %swap3A_28 : vector<1x16xf32> to vector<16xf32>
      %swap3A_30 = vector.shape_cast %broadcast_in_dim3A_19 : vector<16xf32> to vector<1x16xf32>
      tpu.vector_store %arg9[%swap3A_26, %swap3A_27], %swap3A_30 {strides = array<i32>} : memref<8x128xf32, #tpu.memory_space<vmem>>, vector<1x16xf32>,
      %swap3A_31 = arith.constant 0 : i32
      %swap3A_32 = arith.index_cast %swap3A_31 : i32 to index
      %swap3A_33 = arith.constant 32 : index
      %swap3A_34 = tpu.vector_load %arg9[%swap3A_32, %swap3A_33] {strides = array<i32>} : memref<8x128xf32, #tpu.memory_space<vmem>>, vector<1x16xf32>,
      %swap3A_35 = vector.shape_cast %swap3A_34 : vector<1x16xf32> to vector<16xf32>
      %swap3A_36 = vector.shape_cast %broadcast_in_dim3A_19 : vector<16xf32> to vector<1x16xf32>
      tpu.vector_store %arg9[%swap3A_32, %swap3A_33], %swap3A_36 {strides = array<i32>} : memref<8x128xf32, #tpu.memory_space<vmem>>, vector<1x16xf32>,
      %swap3A_37 = arith.constant 0 : i32
      %swap3A_38 = arith.index_cast %swap3A_37 : i32 to index
      %swap3A_39 = arith.constant 48 : index
      %swap3A_40 = tpu.vector_load %arg9[%swap3A_38, %swap3A_39] {strides = array<i32>} : memref<8x128xf32, #tpu.memory_space<vmem>>, vector<1x16xf32>,
      %swap3A_41 = vector.shape_cast %swap3A_40 : vector<1x16xf32> to vector<16xf32>
      %swap3A_42 = vector.shape_cast %broadcast_in_dim3A_19 : vector<16xf32> to vector<1x16xf32>
      tpu.vector_store %arg9[%swap3A_38, %swap3A_39], %swap3A_42 {strides = array<i32>} : memref<8x128xf32, #tpu.memory_space<vmem>>, vector<1x16xf32>,
      %swap3A_43 = arith.constant 0 : i32
      %swap3A_44 = arith.index_cast %swap3A_43 : i32 to index
      %swap3A_45 = arith.constant 64 : index
      %swap3A_46 = tpu.vector_load %arg9[%swap3A_44, %swap3A_45] {strides = array<i32>} : memref<8x128xf32, #tpu.memory_space<vmem>>, vector<1x16xf32>,
      %swap3A_47 = vector.shape_cast %swap3A_46 : vector<1x16xf32> to vector<16xf32>
      %swap3A_48 = vector.shape_cast %broadcast_in_dim3A_19 : vector<16xf32> to vector<1x16xf32>
      tpu.vector_store %arg9[%swap3A_44, %swap3A_45], %swap3A_48 {strides = array<i32>} : memref<8x128xf32, #tpu.memory_space<vmem>>, vector<1x16xf32>,
      %swap3A_49 = arith.constant 0 : i32
      %swap3A_50 = arith.index_cast %swap3A_49 : i32 to index
      %swap3A_51 = arith.constant 80 : index
      %swap3A_52 = tpu.vector_load %arg9[%swap3A_50, %swap3A_51] {strides = array<i32>} : memref<8x128xf32, #tpu.memory_space<vmem>>, vector<1x16xf32>,
      %swap3A_53 = vector.shape_cast %swap3A_52 : vector<1x16xf32> to vector<16xf32>
      %swap3A_54 = vector.shape_cast %broadcast_in_dim3A_19 : vector<16xf32> to vector<1x16xf32>
      tpu.vector_store %arg9[%swap3A_50, %swap3A_51], %swap3A_54 {strides = array<i32>} : memref<8x128xf32, #tpu.memory_space<vmem>>, vector<1x16xf32>,
      %swap3A_55 = arith.constant 0 : i32
      %swap3A_56 = arith.index_cast %swap3A_55 : i32 to index
      %swap3A_57 = arith.constant 96 : index
      %swap3A_58 = tpu.vector_load %arg9[%swap3A_56, %swap3A_57] {strides = array<i32>} : memref<8x128xf32, #tpu.memory_space<vmem>>, vector<1x16xf32>,
      %swap3A_59 = vector.shape_cast %swap3A_58 : vector<1x16xf32> to vector<16xf32>
      %swap3A_60 = vector.shape_cast %broadcast_in_dim3A_19 : vector<16xf32> to vector<1x16xf32>
      tpu.vector_store %arg9[%swap3A_56, %swap3A_57], %swap3A_60 {strides = array<i32>} : memref<8x128xf32, #tpu.memory_space<vmem>>, vector<1x16xf32>,
      %swap3A_61 = arith.constant 0 : i32
      %swap3A_62 = arith.index_cast %swap3A_61 : i32 to index
      %swap3A_63 = arith.constant 112 : index
      %swap3A_64 = tpu.vector_load %arg9[%swap3A_62, %swap3A_63] {strides = array<i32>} : memref<8x128xf32, #tpu.memory_space<vmem>>, vector<1x16xf32>,
      %swap3A_65 = vector.shape_cast %swap3A_64 : vector<1x16xf32> to vector<16xf32>
      %swap3A_66 = vector.shape_cast %broadcast_in_dim3A_19 : vector<16xf32> to vector<1x16xf32>
      tpu.vector_store %arg9[%swap3A_62, %swap3A_63], %swap3A_66 {strides = array<i32>} : memref<8x128xf32, #tpu.memory_space<vmem>>, vector<1x16xf32>,
      %swap3A_67 = arith.constant 1 : i32
      %swap3A_68 = arith.index_cast %swap3A_67 : i32 to index
      %swap3A_69 = arith.constant 0 : index
      %swap3A_70 = tpu.vector_load %arg9[%swap3A_68, %swap3A_69] {strides = array<i32>} : memref<8x128xf32, #tpu.memory_space<vmem>>, vector<1x16xf32>,
      %swap3A_71 = vector.shape_cast %swap3A_70 : vector<1x16xf32> to vector<16xf32>
      %swap3A_72 = vector.shape_cast %broadcast_in_dim3A_19 : vector<16xf32> to vector<1x16xf32>
      tpu.vector_store %arg9[%swap3A_68, %swap3A_69], %swap3A_72 {strides = array<i32>} : memref<8x128xf32, #tpu.memory_space<vmem>>, vector<1x16xf32>,
      %swap3A_73 = arith.constant 1 : i32
      %swap3A_74 = arith.index_cast %swap3A_73 : i32 to index
      %swap3A_75 = arith.constant 16 : index
      %swap3A_76 = tpu.vector_load %arg9[%swap3A_74, %swap3A_75] {strides = array<i32>} : memref<8x128xf32, #tpu.memory_space<vmem>>, vector<1x16xf32>,
      %swap3A_77 = vector.shape_cast %swap3A_76 : vector<1x16xf32> to vector<16xf32>
      %swap3A_78 = vector.shape_cast %broadcast_in_dim3A_19 : vector<16xf32> to vector<1x16xf32>
      tpu.vector_store %arg9[%swap3A_74, %swap3A_75], %swap3A_78 {strides = array<i32>} : memref<8x128xf32, #tpu.memory_space<vmem>>, vector<1x16xf32>,
      %swap3A_79 = arith.constant 1 : i32
      %swap3A_80 = arith.index_cast %swap3A_79 : i32 to index
      %swap3A_81 = arith.constant 32 : index
      %swap3A_82 = tpu.vector_load %arg9[%swap3A_80, %swap3A_81] {strides = array<i32>} : memref<8x128xf32, #tpu.memory_space<vmem>>, vector<1x16xf32>,
      %swap3A_83 = vector.shape_cast %swap3A_82 : vector<1x16xf32> to vector<16xf32>
      %swap3A_84 = vector.shape_cast %broadcast_in_dim3A_19 : vector<16xf32> to vector<1x16xf32>
      tpu.vector_store %arg9[%swap3A_80, %swap3A_81], %swap3A_84 {strides = array<i32>} : memref<8x128xf32, #tpu.memory_space<vmem>>, vector<1x16xf32>,
      %swap3A_85 = arith.constant 1 : i32
      %swap3A_86 = arith.index_cast %swap3A_85 : i32 to index
      %swap3A_87 = arith.constant 48 : index
      %swap3A_88 = tpu.vector_load %arg9[%swap3A_86, %swap3A_87] {strides = array<i32>} : memref<8x128xf32, #tpu.memory_space<vmem>>, vector<1x16xf32>,
      %swap3A_89 = vector.shape_cast %swap3A_88 : vector<1x16xf32> to vector<16xf32>
      %swap3A_90 = vector.shape_cast %broadcast_in_dim3A_19 : vector<16xf32> to vector<1x16xf32>
      tpu.vector_store %arg9[%swap3A_86, %swap3A_87], %swap3A_90 {strides = array<i32>} : memref<8x128xf32, #tpu.memory_space<vmem>>, vector<1x16xf32>,
      %swap3A_91 = arith.constant 1 : i32
      %swap3A_92 = arith.index_cast %swap3A_91 : i32 to index
      %swap3A_93 = arith.constant 64 : index
      %swap3A_94 = tpu.vector_load %arg9[%swap3A_92, %swap3A_93] {strides = array<i32>} : memref<8x128xf32, #tpu.memory_space<vmem>>, vector<1x16xf32>,
      %swap3A_95 = vector.shape_cast %swap3A_94 : vector<1x16xf32> to vector<16xf32>
      %swap3A_96 = vector.shape_cast %broadcast_in_dim3A_19 : vector<16xf32> to vector<1x16xf32>
      tpu.vector_store %arg9[%swap3A_92, %swap3A_93], %swap3A_96 {strides = array<i32>} : memref<8x128xf32, #tpu.memory_space<vmem>>, vector<1x16xf32>,
      %swap3A_97 = arith.constant 1 : i32
      %swap3A_98 = arith.index_cast %swap3A_97 : i32 to index
      %swap3A_99 = arith.constant 80 : index
      %swap3A_100 = tpu.vector_load %arg9[%swap3A_98, %swap3A_99] {strides = array<i32>} : memref<8x128xf32, #tpu.memory_space<vmem>>, vector<1x16xf32>,
      %swap3A_101 = vector.shape_cast %swap3A_100 : vector<1x16xf32> to vector<16xf32>
      %swap3A_102 = vector.shape_cast %broadcast_in_dim3A_19 : vector<16xf32> to vector<1x16xf32>
      tpu.vector_store %arg9[%swap3A_98, %swap3A_99], %swap3A_102 {strides = array<i32>} : memref<8x128xf32, #tpu.memory_space<vmem>>, vector<1x16xf32>,
      %swap3A_103 = arith.constant 1 : i32
      %swap3A_104 = arith.index_cast %swap3A_103 : i32 to index
      %swap3A_105 = arith.constant 96 : index
      %swap3A_106 = tpu.vector_load %arg9[%swap3A_104, %swap3A_105] {strides = array<i32>} : memref<8x128xf32, #tpu.memory_space<vmem>>, vector<1x16xf32>,
      %swap3A_107 = vector.shape_cast %swap3A_106 : vector<1x16xf32> to vector<16xf32>
      %swap3A_108 = vector.shape_cast %broadcast_in_dim3A_19 : vector<16xf32> to vector<1x16xf32>
      tpu.vector_store %arg9[%swap3A_104, %swap3A_105], %swap3A_108 {strides = array<i32>} : memref<8x128xf32, #tpu.memory_space<vmem>>, vector<1x16xf32>,
      %swap3A_109 = arith.constant 1 : i32
      %swap3A_110 = arith.index_cast %swap3A_109 : i32 to index
      %swap3A_111 = arith.constant 112 : index
      %swap3A_112 = tpu.vector_load %arg9[%swap3A_110, %swap3A_111] {strides = array<i32>} : memref<8x128xf32, #tpu.memory_space<vmem>>, vector<1x16xf32>,
      %swap3A_113 = vector.shape_cast %swap3A_112 : vector<1x16xf32> to vector<16xf32>
      %swap3A_114 = vector.shape_cast %broadcast_in_dim3A_19 : vector<16xf32> to vector<1x16xf32>
      tpu.vector_store %arg9[%swap3A_110, %swap3A_111], %swap3A_114 {strides = array<i32>} : memref<8x128xf32, #tpu.memory_space<vmem>>, vector<1x16xf32>,
      %swap3A_115 = arith.constant 2 : i32
      %swap3A_116 = arith.index_cast %swap3A_115 : i32 to index
      %swap3A_117 = arith.constant 0 : index
      %swap3A_118 = tpu.vector_load %arg9[%swap3A_116, %swap3A_117] {strides = array<i32>} : memref<8x128xf32, #tpu.memory_space<vmem>>, vector<1x16xf32>,
      %swap3A_119 = vector.shape_cast %swap3A_118 : vector<1x16xf32> to vector<16xf32>
      %swap3A_120 = vector.shape_cast %broadcast_in_dim3A_19 : vector<16xf32> to vector<1x16xf32>
      tpu.vector_store %arg9[%swap3A_116, %swap3A_117], %swap3A_120 {strides = array<i32>} : memref<8x128xf32, #tpu.memory_space<vmem>>, vector<1x16xf32>,
      %swap3A_121 = arith.constant 2 : i32
      %swap3A_122 = arith.index_cast %swap3A_121 : i32 to index
      %swap3A_123 = arith.constant 16 : index
      %swap3A_124 = tpu.vector_load %arg9[%swap3A_122, %swap3A_123] {strides = array<i32>} : memref<8x128xf32, #tpu.memory_space<vmem>>, vector<1x16xf32>,
      %swap3A_125 = vector.shape_cast %swap3A_124 : vector<1x16xf32> to vector<16xf32>
      %swap3A_126 = vector.shape_cast %broadcast_in_dim3A_19 : vector<16xf32> to vector<1x16xf32>
      tpu.vector_store %arg9[%swap3A_122, %swap3A_123], %swap3A_126 {strides = array<i32>} : memref<8x128xf32, #tpu.memory_space<vmem>>, vector<1x16xf32>,
      %swap3A_127 = arith.constant 2 : i32
      %swap3A_128 = arith.index_cast %swap3A_127 : i32 to index
      %swap3A_129 = arith.constant 32 : index
      %swap3A_130 = tpu.vector_load %arg9[%swap3A_128, %swap3A_129] {strides = array<i32>} : memref<8x128xf32, #tpu.memory_space<vmem>>, vector<1x16xf32>,
      %swap3A_131 = vector.shape_cast %swap3A_130 : vector<1x16xf32> to vector<16xf32>
      %swap3A_132 = vector.shape_cast %broadcast_in_dim3A_19 : vector<16xf32> to vector<1x16xf32>
      tpu.vector_store %arg9[%swap3A_128, %swap3A_129], %swap3A_132 {strides = array<i32>} : memref<8x128xf32, #tpu.memory_space<vmem>>, vector<1x16xf32>,
      %swap3A_133 = arith.constant 2 : i32
      %swap3A_134 = arith.index_cast %swap3A_133 : i32 to index
      %swap3A_135 = arith.constant 48 : index
      %swap3A_136 = tpu.vector_load %arg9[%swap3A_134, %swap3A_135] {strides = array<i32>} : memref<8x128xf32, #tpu.memory_space<vmem>>, vector<1x16xf32>,
      %swap3A_137 = vector.shape_cast %swap3A_136 : vector<1x16xf32> to vector<16xf32>
      %swap3A_138 = vector.shape_cast %broadcast_in_dim3A_19 : vector<16xf32> to vector<1x16xf32>
      tpu.vector_store %arg9[%swap3A_134, %swap3A_135], %swap3A_138 {strides = array<i32>} : memref<8x128xf32, #tpu.memory_space<vmem>>, vector<1x16xf32>,
      %swap3A_139 = arith.constant 2 : i32
      %swap3A_140 = arith.index_cast %swap3A_139 : i32 to index
      %swap3A_141 = arith.constant 64 : index
      %swap3A_142 = tpu.vector_load %arg9[%swap3A_140, %swap3A_141] {strides = array<i32>} : memref<8x128xf32, #tpu.memory_space<vmem>>, vector<1x16xf32>,
      %swap3A_143 = vector.shape_cast %swap3A_142 : vector<1x16xf32> to vector<16xf32>
      %swap3A_144 = vector.shape_cast %broadcast_in_dim3A_19 : vector<16xf32> to vector<1x16xf32>
      tpu.vector_store %arg9[%swap3A_140, %swap3A_141], %swap3A_144 {strides = array<i32>} : memref<8x128xf32, #tpu.memory_space<vmem>>, vector<1x16xf32>,
      %swap3A_145 = arith.constant 2 : i32
      %swap3A_146 = arith.index_cast %swap3A_145 : i32 to index
      %swap3A_147 = arith.constant 80 : index
      %swap3A_148 = tpu.vector_load %arg9[%swap3A_146, %swap3A_147] {strides = array<i32>} : memref<8x128xf32, #tpu.memory_space<vmem>>, vector<1x16xf32>,
      %swap3A_149 = vector.shape_cast %swap3A_148 : vector<1x16xf32> to vector<16xf32>
      %swap3A_150 = vector.shape_cast %broadcast_in_dim3A_19 : vector<16xf32> to vector<1x16xf32>
      tpu.vector_store %arg9[%swap3A_146, %swap3A_147], %swap3A_150 {strides = array<i32>} : memref<8x128xf32, #tpu.memory_space<vmem>>, vector<1x16xf32>,
      %swap3A_151 = arith.constant 2 : i32
      %swap3A_152 = arith.index_cast %swap3A_151 : i32 to index
      %swap3A_153 = arith.constant 96 : index
      %swap3A_154 = tpu.vector_load %arg9[%swap3A_152, %swap3A_153] {strides = array<i32>} : memref<8x128xf32, #tpu.memory_space<vmem>>, vector<1x16xf32>,
      %swap3A_155 = vector.shape_cast %swap3A_154 : vector<1x16xf32> to vector<16xf32>
      %swap3A_156 = vector.shape_cast %broadcast_in_dim3A_19 : vector<16xf32> to vector<1x16xf32>
      tpu.vector_store %arg9[%swap3A_152, %swap3A_153], %swap3A_156 {strides = array<i32>} : memref<8x128xf32, #tpu.memory_space<vmem>>, vector<1x16xf32>,
      %swap3A_157 = arith.constant 2 : i32
      %swap3A_158 = arith.index_cast %swap3A_157 : i32 to index
      %swap3A_159 = arith.constant 112 : index
      %swap3A_160 = tpu.vector_load %arg9[%swap3A_158, %swap3A_159] {strides = array<i32>} : memref<8x128xf32, #tpu.memory_space<vmem>>, vector<1x16xf32>,
      %swap3A_161 = vector.shape_cast %swap3A_160 : vector<1x16xf32> to vector<16xf32>
      %swap3A_162 = vector.shape_cast %broadcast_in_dim3A_19 : vector<16xf32> to vector<1x16xf32>
      tpu.vector_store %arg9[%swap3A_158, %swap3A_159], %swap3A_162 {strides = array<i32>} : memref<8x128xf32, #tpu.memory_space<vmem>>, vector<1x16xf32>,
      %swap3A_163 = arith.constant 3 : i32
      %swap3A_164 = arith.index_cast %swap3A_163 : i32 to index
      %swap3A_165 = arith.constant 0 : index
      %swap3A_166 = tpu.vector_load %arg9[%swap3A_164, %swap3A_165] {strides = array<i32>} : memref<8x128xf32, #tpu.memory_space<vmem>>, vector<1x16xf32>,
      %swap3A_167 = vector.shape_cast %swap3A_166 : vector<1x16xf32> to vector<16xf32>
      %swap3A_168 = vector.shape_cast %broadcast_in_dim3A_19 : vector<16xf32> to vector<1x16xf32>
      tpu.vector_store %arg9[%swap3A_164, %swap3A_165], %swap3A_168 {strides = array<i32>} : memref<8x128xf32, #tpu.memory_space<vmem>>, vector<1x16xf32>,
      %swap3A_169 = arith.constant 3 : i32
      %swap3A_170 = arith.index_cast %swap3A_169 : i32 to index
      %swap3A_171 = arith.constant 16 : index
      %swap3A_172 = tpu.vector_load %arg9[%swap3A_170, %swap3A_171] {strides = array<i32>} : memref<8x128xf32, #tpu.memory_space<vmem>>, vector<1x16xf32>,
      %swap3A_173 = vector.shape_cast %swap3A_172 : vector<1x16xf32> to vector<16xf32>
      %swap3A_174 = vector.shape_cast %broadcast_in_dim3A_19 : vector<16xf32> to vector<1x16xf32>
      tpu.vector_store %arg9[%swap3A_170, %swap3A_171], %swap3A_174 {strides = array<i32>} : memref<8x128xf32, #tpu.memory_space<vmem>>, vector<1x16xf32>,
      %swap3A_175 = arith.constant 3 : i32
      %swap3A_176 = arith.index_cast %swap3A_175 : i32 to index
      %swap3A_177 = arith.constant 32 : index
      %swap3A_178 = tpu.vector_load %arg9[%swap3A_176, %swap3A_177] {strides = array<i32>} : memref<8x128xf32, #tpu.memory_space<vmem>>, vector<1x16xf32>,
      %swap3A_179 = vector.shape_cast %swap3A_178 : vector<1x16xf32> to vector<16xf32>
      %swap3A_180 = vector.shape_cast %broadcast_in_dim3A_19 : vector<16xf32> to vector<1x16xf32>
      tpu.vector_store %arg9[%swap3A_176, %swap3A_177], %swap3A_180 {strides = array<i32>} : memref<8x128xf32, #tpu.memory_space<vmem>>, vector<1x16xf32>,
      %swap3A_181 = arith.constant 3 : i32
      %swap3A_182 = arith.index_cast %swap3A_181 : i32 to index
      %swap3A_183 = arith.constant 48 : index
      %swap3A_184 = tpu.vector_load %arg9[%swap3A_182, %swap3A_183] {strides = array<i32>} : memref<8x128xf32, #tpu.memory_space<vmem>>, vector<1x16xf32>,
      %swap3A_185 = vector.shape_cast %swap3A_184 : vector<1x16xf32> to vector<16xf32>
      %swap3A_186 = vector.shape_cast %broadcast_in_dim3A_19 : vector<16xf32> to vector<1x16xf32>
      tpu.vector_store %arg9[%swap3A_182, %swap3A_183], %swap3A_186 {strides = array<i32>} : memref<8x128xf32, #tpu.memory_space<vmem>>, vector<1x16xf32>,
      %swap3A_187 = arith.constant 3 : i32
      %swap3A_188 = arith.index_cast %swap3A_187 : i32 to index
      %swap3A_189 = arith.constant 64 : index
      %swap3A_190 = tpu.vector_load %arg9[%swap3A_188, %swap3A_189] {strides = array<i32>} : memref<8x128xf32, #tpu.memory_space<vmem>>, vector<1x16xf32>,
      %swap3A_191 = vector.shape_cast %swap3A_190 : vector<1x16xf32> to vector<16xf32>
      %swap3A_192 = vector.shape_cast %broadcast_in_dim3A_19 : vector<16xf32> to vector<1x16xf32>
      tpu.vector_store %arg9[%swap3A_188, %swap3A_189], %swap3A_192 {strides = array<i32>} : memref<8x128xf32, #tpu.memory_space<vmem>>, vector<1x16xf32>,
      %swap3A_193 = arith.constant 3 : i32
      %swap3A_194 = arith.index_cast %swap3A_193 : i32 to index
      %swap3A_195 = arith.constant 80 : index
      %swap3A_196 = tpu.vector_load %arg9[%swap3A_194, %swap3A_195] {strides = array<i32>} : memref<8x128xf32, #tpu.memory_space<vmem>>, vector<1x16xf32>,
      %swap3A_197 = vector.shape_cast %swap3A_196 : vector<1x16xf32> to vector<16xf32>
      %swap3A_198 = vector.shape_cast %broadcast_in_dim3A_19 : vector<16xf32> to vector<1x16xf32>
      tpu.vector_store %arg9[%swap3A_194, %swap3A_195], %swap3A_198 {strides = array<i32>} : memref<8x128xf32, #tpu.memory_space<vmem>>, vector<1x16xf32>,
      %swap3A_199 = arith.constant 3 : i32
      %swap3A_200 = arith.index_cast %swap3A_199 : i32 to index
      %swap3A_201 = arith.constant 96 : index
      %swap3A_202 = tpu.vector_load %arg9[%swap3A_200, %swap3A_201] {strides = array<i32>} : memref<8x128xf32, #tpu.memory_space<vmem>>, vector<1x16xf32>,
      %swap3A_203 = vector.shape_cast %swap3A_202 : vector<1x16xf32> to vector<16xf32>
      %swap3A_204 = vector.shape_cast %broadcast_in_dim3A_19 : vector<16xf32> to vector<1x16xf32>
      tpu.vector_store %arg9[%swap3A_200, %swap3A_201], %swap3A_204 {strides = array<i32>} : memref<8x128xf32, #tpu.memory_space<vmem>>, vector<1x16xf32>,
      %swap3A_205 = arith.constant 3 : i32
      %swap3A_206 = arith.index_cast %swap3A_205 : i32 to index
      %swap3A_207 = arith.constant 112 : index
      %swap3A_208 = tpu.vector_load %arg9[%swap3A_206, %swap3A_207] {strides = array<i32>} : memref<8x128xf32, #tpu.memory_space<vmem>>, vector<1x16xf32>,
      %swap3A_209 = vector.shape_cast %swap3A_208 : vector<1x16xf32> to vector<16xf32>
      %swap3A_210 = vector.shape_cast %broadcast_in_dim3A_19 : vector<16xf32> to vector<1x16xf32>
      tpu.vector_store %arg9[%swap3A_206, %swap3A_207], %swap3A_210 {strides = array<i32>} : memref<8x128xf32, #tpu.memory_space<vmem>>, vector<1x16xf32>,
      %swap3A_211 = arith.constant 4 : i32
      %swap3A_212 = arith.index_cast %swap3A_211 : i32 to index
      %swap3A_213 = arith.constant 0 : index
      %swap3A_214 = tpu.vector_load %arg9[%swap3A_212, %swap3A_213] {strides = array<i32>} : memref<8x128xf32, #tpu.memory_space<vmem>>, vector<1x16xf32>,
      %swap3A_215 = vector.shape_cast %swap3A_214 : vector<1x16xf32> to vector<16xf32>
      %swap3A_216 = vector.shape_cast %broadcast_in_dim3A_19 : vector<16xf32> to vector<1x16xf32>
      tpu.vector_store %arg9[%swap3A_212, %swap3A_213], %swap3A_216 {strides = array<i32>} : memref<8x128xf32, #tpu.memory_space<vmem>>, vector<1x16xf32>,
      %swap3A_217 = arith.constant 4 : i32
      %swap3A_218 = arith.index_cast %swap3A_217 : i32 to index
      %swap3A_219 = arith.constant 16 : index
      %swap3A_220 = tpu.vector_load %arg9[%swap3A_218, %swap3A_219] {strides = array<i32>} : memref<8x128xf32, #tpu.memory_space<vmem>>, vector<1x16xf32>,
      %swap3A_221 = vector.shape_cast %swap3A_220 : vector<1x16xf32> to vector<16xf32>
      %swap3A_222 = vector.shape_cast %broadcast_in_dim3A_19 : vector<16xf32> to vector<1x16xf32>
      tpu.vector_store %arg9[%swap3A_218, %swap3A_219], %swap3A_222 {strides = array<i32>} : memref<8x128xf32, #tpu.memory_space<vmem>>, vector<1x16xf32>,
      %swap3A_223 = arith.constant 4 : i32
      %swap3A_224 = arith.index_cast %swap3A_223 : i32 to index
      %swap3A_225 = arith.constant 32 : index
      %swap3A_226 = tpu.vector_load %arg9[%swap3A_224, %swap3A_225] {strides = array<i32>} : memref<8x128xf32, #tpu.memory_space<vmem>>, vector<1x16xf32>,
      %swap3A_227 = vector.shape_cast %swap3A_226 : vector<1x16xf32> to vector<16xf32>
      %swap3A_228 = vector.shape_cast %broadcast_in_dim3A_19 : vector<16xf32> to vector<1x16xf32>
      tpu.vector_store %arg9[%swap3A_224, %swap3A_225], %swap3A_228 {strides = array<i32>} : memref<8x128xf32, #tpu.memory_space<vmem>>, vector<1x16xf32>,
      %swap3A_229 = arith.constant 4 : i32
      %swap3A_230 = arith.index_cast %swap3A_229 : i32 to index
      %swap3A_231 = arith.constant 48 : index
      %swap3A_232 = tpu.vector_load %arg9[%swap3A_230, %swap3A_231] {strides = array<i32>} : memref<8x128xf32, #tpu.memory_space<vmem>>, vector<1x16xf32>,
      %swap3A_233 = vector.shape_cast %swap3A_232 : vector<1x16xf32> to vector<16xf32>
      %swap3A_234 = vector.shape_cast %broadcast_in_dim3A_19 : vector<16xf32> to vector<1x16xf32>
      tpu.vector_store %arg9[%swap3A_230, %swap3A_231], %swap3A_234 {strides = array<i32>} : memref<8x128xf32, #tpu.memory_space<vmem>>, vector<1x16xf32>,
      %swap3A_235 = arith.constant 4 : i32
      %swap3A_236 = arith.index_cast %swap3A_235 : i32 to index
      %swap3A_237 = arith.constant 64 : index
      %swap3A_238 = tpu.vector_load %arg9[%swap3A_236, %swap3A_237] {strides = array<i32>} : memref<8x128xf32, #tpu.memory_space<vmem>>, vector<1x16xf32>,
      %swap3A_239 = vector.shape_cast %swap3A_238 : vector<1x16xf32> to vector<16xf32>
      %swap3A_240 = vector.shape_cast %broadcast_in_dim3A_19 : vector<16xf32> to vector<1x16xf32>
      tpu.vector_store %arg9[%swap3A_236, %swap3A_237], %swap3A_240 {strides = array<i32>} : memref<8x128xf32, #tpu.memory_space<vmem>>, vector<1x16xf32>,
      %swap3A_241 = arith.constant 4 : i32
      %swap3A_242 = arith.index_cast %swap3A_241 : i32 to index
      %swap3A_243 = arith.constant 80 : index
      %swap3A_244 = tpu.vector_load %arg9[%swap3A_242, %swap3A_243] {strides = array<i32>} : memref<8x128xf32, #tpu.memory_space<vmem>>, vector<1x16xf32>,
      %swap3A_245 = vector.shape_cast %swap3A_244 : vector<1x16xf32> to vector<16xf32>
      %swap3A_246 = vector.shape_cast %broadcast_in_dim3A_19 : vector<16xf32> to vector<1x16xf32>
      tpu.vector_store %arg9[%swap3A_242, %swap3A_243], %swap3A_246 {strides = array<i32>} : memref<8x128xf32, #tpu.memory_space<vmem>>, vector<1x16xf32>,
      %swap3A_247 = arith.constant 4 : i32
      %swap3A_248 = arith.index_cast %swap3A_247 : i32 to index
      %swap3A_249 = arith.constant 96 : index
      %swap3A_250 = tpu.vector_load %arg9[%swap3A_248, %swap3A_249] {strides = array<i32>} : memref<8x128xf32, #tpu.memory_space<vmem>>, vector<1x16xf32>,
      %swap3A_251 = vector.shape_cast %swap3A_250 : vector<1x16xf32> to vector<16xf32>
      %swap3A_252 = vector.shape_cast %broadcast_in_dim3A_19 : vector<16xf32> to vector<1x16xf32>
      tpu.vector_store %arg9[%swap3A_248, %swap3A_249], %swap3A_252 {strides = array<i32>} : memref<8x128xf32, #tpu.memory_space<vmem>>, vector<1x16xf32>,
      %swap3A_253 = arith.constant 4 : i32
      %swap3A_254 = arith.index_cast %swap3A_253 : i32 to index
      %swap3A_255 = arith.constant 112 : index
      %swap3A_256 = tpu.vector_load %arg9[%swap3A_254, %swap3A_255] {strides = array<i32>} : memref<8x128xf32, #tpu.memory_space<vmem>>, vector<1x16xf32>,
      %swap3A_257 = vector.shape_cast %swap3A_256 : vector<1x16xf32> to vector<16xf32>
      %swap3A_258 = vector.shape_cast %broadcast_in_dim3A_19 : vector<16xf32> to vector<1x16xf32>
      tpu.vector_store %arg9[%swap3A_254, %swap3A_255], %swap3A_258 {strides = array<i32>} : memref<8x128xf32, #tpu.memory_space<vmem>>, vector<1x16xf32>,
      %swap3A_259 = arith.constant 5 : i32
      %swap3A_260 = arith.index_cast %swap3A_259 : i32 to index
      %swap3A_261 = arith.constant 0 : index
      %swap3A_262 = tpu.vector_load %arg9[%swap3A_260, %swap3A_261] {strides = array<i32>} : memref<8x128xf32, #tpu.memory_space<vmem>>, vector<1x16xf32>,
      %swap3A_263 = vector.shape_cast %swap3A_262 : vector<1x16xf32> to vector<16xf32>
      %swap3A_264 = vector.shape_cast %broadcast_in_dim3A_19 : vector<16xf32> to vector<1x16xf32>
      tpu.vector_store %arg9[%swap3A_260, %swap3A_261], %swap3A_264 {strides = array<i32>} : memref<8x128xf32, #tpu.memory_space<vmem>>, vector<1x16xf32>,
      %swap3A_265 = arith.constant 5 : i32
      %swap3A_266 = arith.index_cast %swap3A_265 : i32 to index
      %swap3A_267 = arith.constant 16 : index
      %swap3A_268 = tpu.vector_load %arg9[%swap3A_266, %swap3A_267] {strides = array<i32>} : memref<8x128xf32, #tpu.memory_space<vmem>>, vector<1x16xf32>,
      %swap3A_269 = vector.shape_cast %swap3A_268 : vector<1x16xf32> to vector<16xf32>
      %swap3A_270 = vector.shape_cast %broadcast_in_dim3A_19 : vector<16xf32> to vector<1x16xf32>
      tpu.vector_store %arg9[%swap3A_266, %swap3A_267], %swap3A_270 {strides = array<i32>} : memref<8x128xf32, #tpu.memory_space<vmem>>, vector<1x16xf32>,
      %swap3A_271 = arith.constant 5 : i32
      %swap3A_272 = arith.index_cast %swap3A_271 : i32 to index
      %swap3A_273 = arith.constant 32 : index
      %swap3A_274 = tpu.vector_load %arg9[%swap3A_272, %swap3A_273] {strides = array<i32>} : memref<8x128xf32, #tpu.memory_space<vmem>>, vector<1x16xf32>,
      %swap3A_275 = vector.shape_cast %swap3A_274 : vector<1x16xf32> to vector<16xf32>
      %swap3A_276 = vector.shape_cast %broadcast_in_dim3A_19 : vector<16xf32> to vector<1x16xf32>
      tpu.vector_store %arg9[%swap3A_272, %swap3A_273], %swap3A_276 {strides = array<i32>} : memref<8x128xf32, #tpu.memory_space<vmem>>, vector<1x16xf32>,
      %swap3A_277 = arith.constant 5 : i32
      %swap3A_278 = arith.index_cast %swap3A_277 : i32 to index
      %swap3A_279 = arith.constant 48 : index
      %swap3A_280 = tpu.vector_load %arg9[%swap3A_278, %swap3A_279] {strides = array<i32>} : memref<8x128xf32, #tpu.memory_space<vmem>>, vector<1x16xf32>,
      %swap3A_281 = vector.shape_cast %swap3A_280 : vector<1x16xf32> to vector<16xf32>
      %swap3A_282 = vector.shape_cast %broadcast_in_dim3A_19 : vector<16xf32> to vector<1x16xf32>
      tpu.vector_store %arg9[%swap3A_278, %swap3A_279], %swap3A_282 {strides = array<i32>} : memref<8x128xf32, #tpu.memory_space<vmem>>, vector<1x16xf32>,
      %swap3A_283 = arith.constant 5 : i32
      %swap3A_284 = arith.index_cast %swap3A_283 : i32 to index
      %swap3A_285 = arith.constant 64 : index
      %swap3A_286 = tpu.vector_load %arg9[%swap3A_284, %swap3A_285] {strides = array<i32>} : memref<8x128xf32, #tpu.memory_space<vmem>>, vector<1x16xf32>,
      %swap3A_287 = vector.shape_cast %swap3A_286 : vector<1x16xf32> to vector<16xf32>
      %swap3A_288 = vector.shape_cast %broadcast_in_dim3A_19 : vector<16xf32> to vector<1x16xf32>
      tpu.vector_store %arg9[%swap3A_284, %swap3A_285], %swap3A_288 {strides = array<i32>} : memref<8x128xf32, #tpu.memory_space<vmem>>, vector<1x16xf32>,
      %swap3A_289 = arith.constant 5 : i32
      %swap3A_290 = arith.index_cast %swap3A_289 : i32 to index
      %swap3A_291 = arith.constant 80 : index
      %swap3A_292 = tpu.vector_load %arg9[%swap3A_290, %swap3A_291] {strides = array<i32>} : memref<8x128xf32, #tpu.memory_space<vmem>>, vector<1x16xf32>,
      %swap3A_293 = vector.shape_cast %swap3A_292 : vector<1x16xf32> to vector<16xf32>
      %swap3A_294 = vector.shape_cast %broadcast_in_dim3A_19 : vector<16xf32> to vector<1x16xf32>
      tpu.vector_store %arg9[%swap3A_290, %swap3A_291], %swap3A_294 {strides = array<i32>} : memref<8x128xf32, #tpu.memory_space<vmem>>, vector<1x16xf32>,
      %swap3A_295 = arith.constant 5 : i32
      %swap3A_296 = arith.index_cast %swap3A_295 : i32 to index
      %swap3A_297 = arith.constant 96 : index
      %swap3A_298 = tpu.vector_load %arg9[%swap3A_296, %swap3A_297] {strides = array<i32>} : memref<8x128xf32, #tpu.memory_space<vmem>>, vector<1x16xf32>,
      %swap3A_299 = vector.shape_cast %swap3A_298 : vector<1x16xf32> to vector<16xf32>
      %swap3A_300 = vector.shape_cast %broadcast_in_dim3A_19 : vector<16xf32> to vector<1x16xf32>
      tpu.vector_store %arg9[%swap3A_296, %swap3A_297], %swap3A_300 {strides = array<i32>} : memref<8x128xf32, #tpu.memory_space<vmem>>, vector<1x16xf32>,
      %swap3A_301 = arith.constant 5 : i32
      %swap3A_302 = arith.index_cast %swap3A_301 : i32 to index
      %swap3A_303 = arith.constant 112 : index
      %swap3A_304 = tpu.vector_load %arg9[%swap3A_302, %swap3A_303] {strides = array<i32>} : memref<8x128xf32, #tpu.memory_space<vmem>>, vector<1x16xf32>,
      %swap3A_305 = vector.shape_cast %swap3A_304 : vector<1x16xf32> to vector<16xf32>
      %swap3A_306 = vector.shape_cast %broadcast_in_dim3A_19 : vector<16xf32> to vector<1x16xf32>
      tpu.vector_store %arg9[%swap3A_302, %swap3A_303], %swap3A_306 {strides = array<i32>} : memref<8x128xf32, #tpu.memory_space<vmem>>, vector<1x16xf32>,
      %swap3A_307 = arith.constant 6 : i32
      %swap3A_308 = arith.index_cast %swap3A_307 : i32 to index
      %swap3A_309 = arith.constant 0 : index
      %swap3A_310 = tpu.vector_load %arg9[%swap3A_308, %swap3A_309] {strides = array<i32>} : memref<8x128xf32, #tpu.memory_space<vmem>>, vector<1x16xf32>,
      %swap3A_311 = vector.shape_cast %swap3A_310 : vector<1x16xf32> to vector<16xf32>
      %swap3A_312 = vector.shape_cast %broadcast_in_dim3A_19 : vector<16xf32> to vector<1x16xf32>
      tpu.vector_store %arg9[%swap3A_308, %swap3A_309], %swap3A_312 {strides = array<i32>} : memref<8x128xf32, #tpu.memory_space<vmem>>, vector<1x16xf32>,
      %swap3A_313 = arith.constant 6 : i32
      %swap3A_314 = arith.index_cast %swap3A_313 : i32 to index
      %swap3A_315 = arith.constant 16 : index
      %swap3A_316 = tpu.vector_load %arg9[%swap3A_314, %swap3A_315] {strides = array<i32>} : memref<8x128xf32, #tpu.memory_space<vmem>>, vector<1x16xf32>,
      %swap3A_317 = vector.shape_cast %swap3A_316 : vector<1x16xf32> to vector<16xf32>
      %swap3A_318 = vector.shape_cast %broadcast_in_dim3A_19 : vector<16xf32> to vector<1x16xf32>
      tpu.vector_store %arg9[%swap3A_314, %swap3A_315], %swap3A_318 {strides = array<i32>} : memref<8x128xf32, #tpu.memory_space<vmem>>, vector<1x16xf32>,
      %swap3A_319 = arith.constant 6 : i32
      %swap3A_320 = arith.index_cast %swap3A_319 : i32 to index
      %swap3A_321 = arith.constant 32 : index
      %swap3A_322 = tpu.vector_load %arg9[%swap3A_320, %swap3A_321] {strides = array<i32>} : memref<8x128xf32, #tpu.memory_space<vmem>>, vector<1x16xf32>,
      %swap3A_323 = vector.shape_cast %swap3A_322 : vector<1x16xf32> to vector<16xf32>
      %swap3A_324 = vector.shape_cast %broadcast_in_dim3A_19 : vector<16xf32> to vector<1x16xf32>
      tpu.vector_store %arg9[%swap3A_320, %swap3A_321], %swap3A_324 {strides = array<i32>} : memref<8x128xf32, #tpu.memory_space<vmem>>, vector<1x16xf32>,
      %swap3A_325 = arith.constant 6 : i32
      %swap3A_326 = arith.index_cast %swap3A_325 : i32 to index
      %swap3A_327 = arith.constant 48 : index
      %swap3A_328 = tpu.vector_load %arg9[%swap3A_326, %swap3A_327] {strides = array<i32>} : memref<8x128xf32, #tpu.memory_space<vmem>>, vector<1x16xf32>,
      %swap3A_329 = vector.shape_cast %swap3A_328 : vector<1x16xf32> to vector<16xf32>
      %swap3A_330 = vector.shape_cast %broadcast_in_dim3A_19 : vector<16xf32> to vector<1x16xf32>
      tpu.vector_store %arg9[%swap3A_326, %swap3A_327], %swap3A_330 {strides = array<i32>} : memref<8x128xf32, #tpu.memory_space<vmem>>, vector<1x16xf32>,
      %swap3A_331 = arith.constant 6 : i32
      %swap3A_332 = arith.index_cast %swap3A_331 : i32 to index
      %swap3A_333 = arith.constant 64 : index
      %swap3A_334 = tpu.vector_load %arg9[%swap3A_332, %swap3A_333] {strides = array<i32>} : memref<8x128xf32, #tpu.memory_space<vmem>>, vector<1x16xf32>,
      %swap3A_335 = vector.shape_cast %swap3A_334 : vector<1x16xf32> to vector<16xf32>
      %swap3A_336 = vector.shape_cast %broadcast_in_dim3A_19 : vector<16xf32> to vector<1x16xf32>
      tpu.vector_store %arg9[%swap3A_332, %swap3A_333], %swap3A_336 {strides = array<i32>} : memref<8x128xf32, #tpu.memory_space<vmem>>, vector<1x16xf32>,
      %swap3A_337 = arith.constant 6 : i32
      %swap3A_338 = arith.index_cast %swap3A_337 : i32 to index
      %swap3A_339 = arith.constant 80 : index
      %swap3A_340 = tpu.vector_load %arg9[%swap3A_338, %swap3A_339] {strides = array<i32>} : memref<8x128xf32, #tpu.memory_space<vmem>>, vector<1x16xf32>,
      %swap3A_341 = vector.shape_cast %swap3A_340 : vector<1x16xf32> to vector<16xf32>
      %swap3A_342 = vector.shape_cast %broadcast_in_dim3A_19 : vector<16xf32> to vector<1x16xf32>
      tpu.vector_store %arg9[%swap3A_338, %swap3A_339], %swap3A_342 {strides = array<i32>} : memref<8x128xf32, #tpu.memory_space<vmem>>, vector<1x16xf32>,
      %swap3A_343 = arith.constant 6 : i32
      %swap3A_344 = arith.index_cast %swap3A_343 : i32 to index
      %swap3A_345 = arith.constant 96 : index
      %swap3A_346 = tpu.vector_load %arg9[%swap3A_344, %swap3A_345] {strides = array<i32>} : memref<8x128xf32, #tpu.memory_space<vmem>>, vector<1x16xf32>,
      %swap3A_347 = vector.shape_cast %swap3A_346 : vector<1x16xf32> to vector<16xf32>
      %swap3A_348 = vector.shape_cast %broadcast_in_dim3A_19 : vector<16xf32> to vector<1x16xf32>
      tpu.vector_store %arg9[%swap3A_344, %swap3A_345], %swap3A_348 {strides = array<i32>} : memref<8x128xf32, #tpu.memory_space<vmem>>, vector<1x16xf32>,
      %swap3A_349 = arith.constant 6 : i32
      %swap3A_350 = arith.index_cast %swap3A_349 : i32 to index
      %swap3A_351 = arith.constant 112 : index
      %swap3A_352 = tpu.vector_load %arg9[%swap3A_350, %swap3A_351] {strides = array<i32>} : memref<8x128xf32, #tpu.memory_space<vmem>>, vector<1x16xf32>,
      %swap3A_353 = vector.shape_cast %swap3A_352 : vector<1x16xf32> to vector<16xf32>
      %swap3A_354 = vector.shape_cast %broadcast_in_dim3A_19 : vector<16xf32> to vector<1x16xf32>
      tpu.vector_store %arg9[%swap3A_350, %swap3A_351], %swap3A_354 {strides = array<i32>} : memref<8x128xf32, #tpu.memory_space<vmem>>, vector<1x16xf32>,
      %swap3A_355 = arith.constant 7 : i32
      %swap3A_356 = arith.index_cast %swap3A_355 : i32 to index
      %swap3A_357 = arith.constant 0 : index
      %swap3A_358 = tpu.vector_load %arg9[%swap3A_356, %swap3A_357] {strides = array<i32>} : memref<8x128xf32, #tpu.memory_space<vmem>>, vector<1x16xf32>,
      %swap3A_359 = vector.shape_cast %swap3A_358 : vector<1x16xf32> to vector<16xf32>
      %swap3A_360 = vector.shape_cast %broadcast_in_dim3A_19 : vector<16xf32> to vector<1x16xf32>
      tpu.vector_store %arg9[%swap3A_356, %swap3A_357], %swap3A_360 {strides = array<i32>} : memref<8x128xf32, #tpu.memory_space<vmem>>, vector<1x16xf32>,
      %swap3A_361 = arith.constant 7 : i32
      %swap3A_362 = arith.index_cast %swap3A_361 : i32 to index
      %swap3A_363 = arith.constant 16 : index
      %swap3A_364 = tpu.vector_load %arg9[%swap3A_362, %swap3A_363] {strides = array<i32>} : memref<8x128xf32, #tpu.memory_space<vmem>>, vector<1x16xf32>,
      %swap3A_365 = vector.shape_cast %swap3A_364 : vector<1x16xf32> to vector<16xf32>
      %swap3A_366 = vector.shape_cast %broadcast_in_dim3A_19 : vector<16xf32> to vector<1x16xf32>
      tpu.vector_store %arg9[%swap3A_362, %swap3A_363], %swap3A_366 {strides = array<i32>} : memref<8x128xf32, #tpu.memory_space<vmem>>, vector<1x16xf32>,
      %swap3A_367 = arith.constant 7 : i32
      %swap3A_368 = arith.index_cast %swap3A_367 : i32 to index
      %swap3A_369 = arith.constant 32 : index
      %swap3A_370 = tpu.vector_load %arg9[%swap3A_368, %swap3A_369] {strides = array<i32>} : memref<8x128xf32, #tpu.memory_space<vmem>>, vector<1x16xf32>,
      %swap3A_371 = vector.shape_cast %swap3A_370 : vector<1x16xf32> to vector<16xf32>
      %swap3A_372 = vector.shape_cast %broadcast_in_dim3A_19 : vector<16xf32> to vector<1x16xf32>
      tpu.vector_store %arg9[%swap3A_368, %swap3A_369], %swap3A_372 {strides = array<i32>} : memref<8x128xf32, #tpu.memory_space<vmem>>, vector<1x16xf32>,
      %swap3A_373 = arith.constant 7 : i32
      %swap3A_374 = arith.index_cast %swap3A_373 : i32 to index
      %swap3A_375 = arith.constant 48 : index
      %swap3A_376 = tpu.vector_load %arg9[%swap3A_374, %swap3A_375] {strides = array<i32>} : memref<8x128xf32, #tpu.memory_space<vmem>>, vector<1x16xf32>,
      %swap3A_377 = vector.shape_cast %swap3A_376 : vector<1x16xf32> to vector<16xf32>
      %swap3A_378 = vector.shape_cast %broadcast_in_dim3A_19 : vector<16xf32> to vector<1x16xf32>
      tpu.vector_store %arg9[%swap3A_374, %swap3A_375], %swap3A_378 {strides = array<i32>} : memref<8x128xf32, #tpu.memory_space<vmem>>, vector<1x16xf32>,
      %swap3A_379 = arith.constant 7 : i32
      %swap3A_380 = arith.index_cast %swap3A_379 : i32 to index
      %swap3A_381 = arith.constant 64 : index
      %swap3A_382 = tpu.vector_load %arg9[%swap3A_380, %swap3A_381] {strides = array<i32>} : memref<8x128xf32, #tpu.memory_space<vmem>>, vector<1x16xf32>,
      %swap3A_383 = vector.shape_cast %swap3A_382 : vector<1x16xf32> to vector<16xf32>
      %swap3A_384 = vector.shape_cast %broadcast_in_dim3A_19 : vector<16xf32> to vector<1x16xf32>
      tpu.vector_store %arg9[%swap3A_380, %swap3A_381], %swap3A_384 {strides = array<i32>} : memref<8x128xf32, #tpu.memory_space<vmem>>, vector<1x16xf32>,
      %swap3A_385 = arith.constant 7 : i32
      %swap3A_386 = arith.index_cast %swap3A_385 : i32 to index
      %swap3A_387 = arith.constant 80 : index
      %swap3A_388 = tpu.vector_load %arg9[%swap3A_386, %swap3A_387] {strides = array<i32>} : memref<8x128xf32, #tpu.memory_space<vmem>>, vector<1x16xf32>,
      %swap3A_389 = vector.shape_cast %swap3A_388 : vector<1x16xf32> to vector<16xf32>
      %swap3A_390 = vector.shape_cast %broadcast_in_dim3A_19 : vector<16xf32> to vector<1x16xf32>
      tpu.vector_store %arg9[%swap3A_386, %swap3A_387], %swap3A_390 {strides = array<i32>} : memref<8x128xf32, #tpu.memory_space<vmem>>, vector<1x16xf32>,
      %swap3A_391 = arith.constant 7 : i32
      %swap3A_392 = arith.index_cast %swap3A_391 : i32 to index
      %swap3A_393 = arith.constant 96 : index
      %swap3A_394 = tpu.vector_load %arg9[%swap3A_392, %swap3A_393] {strides = array<i32>} : memref<8x128xf32, #tpu.memory_space<vmem>>, vector<1x16xf32>,
      %swap3A_395 = vector.shape_cast %swap3A_394 : vector<1x16xf32> to vector<16xf32>
      %swap3A_396 = vector.shape_cast %broadcast_in_dim3A_19 : vector<16xf32> to vector<1x16xf32>
      tpu.vector_store %arg9[%swap3A_392, %swap3A_393], %swap3A_396 {strides = array<i32>} : memref<8x128xf32, #tpu.memory_space<vmem>>, vector<1x16xf32>,
      %swap3A_397 = arith.constant 7 : i32
      %swap3A_398 = arith.index_cast %swap3A_397 : i32 to index
      %swap3A_399 = arith.constant 112 : index
      %swap3A_400 = tpu.vector_load %arg9[%swap3A_398, %swap3A_399] {strides = array<i32>} : memref<8x128xf32, #tpu.memory_space<vmem>>, vector<1x16xf32>,
      %swap3A_401 = vector.shape_cast %swap3A_400 : vector<1x16xf32> to vector<16xf32>
      %swap3A_402 = vector.shape_cast %broadcast_in_dim3A_19 : vector<16xf32> to vector<1x16xf32>
      tpu.vector_store %arg9[%swap3A_398, %swap3A_399], %swap3A_402 {strides = array<i32>} : memref<8x128xf32, #tpu.memory_space<vmem>>, vector<1x16xf32>,
      %scan3A_403 = arith.constant 0 : i32
      %scan3A_404 = arith.constant 0 : i32
      %scan3A_405 = arith.constant 80 : i32
      %scan3A_406 = arith.addi %scan3A_404, %scan3A_405 : i32
      %scan3A_407 = arith.constant 1 : i32
      scf.for %scan3A_409 = %scan3A_404 to %scan3A_406 step %scan3A_407  : i32 {
        %mul3A_410 = arith.constant 8 : i32
        %mul3A_411 = arith.muli %scan3A_409, %mul3A_410 : i32
        %add3A_412 = arith.addi %multiple_of3A, %mul3A_411 : i32
        %multiple_of3A_413 = tpu.assume_multiple %add3A_412, 8 : i32
        "tpu.region"() ({
          %run_scoped3A = tpu.sem_alloc : memref<!tpu.dma_semaphore, #tpu.memory_space<semaphore_mem>>
          %dma_start3A = arith.constant 0 : i32
          %dma_start3A_414 = tpu.memref_slice %arg10[%multiple_of3A_413, %dma_start3A] : memref<10240x128xf32, #tpu.memory_space<vmem_shared>> -> memref<8x128xf32, #tpu.memory_space<vmem_shared>>
          %dma_start3A_415 = arith.constant 0 : i32
          %dma_start3A_416 = tpu.memref_slice %arg10[%multiple_of3A_413, %dma_start3A_415] : memref<10240x128xf32, #tpu.memory_space<vmem_shared>> -> memref<8x128xf32, #tpu.memory_space<vmem_shared>>
          tpu.enqueue_dma source(%arg9 : memref<8x128xf32, #tpu.memory_space<vmem>>) target(%dma_start3A_416 : memref<8x128xf32, #tpu.memory_space<vmem_shared>>) target_semaphore(%run_scoped3A : memref<!tpu.dma_semaphore, #tpu.memory_space<semaphore_mem>>)
          %dma_wait3A = arith.constant 0 : i32
          %dma_wait3A_417 = tpu.memref_slice %arg10[%multiple_of3A_413, %dma_wait3A] : memref<10240x128xf32, #tpu.memory_space<vmem_shared>> -> memref<8x128xf32, #tpu.memory_space<vmem_shared>>
          %dma_wait3A_418 = arith.constant 0 : i32
          %dma_wait3A_419 = tpu.memref_slice %arg10[%multiple_of3A_413, %dma_wait3A_418] : memref<10240x128xf32, #tpu.memory_space<vmem_shared>> -> memref<8x128xf32, #tpu.memory_space<vmem_shared>>
          tpu.wait_dma2 semaphore(%run_scoped3A : memref<!tpu.dma_semaphore, #tpu.memory_space<semaphore_mem>>) src(%arg9 : memref<8x128xf32, #tpu.memory_space<vmem>>) dst(%dma_wait3A_419 : memref<8x128xf32, #tpu.memory_space<vmem_shared>>)
          tpu.yield
        }) : () -> ()
      }
      %scan3A_408 = arith.constant 80 : i32
    } else {
    }
    %barrier3A = arith.constant 0 : index
    tpu.barrier barrier_id(%barrier3A)
    %mul3A_9 = arith.constant 79 : i32
    %mul3A_10 = arith.muli %add3A, %mul3A_9 : i32
    %mul3A_11 = arith.constant 128 : i32
    %mul3A_12 = arith.muli %mul3A_10, %mul3A_11 : i32
    %scan3A = arith.constant 0 : i32
    %scan3A_13 = arith.constant 0 : i32
    %scan3A_14 = arith.constant 79 : i32
    %scan3A_15 = arith.addi %scan3A_13, %scan3A_14 : i32
    %scan3A_16 = arith.constant 1 : i32
    scf.for %scan3A_19 = %scan3A_13 to %scan3A_15 step %scan3A_16  : i32 {
      %mul3A_20 = arith.constant 128 : i32
      %mul3A_21 = arith.muli %scan3A_19, %mul3A_20 : i32
      %add3A_22 = arith.addi %mul3A_12, %mul3A_21 : i32
      %multiple_of3A_23 = tpu.assume_multiple %add3A_22, 8 : i32
      "tpu.region"() ({
        %run_scoped3A = tpu.sem_alloc : memref<!tpu.dma_semaphore, #tpu.memory_space<semaphore_mem>>
        %dma_start3A_28 = tpu.memref_slice %arg3[%multiple_of3A_23] : memref<323584xi32, #tpu.memory_space<hbm>> -> memref<128xi32, #tpu.memory_space<hbm>>
        %dma_start3A_29 = tpu.memref_slice %arg3[%multiple_of3A_23] : memref<323584xi32, #tpu.memory_space<hbm>> -> memref<128xi32, #tpu.memory_space<hbm>>
        tpu.enqueue_dma source(%dma_start3A_29 : memref<128xi32, #tpu.memory_space<hbm>>) target(%arg6 : memref<128xi32, #tpu.memory_space<vmem>>) target_semaphore(%run_scoped3A : memref<!tpu.dma_semaphore, #tpu.memory_space<semaphore_mem>>)
        %dma_wait3A_30 = tpu.memref_slice %arg3[%multiple_of3A_23] : memref<323584xi32, #tpu.memory_space<hbm>> -> memref<128xi32, #tpu.memory_space<hbm>>
        %dma_wait3A_31 = tpu.memref_slice %arg3[%multiple_of3A_23] : memref<323584xi32, #tpu.memory_space<hbm>> -> memref<128xi32, #tpu.memory_space<hbm>>
        tpu.wait_dma2 semaphore(%run_scoped3A : memref<!tpu.dma_semaphore, #tpu.memory_space<semaphore_mem>>) src(%dma_wait3A_31 : memref<128xi32, #tpu.memory_space<hbm>>) dst(%arg6 : memref<128xi32, #tpu.memory_space<vmem>>)
        tpu.yield
      }) : () -> ()
      "tpu.region"() ({
        %run_scoped3A = tpu.sem_alloc : memref<!tpu.dma_semaphore, #tpu.memory_space<semaphore_mem>>
        %dma_start3A_28 = tpu.memref_slice %arg4[%multiple_of3A_23] : memref<323584xi32, #tpu.memory_space<hbm>> -> memref<128xi32, #tpu.memory_space<hbm>>
        %dma_start3A_29 = tpu.memref_slice %arg4[%multiple_of3A_23] : memref<323584xi32, #tpu.memory_space<hbm>> -> memref<128xi32, #tpu.memory_space<hbm>>
        tpu.enqueue_dma source(%dma_start3A_29 : memref<128xi32, #tpu.memory_space<hbm>>) target(%arg7 : memref<128xi32, #tpu.memory_space<vmem>>) target_semaphore(%run_scoped3A : memref<!tpu.dma_semaphore, #tpu.memory_space<semaphore_mem>>)
        %dma_wait3A_30 = tpu.memref_slice %arg4[%multiple_of3A_23] : memref<323584xi32, #tpu.memory_space<hbm>> -> memref<128xi32, #tpu.memory_space<hbm>>
        %dma_wait3A_31 = tpu.memref_slice %arg4[%multiple_of3A_23] : memref<323584xi32, #tpu.memory_space<hbm>> -> memref<128xi32, #tpu.memory_space<hbm>>
        tpu.wait_dma2 semaphore(%run_scoped3A : memref<!tpu.dma_semaphore, #tpu.memory_space<semaphore_mem>>) src(%dma_wait3A_31 : memref<128xi32, #tpu.memory_space<hbm>>) dst(%arg7 : memref<128xi32, #tpu.memory_space<vmem>>)
        tpu.yield
      }) : () -> ()
      %dma_start3A = arith.constant 0 : i32
      %dma_start3A_24 = arith.constant 0 : i32
      %dma_start3A_25 = tpu.memref_slice %arg2[%dma_start3A, %dma_start3A_24] : memref<10240x128xf32, #tpu.memory_space<hbm>> -> memref<10240x128xf32, #tpu.memory_space<hbm>>
      tpu.enqueue_indirect_dma source(%dma_start3A_25 : memref<10240x128xf32, #tpu.memory_space<hbm>>) target(%arg8 : memref<128x128xf32, #tpu.memory_space<vmem>>) offsets(%arg6 : memref<128xi32, #tpu.memory_space<vmem>>) semaphore(%arg11 : memref<!tpu.dma_semaphore, #tpu.memory_space<semaphore_mem>>)
      %dma_wait3A = arith.constant 0 : i32
      %dma_wait3A_26 = arith.constant 0 : i32
      %dma_wait3A_27 = tpu.memref_slice %arg2[%dma_wait3A, %dma_wait3A_26] : memref<10240x128xf32, #tpu.memory_space<hbm>> -> memref<10240x128xf32, #tpu.memory_space<hbm>>
      tpu.wait_indirect_dma semaphore(%arg11 : memref<!tpu.dma_semaphore, #tpu.memory_space<semaphore_mem>>) src(%dma_wait3A_27 : memref<10240x128xf32, #tpu.memory_space<hbm>>) dst(%arg8 : memref<128x128xf32, #tpu.memory_space<vmem>>)
      "tpu.region"() ({
        %run_scoped3A = tpu.sem_alloc : memref<!tpu.dma_semaphore, #tpu.memory_space<semaphore_mem>>
        %dma_start3A_28 = arith.constant 0 : i32
        %dma_start3A_29 = arith.constant 0 : i32
        %dma_start3A_30 = tpu.memref_slice %arg10[%dma_start3A_28, %dma_start3A_29] : memref<10240x128xf32, #tpu.memory_space<vmem_shared>> -> memref<10240x128xf32, #tpu.memory_space<vmem_shared>>
        tpu.enqueue_indirect_dma source(%arg8 : memref<128x128xf32, #tpu.memory_space<vmem>>) target(%dma_start3A_30 : memref<10240x128xf32, #tpu.memory_space<vmem_shared>>) offsets(%arg7 : memref<128xi32, #tpu.memory_space<vmem>>) semaphore(%run_scoped3A : memref<!tpu.dma_semaphore, #tpu.memory_space<semaphore_mem>>) {add = true}
        %dma_wait3A_31 = arith.constant 0 : i32
        %dma_wait3A_32 = arith.constant 0 : i32
        %dma_wait3A_33 = tpu.memref_slice %arg10[%dma_wait3A_31, %dma_wait3A_32] : memref<10240x128xf32, #tpu.memory_space<vmem_shared>> -> memref<10240x128xf32, #tpu.memory_space<vmem_shared>>
        tpu.wait_indirect_dma semaphore(%run_scoped3A : memref<!tpu.dma_semaphore, #tpu.memory_space<semaphore_mem>>) src(%arg8 : memref<128x128xf32, #tpu.memory_space<vmem>>) dst(%dma_wait3A_33 : memref<10240x128xf32, #tpu.memory_space<vmem_shared>>)
        tpu.yield
      }) : () -> ()
    }
    %scan3A_17 = arith.constant 79 : i32
    %barrier3A_18 = arith.constant 0 : index
    tpu.barrier barrier_id(%barrier3A_18)
    "tpu.region"() ({
      %run_scoped3A = tpu.sem_alloc : memref<!tpu.dma_semaphore, #tpu.memory_space<semaphore_mem>>
      %dma_start3A = arith.constant 0 : i32
      %dma_start3A_19 = tpu.memref_slice %arg5[%arg0, %multiple_of3A, %dma_start3A] : memref<2x10240x128xf32, #tpu.memory_space<hbm>> -> memref<1x640x128xf32, #tpu.memory_space<hbm>>
      %dma_start3A_20 = tpu.memref_squeeze %dma_start3A_19 : memref<1x640x128xf32, #tpu.memory_space<hbm>> -> memref<640x128xf32, #tpu.memory_space<hbm>>
      %dma_start3A_21 = arith.constant 0 : i32
      %dma_start3A_22 = tpu.memref_slice %arg10[%multiple_of3A, %dma_start3A_21] : memref<10240x128xf32, #tpu.memory_space<vmem_shared>> -> memref<640x128xf32, #tpu.memory_space<vmem_shared>>
      tpu.enqueue_dma source(%dma_start3A_22 : memref<640x128xf32, #tpu.memory_space<vmem_shared>>) target(%dma_start3A_20 : memref<640x128xf32, #tpu.memory_space<hbm>>) target_semaphore(%run_scoped3A : memref<!tpu.dma_semaphore, #tpu.memory_space<semaphore_mem>>)
      %dma_wait3A = arith.constant 0 : i32
      %dma_wait3A_23 = tpu.memref_slice %arg5[%arg0, %multiple_of3A, %dma_wait3A] : memref<2x10240x128xf32, #tpu.memory_space<hbm>> -> memref<1x640x128xf32, #tpu.memory_space<hbm>>
      %dma_wait3A_24 = tpu.memref_squeeze %dma_wait3A_23 : memref<1x640x128xf32, #tpu.memory_space<hbm>> -> memref<640x128xf32, #tpu.memory_space<hbm>>
      %dma_wait3A_25 = arith.constant 0 : i32
      %dma_wait3A_26 = tpu.memref_slice %arg10[%multiple_of3A, %dma_wait3A_25] : memref<10240x128xf32, #tpu.memory_space<vmem_shared>> -> memref<640x128xf32, #tpu.memory_space<vmem_shared>>
      tpu.wait_dma2 semaphore(%run_scoped3A : memref<!tpu.dma_semaphore, #tpu.memory_space<semaphore_mem>>) src(%dma_wait3A_26 : memref<640x128xf32, #tpu.memory_space<vmem_shared>>) dst(%dma_wait3A_24 : memref<640x128xf32, #tpu.memory_space<hbm>>)
      tpu.yield
    }) : () -> ()
    return
  }
}

module attributes {stable_mosaic.version = 14 : i64} {
  func.func @_first_body(%arg0: i32, %arg1: memref<1024x1xf32, #tpu.memory_space<vmem>>, %arg2: memref<1024x1xf32, #tpu.memory_space<vmem>>, %arg3: memref<1024x128xf32, #tpu.memory_space<vmem>>, %arg4: memref<128x128xf32, #tpu.memory_space<vmem>>, %arg5: memref<1024x1xf32, #tpu.memory_space<vmem>>, %arg6: memref<1024x128xf32, #tpu.memory_space<vmem>>) attributes {dimension_semantics = [#tpu.dimension_semantics<arbitrary>], iteration_bounds = array<i64: 10>, scalar_prefetch = 0 : i64, scratch_operands = 0 : i64, tpu.core_type = #tpu.core_type<tc>, window_params = [{transform_indices = @transform_0, window_bounds = array<i64: 1024, 1>}, {transform_indices = @transform_1, window_bounds = array<i64: 1024, 1>}, {transform_indices = @transform_2, window_bounds = array<i64: 1024, 128>}, {pipeline_mode = #tpu.pipeline_mode<synchronous>, transform_indices = @transform_3, window_bounds = array<i64: 128, 128>}, {transform_indices = @transform_4, window_bounds = array<i64: 1024, 1>}, {transform_indices = @transform_5, window_bounds = array<i64: 1024, 128>}]} {
    %get3A = arith.constant 0 : index
    %get3A_0 = arith.constant 0 : index
    %get3A_1 = vector.load %arg1[%get3A, %get3A_0] : memref<1024x1xf32, #tpu.memory_space<vmem>>, vector<1024x1xf32>
    %get3A_2 = arith.constant 0 : index
    %get3A_3 = arith.constant 0 : index
    %get3A_4 = vector.load %arg2[%get3A_2, %get3A_3] : memref<1024x1xf32, #tpu.memory_space<vmem>>, vector<1024x1xf32>
    %add3A = arith.addf %get3A_1, %get3A_4 : vector<1024x1xf32>
    %add3A_5 = arith.constant 1.000000e+00 : f32
    %add3A_6 = vector.broadcast %add3A_5 : f32 to vector<1024x1xf32>
    %add3A_7 = arith.addf %add3A, %add3A_6 : vector<1024x1xf32>
    %rsqrt3A = math.rsqrt %add3A_7 : vector<1024x1xf32>
    %swap3A = arith.constant 0 : index
    %swap3A_8 = arith.constant 0 : index
    %swap3A_9 = vector.load %arg5[%swap3A, %swap3A_8] : memref<1024x1xf32, #tpu.memory_space<vmem>>, vector<1024x1xf32>
    tpu.vector_store %arg5[%swap3A, %swap3A_8], %rsqrt3A {strides = array<i32>} : memref<1024x1xf32, #tpu.memory_space<vmem>>, vector<1024x1xf32>,
    %get3A_10 = arith.constant 0 : index
    %get3A_11 = arith.constant 0 : index
    %get3A_12 = vector.load %arg3[%get3A_10, %get3A_11] : memref<1024x128xf32, #tpu.memory_space<vmem>>, vector<1024x128xf32>
    %get3A_13 = arith.constant 0 : index
    %get3A_14 = arith.constant 0 : index
    %get3A_15 = vector.load %arg4[%get3A_13, %get3A_14] : memref<128x128xf32, #tpu.memory_space<vmem>>, vector<128x128xf32>
    %dot_general3A = arith.constant dense<0.000000e+00> : vector<1024x128xf32>
    %dot_general3A_16 = tpu.matmul %get3A_12, %get3A_15, %dot_general3A {dimension_numbers = #tpu.dot_dimension_numbers<[1], [0], [0], [1], [0, 0, 1, 1], [], []>, transpose_lhs_hint = false} : vector<1024x128xf32>, vector<128x128xf32>, vector<1024x128xf32> -> vector<1024x128xf32>
    %mul3A = vector.broadcast %rsqrt3A : vector<1024x1xf32> to vector<1024x128xf32>
    %mul3A_17 = arith.mulf %mul3A, %dot_general3A_16 : vector<1024x128xf32>
    %swap3A_18 = arith.constant 0 : index
    %swap3A_19 = arith.constant 0 : index
    %swap3A_20 = vector.load %arg6[%swap3A_18, %swap3A_19] : memref<1024x128xf32, #tpu.memory_space<vmem>>, vector<1024x128xf32>
    tpu.vector_store %arg6[%swap3A_18, %swap3A_19], %mul3A_17 {strides = array<i32>} : memref<1024x128xf32, #tpu.memory_space<vmem>>, vector<1024x128xf32>,
    return
  }
  func.func @transform_0(%arg0: i32) -> (i32, i32) {
    %c0_i32 = arith.constant 0 : i32
    %c0_i32_0 = arith.constant 0 : i32
    return %arg0, %c0_i32 : i32, i32
  }
  func.func @transform_1(%arg0: i32) -> (i32, i32) {
    %c0_i32 = arith.constant 0 : i32
    %c0_i32_0 = arith.constant 0 : i32
    return %arg0, %c0_i32 : i32, i32
  }
  func.func @transform_2(%arg0: i32) -> (i32, i32) {
    %c0_i32 = arith.constant 0 : i32
    %c0_i32_0 = arith.constant 0 : i32
    return %arg0, %c0_i32 : i32, i32
  }
  func.func @transform_3(%arg0: i32) -> (i32, i32) {
    %c0_i32 = arith.constant 0 : i32
    %c0_i32_0 = arith.constant 0 : i32
    %c0_i32_1 = arith.constant 0 : i32
    return %c0_i32, %c0_i32_0 : i32, i32
  }
  func.func @transform_4(%arg0: i32) -> (i32, i32) {
    %c0_i32 = arith.constant 0 : i32
    %c0_i32_0 = arith.constant 0 : i32
    return %arg0, %c0_i32 : i32, i32
  }
  func.func @transform_5(%arg0: i32) -> (i32, i32) {
    %c0_i32 = arith.constant 0 : i32
    %c0_i32_0 = arith.constant 0 : i32
    return %arg0, %c0_i32 : i32, i32
  }
}

module attributes {stable_mosaic.version = 14 : i64} {
  func.func @_mid_body(%arg0: i32, %arg1: memref<1024x128xf32, #tpu.memory_space<vmem>>, %arg2: memref<1024x128xf32, #tpu.memory_space<vmem>>, %arg3: memref<1024x1xf32, #tpu.memory_space<vmem>>, %arg4: memref<1x128xf32, #tpu.memory_space<vmem>>, %arg5: memref<128x128xf32, #tpu.memory_space<vmem>>, %arg6: memref<1024x128xf32, #tpu.memory_space<vmem>>) attributes {dimension_semantics = [#tpu.dimension_semantics<arbitrary>], iteration_bounds = array<i64: 10>, scalar_prefetch = 0 : i64, scratch_operands = 0 : i64, tpu.core_type = #tpu.core_type<tc>, window_params = [{transform_indices = @transform_0, window_bounds = array<i64: 1024, 128>}, {transform_indices = @transform_1, window_bounds = array<i64: 1024, 128>}, {transform_indices = @transform_2, window_bounds = array<i64: 1024, 1>}, {pipeline_mode = #tpu.pipeline_mode<synchronous>, transform_indices = @transform_3, window_bounds = array<i64: 1, 128>}, {pipeline_mode = #tpu.pipeline_mode<synchronous>, transform_indices = @transform_4, window_bounds = array<i64: 128, 128>}, {transform_indices = @transform_5, window_bounds = array<i64: 1024, 128>}]} {
    %get3A = arith.constant 0 : index
    %get3A_0 = arith.constant 0 : index
    %get3A_1 = vector.load %arg3[%get3A, %get3A_0] : memref<1024x1xf32, #tpu.memory_space<vmem>>, vector<1024x1xf32>
    %get3A_2 = arith.constant 0 : index
    %get3A_3 = arith.constant 0 : index
    %get3A_4 = vector.load %arg1[%get3A_2, %get3A_3] : memref<1024x128xf32, #tpu.memory_space<vmem>>, vector<1024x128xf32>
    %get3A_5 = arith.constant 0 : index
    %get3A_6 = arith.constant 0 : index
    %get3A_7 = vector.load %arg2[%get3A_5, %get3A_6] : memref<1024x128xf32, #tpu.memory_space<vmem>>, vector<1024x128xf32>
    %add3A = arith.addf %get3A_4, %get3A_7 : vector<1024x128xf32>
    %mul3A = vector.broadcast %get3A_1 : vector<1024x1xf32> to vector<1024x128xf32>
    %mul3A_8 = arith.mulf %mul3A, %add3A : vector<1024x128xf32>
    %get3A_9 = arith.constant 0 : index
    %get3A_10 = arith.constant 0 : index
    %get3A_11 = vector.load %arg4[%get3A_9, %get3A_10] : memref<1x128xf32, #tpu.memory_space<vmem>>, vector<1x128xf32>
    %add3A_12 = vector.broadcast %get3A_11 : vector<1x128xf32> to vector<1024x128xf32>
    %add3A_13 = arith.addf %mul3A_8, %add3A_12 : vector<1024x128xf32>
    %max3A = arith.constant 0.000000e+00 : f32
    %max3A_14 = vector.broadcast %max3A : f32 to vector<1024x128xf32>
    %max3A_15 = arith.maximumf %add3A_13, %max3A_14 : vector<1024x128xf32>
    %get3A_16 = arith.constant 0 : index
    %get3A_17 = arith.constant 0 : index
    %get3A_18 = vector.load %arg5[%get3A_16, %get3A_17] : memref<128x128xf32, #tpu.memory_space<vmem>>, vector<128x128xf32>
    %dot_general3A = arith.constant dense<0.000000e+00> : vector<1024x128xf32>
    %dot_general3A_19 = tpu.matmul %max3A_15, %get3A_18, %dot_general3A {dimension_numbers = #tpu.dot_dimension_numbers<[1], [0], [0], [1], [0, 0, 1, 1], [], []>, transpose_lhs_hint = false} : vector<1024x128xf32>, vector<128x128xf32>, vector<1024x128xf32> -> vector<1024x128xf32>
    %mul3A_20 = vector.broadcast %get3A_1 : vector<1024x1xf32> to vector<1024x128xf32>
    %mul3A_21 = arith.mulf %mul3A_20, %dot_general3A_19 : vector<1024x128xf32>
    %swap3A = arith.constant 0 : index
    %swap3A_22 = arith.constant 0 : index
    %swap3A_23 = vector.load %arg6[%swap3A, %swap3A_22] : memref<1024x128xf32, #tpu.memory_space<vmem>>, vector<1024x128xf32>
    tpu.vector_store %arg6[%swap3A, %swap3A_22], %mul3A_21 {strides = array<i32>} : memref<1024x128xf32, #tpu.memory_space<vmem>>, vector<1024x128xf32>,
    return
  }
  func.func @transform_0(%arg0: i32) -> (i32, i32) {
    %c0_i32 = arith.constant 0 : i32
    %c0_i32_0 = arith.constant 0 : i32
    return %arg0, %c0_i32 : i32, i32
  }
  func.func @transform_1(%arg0: i32) -> (i32, i32) {
    %c0_i32 = arith.constant 0 : i32
    %c0_i32_0 = arith.constant 0 : i32
    return %arg0, %c0_i32 : i32, i32
  }
  func.func @transform_2(%arg0: i32) -> (i32, i32) {
    %c0_i32 = arith.constant 0 : i32
    %c0_i32_0 = arith.constant 0 : i32
    return %arg0, %c0_i32 : i32, i32
  }
  func.func @transform_3(%arg0: i32) -> (i32, i32) {
    %c0_i32 = arith.constant 0 : i32
    %c0_i32_0 = arith.constant 0 : i32
    %c0_i32_1 = arith.constant 0 : i32
    return %c0_i32, %c0_i32_0 : i32, i32
  }
  func.func @transform_4(%arg0: i32) -> (i32, i32) {
    %c0_i32 = arith.constant 0 : i32
    %c0_i32_0 = arith.constant 0 : i32
    %c0_i32_1 = arith.constant 0 : i32
    return %c0_i32, %c0_i32_0 : i32, i32
  }
  func.func @transform_5(%arg0: i32) -> (i32, i32) {
    %c0_i32 = arith.constant 0 : i32
    %c0_i32_0 = arith.constant 0 : i32
    return %arg0, %c0_i32 : i32, i32
  }
}

module attributes {stable_mosaic.version = 14 : i64} {
  func.func @_last_body(%arg0: i32, %arg1: memref<1024x128xf32, #tpu.memory_space<vmem>>, %arg2: memref<1024x128xf32, #tpu.memory_space<vmem>>, %arg3: memref<1024x1xf32, #tpu.memory_space<vmem>>, %arg4: memref<1x128xf32, #tpu.memory_space<vmem>>, %arg5: memref<1024x128xf32, #tpu.memory_space<vmem>>) attributes {dimension_semantics = [#tpu.dimension_semantics<arbitrary>], iteration_bounds = array<i64: 10>, scalar_prefetch = 0 : i64, scratch_operands = 0 : i64, tpu.core_type = #tpu.core_type<tc>, window_params = [{transform_indices = @transform_0, window_bounds = array<i64: 1024, 128>}, {transform_indices = @transform_1, window_bounds = array<i64: 1024, 128>}, {transform_indices = @transform_2, window_bounds = array<i64: 1024, 1>}, {pipeline_mode = #tpu.pipeline_mode<synchronous>, transform_indices = @transform_3, window_bounds = array<i64: 1, 128>}, {transform_indices = @transform_4, window_bounds = array<i64: 1024, 128>}]} {
    %get3A = arith.constant 0 : index
    %get3A_0 = arith.constant 0 : index
    %get3A_1 = vector.load %arg3[%get3A, %get3A_0] : memref<1024x1xf32, #tpu.memory_space<vmem>>, vector<1024x1xf32>
    %get3A_2 = arith.constant 0 : index
    %get3A_3 = arith.constant 0 : index
    %get3A_4 = vector.load %arg1[%get3A_2, %get3A_3] : memref<1024x128xf32, #tpu.memory_space<vmem>>, vector<1024x128xf32>
    %get3A_5 = arith.constant 0 : index
    %get3A_6 = arith.constant 0 : index
    %get3A_7 = vector.load %arg2[%get3A_5, %get3A_6] : memref<1024x128xf32, #tpu.memory_space<vmem>>, vector<1024x128xf32>
    %add3A = arith.addf %get3A_4, %get3A_7 : vector<1024x128xf32>
    %mul3A = vector.broadcast %get3A_1 : vector<1024x1xf32> to vector<1024x128xf32>
    %mul3A_8 = arith.mulf %mul3A, %add3A : vector<1024x128xf32>
    %get3A_9 = arith.constant 0 : index
    %get3A_10 = arith.constant 0 : index
    %get3A_11 = vector.load %arg4[%get3A_9, %get3A_10] : memref<1x128xf32, #tpu.memory_space<vmem>>, vector<1x128xf32>
    %add3A_12 = vector.broadcast %get3A_11 : vector<1x128xf32> to vector<1024x128xf32>
    %add3A_13 = arith.addf %mul3A_8, %add3A_12 : vector<1024x128xf32>
    %swap3A = arith.constant 0 : index
    %swap3A_14 = arith.constant 0 : index
    %swap3A_15 = vector.load %arg5[%swap3A, %swap3A_14] : memref<1024x128xf32, #tpu.memory_space<vmem>>, vector<1024x128xf32>
    tpu.vector_store %arg5[%swap3A, %swap3A_14], %add3A_13 {strides = array<i32>} : memref<1024x128xf32, #tpu.memory_space<vmem>>, vector<1024x128xf32>,
    return
  }
  func.func @transform_0(%arg0: i32) -> (i32, i32) {
    %c0_i32 = arith.constant 0 : i32
    %c0_i32_0 = arith.constant 0 : i32
    return %arg0, %c0_i32 : i32, i32
  }
  func.func @transform_1(%arg0: i32) -> (i32, i32) {
    %c0_i32 = arith.constant 0 : i32
    %c0_i32_0 = arith.constant 0 : i32
    return %arg0, %c0_i32 : i32, i32
  }
  func.func @transform_2(%arg0: i32) -> (i32, i32) {
    %c0_i32 = arith.constant 0 : i32
    %c0_i32_0 = arith.constant 0 : i32
    return %arg0, %c0_i32 : i32, i32
  }
  func.func @transform_3(%arg0: i32) -> (i32, i32) {
    %c0_i32 = arith.constant 0 : i32
    %c0_i32_0 = arith.constant 0 : i32
    %c0_i32_1 = arith.constant 0 : i32
    return %c0_i32, %c0_i32_0 : i32, i32
  }
  func.func @transform_4(%arg0: i32) -> (i32, i32) {
    %c0_i32 = arith.constant 0 : i32
    %c0_i32_0 = arith.constant 0 : i32
    return %arg0, %c0_i32 : i32, i32
  }
}

</mosaic_0001>

<sc_bundles>
// kernel: kernel.10.cloned.1.call-start
scs
__scs_entry_jumppad:
0x0: {  	(pc) =	sbr.rel $0x88, $3  }
0x1: {  	(tag) =	ssettag $0x0;
	lr =	simm.s32 $0x1  }
0x2: {  	[smem:$0x3F99] =	sst lr;
	_ =	strace $0xD0000000  }
0x3: {  	_ = 	snop  }
0x4: {  	_ = 	snop  }
0x5: {  	_ = 	snop  }
0x6: {  	_ = 	snop  }
0x7: {  	_ = 	snop  }
__scs_overlays_trampoline_lowered:
0x8: {  	[smem:$0x3FA8] =	sst s0  }
0x9: {  	[smem:$0x3FA9] =	sst s1  }
0xa: {  	[smem:$0x3FAA] =	sst s2  }
0xb: {  	[smem:$0x3FAB] =	sst s3  }
0xc: {  	[smem:$0x3FAC] =	sst s4  }
0xd: {  	[smem:$0x3FAD] =	sst s5  }
0xe: {  	[smem:$0x3FAE] =	sst s6  }
0xf: {  	[smem:$0x3FAF] =	sst s7  }
0x10: {  	[smem:$0x3FB0] =	sst s8  }
0x11: {  	[smem:$0x3FB1] =	sst s9;
	s0 =	simm.s32 @!p0 $0x0  }
0x12: {  	s1 =	sld [smem:$0x3F97];
	s0 =	simm.s32 @p0 $0x1  }
0x13: {  	[smem:$0x3FB2] =	sst s0;
	s0 =	simm.s32 @!p1 $0x0  }
0x14: {  	s2 =	sld [smem:$0x3F96];
	s0 =	simm.s32 @p1 $0x1  }
0x15: {  	[smem:$0x3FB3] =	sst s0;
	s0 =	simm.s32 @!p2 $0x0  }
0x16: {  	s3 =	sld [smem:$0x3FDB];
	s0 =	simm.s32 @p2 $0x1  }
0x17: {  	s4 =	simm.s32 $0x1BF5;
	[smem:$0x3FB5] =	sst s0  }
0x18: {  	s0 =	sld [smem:$0x3F98];
	_ =	swait.ge [sflag:s4], $0x0  }
0x19: {  	s7 =	sld [smem:$0x3F99]  }
0x1a: {  	s8 =	sadd.s32 $0xFFFFE003, lr  }
0x1b: {  	s9 =	sadd.s32 $0xFFFFFEF7, lr;
	s5 =	simm.s32 $0xFFFFFFFF;
	p2 =	slt.u32 s8, $0xFFFFF086  }
0x1c: {  	p1 =	slt.u32 s9, $0xF7A;
	s5 =	simm.s32 @!p2 $0x0  }
0x1d: {  	s5 =	simm.s32 @p1 $0x1;
	p0 =	seq.s32 s7, s2  }
0x1e: {  	s7 =	smul.u32 @!p0 $0xF7A, s2;
	p2 =	seq.s32 @!p0 s5, $0x0  }
0x1f: {  	s9 =	smul.u32 $0xF7A, s1;
	s8 =	simm.s32 @!p0 $0x1BF5;
	p2 =	por !p2, p0  }
0x20: {  	[sflag:s8] =	ssyncset.s32 @!p0 $0xFFFFF086;
	s6 =	sadd.s32 @!p0 s3, s7;
	s7 =	simm.s32 @!p0 $0x108  }
0x21: {  	s3 =	sadd.s32 s3, s9;
	s6 =	sadd.s32 @!p0 $0x88, s6;
	s7 =	simm.s32 @p2 $0x1082  }
0x22: {  	[simem:s7], [sflag:s8] =	dma.local @!p0 [hbm:s6], $0xF7A  }
0x23: {  	s9 =	sor.u32 $0xD0000000, s2;
	s6 =	simm.s32 $0x108;
	_ =	swait.ge @!p0 [sflag:s8], $0x0  }
0x24: {  	s3 =	sadd.s32 $0x88, s3;
	s6 =	simm.s32 @!p1 $0x1082;
	[sflag:s4] =	ssyncset.s32 $0xFFFFF086  }
0x25: {  	[simem:s6], [sflag:s4] =	dma.local [hbm:s3], $0xF7A  }
0x26: {  	[smem:$0x3F99] =	sst s1;
	(tag) =	ssettag s2;
	_ =	strace s9  }
0x27: {  	s1 =	sld [smem:$0x3FA9]  }
0x28: {  	s2 =	sld [smem:$0x3FAA]  }
0x29: {  	s4 =	sld [smem:$0x3FAC]  }
0x2a: {  	p0 =	seq.s32 s5, $0x0;
	s5 =	sld [smem:$0x3FAD]  }
0x2b: {  	s6 =	sld [smem:$0x3FAE]  }
0x2c: {  	s7 =	sld [smem:$0x3FAF]  }
0x2d: {  	s3 =	simm.s32 $0x108;
	s8 =	sld [smem:$0x3FB0]  }
0x2e: {  	s3 =	simm.s32 @!p0 $0x1082;
	s9 =	sld [smem:$0x3FB1]  }
0x2f: {  	lr =	sadd.s32 s0, s3;
	s0 =	sld [smem:$0x3FA8]  }
0x30: {  	s3 =	sld [smem:$0x3FAB]  }
0x31: {  	[smem:$0x3FB4] =	sst s10  }
0x32: {  	s10 =	sld [smem:$0x3FB2];
	_ =	sdelay $0x3  }
0x33: {  	p0 =	seq.s32 s10, $0x1;
	s10 =	sld [smem:$0x3FB4];
	_ =	sdelay $0x3  }
0x34: {  	[smem:$0x3FB4] =	sst s10  }
0x35: {  	s10 =	sld [smem:$0x3FB3];
	_ =	sdelay $0x3  }
0x36: {  	p1 =	seq.s32 s10, $0x1;
	s10 =	sld [smem:$0x3FB4];
	_ =	sdelay $0x3  }
0x37: {  	[smem:$0x3FB4] =	sst s10  }
0x38: {  	s10 =	sld [smem:$0x3FB5]  }
0x39: {  	_ = 	snop;
	(pc) =	sbr.ind lr, $3  }
0x3a: {  	_ = 	snop  }
0x3b: {  	_ = 	snop  }
0x3c: {  	p2 =	seq.s32 s10, $0x1;
	s10 =	sld [smem:$0x3FB4]  }
0x3d: {  	_ =	shalt  }
0x3e: {  	_ =	shalt  }
0x3f: {  	_ =	shalt  }
0x40: {  	_ =	shalt  }
0x41: {  	_ =	shalt  }
0x42: {  	_ =	shalt  }
0x43: {  	_ =	shalt  }
0x44: {  	_ =	shalt  }
0x45: {  	_ =	shalt  }
0x46: {  	_ =	shalt  }
0x47: {  	_ =	shalt  }
0x48: {  	_ =	shalt  }
0x49: {  	_ =	shalt  }
0x4a: {  	_ =	shalt  }
0x4b: {  	_ =	shalt  }
0x4c: {  	_ =	shalt  }
0x4d: {  	_ =	shalt  }
0x4e: {  	_ =	shalt  }
0x4f: {  	_ =	shalt  }
0x50: {  	_ =	shalt  }
0x51: {  	_ =	shalt  }
0x52: {  	_ =	shalt  }
0x53: {  	_ =	shalt  }
0x54: {  	_ =	shalt  }
0x55: {  	_ =	shalt  }
0x56: {  	_ =	shalt  }
0x57: {  	_ =	shalt  }
0x58: {  	_ =	shalt  }
0x59: {  	_ =	shalt  }
0x5a: {  	_ =	shalt  }
0x5b: {  	_ =	shalt  }
0x5c: {  	_ =	shalt  }
0x5d: {  	_ =	shalt  }
0x5e: {  	_ =	shalt  }
0x5f: {  	_ =	shalt  }
0x60: {  	_ =	shalt  }
0x61: {  	_ =	shalt  }
0x62: {  	_ =	shalt  }
0x63: {  	_ =	shalt  }
0x64: {  	_ =	shalt  }
0x65: {  	_ =	shalt  }
0x66: {  	_ =	shalt  }
0x67: {  	_ =	shalt  }
0x68: {  	_ =	shalt  }
0x69: {  	_ =	shalt  }
0x6a: {  	_ =	shalt  }
0x6b: {  	_ =	shalt  }
0x6c: {  	_ =	shalt  }
0x6d: {  	_ =	shalt  }
0x6e: {  	_ =	shalt  }
0x6f: {  	_ =	shalt  }
0x70: {  	_ =	shalt  }
0x71: {  	_ =	shalt  }
0x72: {  	_ =	shalt  }
0x73: {  	_ =	shalt  }
0x74: {  	_ =	shalt  }
0x75: {  	_ =	shalt  }
0x76: {  	_ =	shalt  }
0x77: {  	_ =	shalt  }
0x78: {  	_ =	shalt  }
0x79: {  	_ =	shalt  }
0x7a: {  	_ =	shalt  }
0x7b: {  	_ =	shalt  }
0x7c: {  	_ =	shalt  }
0x7d: {  	_ =	shalt  }
0x7e: {  	_ =	shalt  }
0x7f: {  	_ =	shalt  }
0x80: {  	_ =	shalt  }
0x81: {  	_ =	shalt  }
0x82: {  	_ =	shalt  }
0x83: {  	_ =	shalt  }
0x84: {  	_ =	shalt  }
0x85: {  	_ =	shalt  }
0x86: {  	_ =	shalt  }
0x87: {  	_ =	shalt  }
.Lfunc_end0:
.L_simem_size_0:
called_computation_lowered:
.L_overlay_start_0:
0x88: {  	s2 =	sld [smem:$0x3FD9]  }
0x89: {  	s3 =	sld [smem:$0x3FFE];
	_ =	sdelay $0x1  }
0x8a: {  	s1 =	srdreg.scid  }
0x8b: {  	s0 =	sand.u32 $0x1, s1  }
0x8c: {  	s17 =	sshll.u32 s0, $0xA;
	s2 =	sadd.s32 s3, s2  }
0x8d: {  	s2 =	sadd.s32 s2, s17  }
0x8e: {  	[smem:$0x3FC0] =	sst s2  }
0x8f: {  	_ = 	snop  }
0x90: {  	s2 =	sld [smem:$0x3FD0];
	(tm) =	ssettm $0x1  }
0x91: {  	s18 =	sld [smem:$0x3FFB];
	_ =	sdelay $0x3  }
0x92: {  	_ =	strace s18  }
0x93: {  	s3 =	sld [smem:$0x3FFC];
	_ =	sdelay $0x3  }
0x94: {  	_ =	strace s3  }
0x95: {  	s3 =	sld [smem:$0x3FFD];
	_ =	sdelay $0x3  }
0x96: {  	_ =	strace s3  }
0x97: {  	_ =	strace $0x8FFFFFFF  }
0x98: {  	s19 =	sld [smem:$0x3FDB];
	_ =	sdelay $0x1  }
0x99: {  	s4 =	simm.s32 $_scs_section_size  }
0x9a: {  	s5 =	simm.s32 $_size__tile_overlayer_lowered;
	s6 =	simm.s32 $_tile_overlayer_lowered  }
0x9b: {  	s22 =	simm.s32 $0x1BFF;
	s21 =	sshll.u32 s6, $0x1;
	s3 =	sadd.s32 s4, s19  }
0x9c: {  	s7 =	simm.s32 $0x0;
	s20 =	sshll.u32 s5, $0x1;
	s5 =	sadd.s32 s21, s3  }
0x9d: {  	[timem:s7], [sflag:s22] =	dma.local [hbm:s5], s20  }
0x9e: {  	_ =	swait.ge [sflag:s22], s20  }
0x9f: {  	s4 =	ssub.s32 $0x0, s20;
	[sflag:s22] =	ssyncset.done $0x0  }
0xa0: {  	[sflag:s22] =	ssyncadd.s32 s4;
	_ =	sdelay $0x1  }
0xa1: {  	s23 =	simm.s32 $0x1B8B  }
0xa2: {  	_ =	swait.ge [sflag:s23], $0x1  }
0xa3: {  	[sflag:s23] =	ssyncset.done $0x0  }
0xa4: {  	s25 =	simm.s32 $0x1B8E;
	s24 =	sld [smem:$0x3FFE];
	[sflag:s23] =	ssyncadd.s32 $0xFFFFFFFF  }
0xa5: {  	s26 =	simm.s32 $execute0_lowered;
	[smem:$0x3FD2] =	sst s25  }
0xa6: {  	s5 =	sshll.u32 s26, $0x1;
	_ =	strace $0x80000046;
	[dreg:$0x1] =	wrdreg $0xFFFFFFFF  }
0xa7: {  	s28 =	simm.s32 $_size_execute0_lowered;
	s3 =	sadd.s32 s3, s5;
	[dreg:$0x0] =	wrdreg $0x0  }
0xa8: {  	s5 =	sshll.u32 s28, $0x1;
	[dreg:$0x2] =	wrdreg s3  }
0xa9: {  	[dreg:$0x3] =	wrdreg s5  }
0xaa: {  	[dreg:$0x4] =	wrdreg $0xC0  }
0xab: {  	_ =	task [dreg:s7], $0x5FFFF  }
0xac: {  	[dreg:$0x1] =	wrdreg $0xFFFFFFFF  }
0xad: {  	[dreg:$0x0] =	wrdreg $0x60  }
0xae: {  	[dreg:$0x2] =	wrdreg s2  }
0xaf: {  	[dreg:$0x3] =	wrdreg s24  }
0xb0: {  	[dreg:$0x4] =	wrdreg $0x3800  }
0xb1: {  	[dreg:$0x5] =	wrdreg $0x9  }
0xb2: {  	_ =	task.clear_ibuf [dreg:s7], $0x6FFFF;
	_ =	strace $0x90000046  }
0xb3: {  	s29 =	simm.s32 $0x9;
	_ =	strace $0x80000048  }
0xb4: {  	_ =	swait.ge [sflag:s29], $0x1  }
0xb5: {  	[sflag:s29] =	ssyncadd.s32 $0xFFFFFFFF  }
0xb6: {  	_ =	strace $0x90000048  }
0xb7: {  	_ =	sfence  }
0xb8: {  	s30 =	sld [smem:$0x0];
	_ =	sdelay $0x2  }
0xb9: {  	s31 =	sshll.u32 s1, $0xD;
	s1 =	sshrl.u32 s1, $0x2  }
0xba: {  	s3 =	sand.u32 $0x4000, s31;
	s1 =	sadd.s32 s1, s30  }
0xbb: {  	s0 =	sor.u32 s3, s0;
	s1 =	sshll.u32 s1, $0x11  }
0xbc: {  	s0 =	sor.u32 s1, s0  }
0xbd: {  	s0 =	sadd.s32 $0x8F2B, s0  }
0xbe: {  	[sflag:s0] =	ssyncadd.remote.s32 $0x1  }
0xbf: {  	_ =	sfence.sel $0xFFFF  }
0xc0: {  	[dreg:$0x0] =	wrdreg $0xFFFFFFFF;
	(pc) =	sbr.abs _section_cstart, $3  }
0xc1: {  	[dreg:$0x1] =	wrdreg $0xFFFFFFFF  }
0xc2: {  	_ =	task.clear_ibuf [dreg:s7], $0x2FFFF;
	_ =	strace $0x9FFFFFFF  }
0xc3: {  	(tm) =	ssettm $0x7FFFFFFF  }
tec
execute0_lowered:
.L_overlay_start_1:
0x0: {  	(tag) =	ssettag $0x1  }
0x1: {  	s5 =	rddreg [dreg:$0x0]  }
0x2: {  	s4 =	rddreg [dreg:$0x1];
	s1 =	srdreg.scid  }
0x3: {  	s0 =	stileid.u32;
	s2 =	rddreg [dreg:$0x2];
	s3 =	simm.s32 $0x0  }
0x4: {  	s13 =	simm.s32 $0x20;
	s14 =	simm.s32 $0x10;
	s7 =	smul.u32 $0x500, s0  }
0x5: {  	s6 =	sand.u32 $0x1, s1;
	s1 =	rddreg [dreg:$0x3];
	s26 =	smul.u32 $0xA00, s0  }
0x6: {  	s15 =	simm.s32 $0x0;
	[smem:$0x7FF] =	sst s3;
	s9 =	smul.u32 $0x9E0, s0  }
0x7: {  	s31 =	sshll.u32 s0, $0x6;
	s8 =	sshll.u32 s6, $0x7;
	_ =	strace $0x80000047  }
0x8: {  	s28 =	ssub.s32 $0x2, s6;
	s11 =	smul.u32 $0x4F0, s6;
	s7 =	sor.u32 s8, s7  }
0x9: {  	s10 =	sshrl.u32 s28, $0x1;
	s8 =	sshrl.u32 s26, $0x2;
	s30 =	sadd.s32 s9, s5  }
0xa: {  	s9 =	simm.s32 $0x1;
	s7 =	sshrl.u32 s7, $0x3;
	s29 =	ssub.s32 s28, s10  }
0xb: {  	s10 =	simm.s32 $0x80;
	s7 =	sadd.s32 s7, s4;
	s4 =	sadd.s32 s8, s2  }
0xc: {  	s6 =	smax.u32 s29, $0x1;
	s8 =	simm.s32 $0x100;
	s5 =	sadd.s32 $0x2C00, s7  }
0xd: {  	v0 =	vimm.f32 $1.000000000e+00;
	v1 =	vimm.f32 $0.0e+00;
	s7 =	sadd.s32 s11, s30;
	s11 =	sor.u32 $0x1C01, s31;
	s12 =	sshrl.u32 s4, $0x3  }
.LBB2_1:
0xe: {  	[tilespmem:$0x80] =	vst v0  }
0xf: {  	[tilespmem:$0x90] =	vst v0  }
0x10: {  	[tilespmem:$0xA0] =	vst v0  }
0x11: {  	[tilespmem:$0xB0] =	vst v0  }
0x12: {  	[tilespmem:$0xC0] =	vst v0  }
0x13: {  	[tilespmem:$0xD0] =	vst v0  }
0x14: {  	[tilespmem:$0xE0] =	vst v0  }
0x15: {  	[tilespmem:$0xF0] =	vst v0  }
0x16: {  	[tilespmem:$0x100] =	vst v1  }
0x17: {  	[tilespmem:$0x110] =	vst v1  }
0x18: {  	[tilespmem:$0x120] =	vst v1  }
0x19: {  	[tilespmem:$0x130] =	vst v1  }
0x1a: {  	[tilespmem:$0x140] =	vst v1  }
0x1b: {  	[tilespmem:$0x150] =	vst v1  }
0x1c: {  	[tilespmem:$0x160] =	vst v1  }
0x1d: {  	[tilespmem:$0x170] =	vst v1  }
0x1e: {  	[tilespmem:$0x180] =	vst v1  }
0x1f: {  	[tilespmem:$0x190] =	vst v1  }
0x20: {  	[tilespmem:$0x1A0] =	vst v1  }
0x21: {  	[tilespmem:$0x1B0] =	vst v1  }
0x22: {  	[tilespmem:$0x1C0] =	vst v1  }
0x23: {  	[tilespmem:$0x1D0] =	vst v1  }
0x24: {  	[tilespmem:$0x1E0] =	vst v1  }
0x25: {  	[tilespmem:$0x1F0] =	vst v1  }
0x26: {  	[tilespmem:$0x200] =	vst v1  }
0x27: {  	[tilespmem:$0x210] =	vst v1  }
0x28: {  	[tilespmem:$0x220] =	vst v1  }
0x29: {  	[tilespmem:$0x230] =	vst v1  }
0x2a: {  	[tilespmem:$0x240] =	vst v1  }
0x2b: {  	[tilespmem:$0x250] =	vst v1  }
0x2c: {  	[tilespmem:$0x260] =	vst v1  }
0x2d: {  	[tilespmem:$0x270] =	vst v1  }
0x2e: {  	[tilespmem:$0x280] =	vst v1  }
0x2f: {  	[tilespmem:$0x290] =	vst v1  }
0x30: {  	[tilespmem:$0x2A0] =	vst v1  }
0x31: {  	[tilespmem:$0x2B0] =	vst v1  }
0x32: {  	[tilespmem:$0x2C0] =	vst v1  }
0x33: {  	[tilespmem:$0x2D0] =	vst v1  }
0x34: {  	[tilespmem:$0x2E0] =	vst v1  }
0x35: {  	[tilespmem:$0x2F0] =	vst v1  }
0x36: {  	[tilespmem:$0x300] =	vst v1  }
0x37: {  	[tilespmem:$0x310] =	vst v1  }
0x38: {  	[tilespmem:$0x320] =	vst v1  }
0x39: {  	[tilespmem:$0x330] =	vst v1  }
0x3a: {  	[tilespmem:$0x340] =	vst v1  }
0x3b: {  	[tilespmem:$0x350] =	vst v1  }
0x3c: {  	[tilespmem:$0x360] =	vst v1  }
0x3d: {  	[tilespmem:$0x370] =	vst v1  }
0x3e: {  	[spmem:s4] =	stream.linear.scatter [tilespmem:s8], [sflag:$0x1], $0x280, $0x38;
	[tilespmem:$0x600] =	vst v63  }
0x3f: {  	_ =	swait.ge [sflag:s9], $0x280  }
0x40: {  	[sflag:s9] =	ssyncset.done $0x0  }
0x41: {  	[sflag:s9] =	ssyncadd.s32 $0xFFFFFD80  }
0x42: {  	s16 =	sadd.s32 $0x0, s7;
	[bflag:$0x0] =	sbarrier.arrive $0xFFFF  }
0x43: {  	[tilespmem:s3], [sflag:$0x1] =	stream.linear.gather [hbm4b:s16+s3], $0x80, $0x38;
	[tilespmem:$0x600] =	vst v63  }
0x44: {  	_ =	swait.ge [sflag:s9], $0x80  }
0x45: {  	[sflag:s9] =	ssyncset.done $0x0  }
0x46: {  	[sflag:s9] =	ssyncadd.s32 $0xFFFFFF80  }
0x47: {  	[spmem:s2] =	stream.indirect.scatter.add.f32 [tilespmem:s10], [sflag:$0x1], $0x1, s3, s10, $0xb8;
	[tilespmem:$0x600] =	vst v63  }
0x48: {  	_ =	swait.ge [sflag:s9], $0x80  }
0x49: {  	s17 =	simm.s32 $0x20;
	s16 =	simm.s32 $0x10;
	[sflag:s9] =	ssyncset.done $0x0  }
.LBB2_2:
0x4a: {  	s18 =	sadd.s32 s16, s7  }
0x4b: {  	[sflag:s9] =	ssyncadd.s32 $0xFFFFFF80;
	s16 =	smov.u32 s17;
	s19 =	sadd.s32 $0x10, s17  }
0x4c: {  	[tilespmem:s3], [sflag:$0x1] =	stream.linear.gather [hbm4b:s18+s3], $0x80, $0x38;
	[tilespmem:$0x600] =	vst v63  }
0x4d: {  	p0 =	sne.s32 s17, $0x4E0;
	_ =	swait.ge [sflag:s9], $0x80  }
.Ltmp0:
0x4e: {  	[sflag:s9] =	ssyncset.done $0x0;
	(pc) =	sbr.rel @p0 .LBB2_2-.Ltmp0, $4  }
0x4f: {  	[sflag:s9] =	ssyncadd.s32 $0xFFFFFF80  }
0x50: {  	[spmem:s2] =	stream.indirect.scatter.add.f32 [tilespmem:s10], [sflag:$0x1], $0x1, s3, s10, $0xb8;
	[tilespmem:$0x600] =	vst v63  }
0x51: {  	_ =	swait.ge [sflag:s9], $0x80  }
0x52: {  	s17 =	smov.u32 s19;
	[sflag:s9] =	ssyncset.done $0x0  }
0x53: {  	s16 =	sadd.s32 s16, s7;
	[sflag:s9] =	ssyncadd.s32 $0xFFFFFF80  }
0x54: {  	[tilespmem:s3], [sflag:$0x1] =	stream.linear.gather [hbm4b:s16+s3], $0x80, $0x38;
	[tilespmem:$0x600] =	vst v63  }
0x55: {  	_ =	swait.ge [sflag:s9], $0x80  }
0x56: {  	[sflag:s9] =	ssyncset.done $0x0  }
0x57: {  	[sflag:s9] =	ssyncadd.s32 $0xFFFFFF80  }
0x58: {  	[spmem:s2] =	stream.indirect.scatter.add.f32 [tilespmem:s10], [sflag:$0x1], $0x1, s3, s10, $0xb8;
	[tilespmem:$0x600] =	vst v63  }
0x59: {  	_ =	swait.ge [sflag:s9], $0x80  }
0x5a: {  	s15 =	sadd.s32 $0x1, s15;
	[sflag:s9] =	ssyncset.done $0x0  }
0x5b: {  	p0 =	sne.s32 s15, s6;
	[sflag:s9] =	ssyncadd.s32 $0xFFFFFF80  }
.Ltmp1:
0x5c: {  	[bflag:$0x0] =	sbarrier.arrive $0xFFFF;
	(pc) =	sbr.rel @p0 .LBB2_1-.Ltmp1, $4  }
0x5d: {  	[hbm:s5@s13], [sflag:s11] =	dma.strided [spmem:s12@s14], $0x50, s9, $0x10   }
0x5e: {  	_ =	swait.ge [sflag:s9], $0x50  }
0x5f: {  	[sflag:s9] =	ssyncset.done $0x0  }
0x60: {  	[sflag:s9] =	ssyncadd.s32 $0xFFFFFFB0  }
0x61: {  	_ =	sfence.sel $0x180000  }
0x62: {  	[bflag:$0x0] =	sbarrier.arrive $0xFFFF  }
0x63: {  	p0 =	sne.s32 s0, $0x0;
	_ =	strace $0x90000047  }
0x64: {  	s0 =	sadd.s32 @!p0 $0x100000, s1;
	[bflag:$0x2] =	sbarrier.arrive $0xFFFF  }
0x65: {  	[sflag:s0] =	ssyncadd.tile.s32 @!p0 $0x1;
	_ =	shalt  }
.Lfunc_end2:
_tile_overlayer_lowered:
.L_overlay_start_2:
0x66: {  	(tag) =	ssettag $0x2  }
0x67: {  	s0 =	rddreg [dreg:$0x0];
	s2 =	stileid.u32  }
0x68: {  	s1 =	rddreg [dreg:$0x1];
	p0 =	sne.s32 s2, $0x0  }
0x69: {  	s3 =	rddreg [dreg:$0x2];
	[bflag:$0x3] =	sbarrier.arrive $0xFFFF;
	s2 =	simm.s32 @!p0 $0x1C01  }
0x6a: {  	[timem:s3], [sflag:s2] =	dma.local @!p0 [hbm:s0], s1  }
0x6b: {  	s0 =	simm.s32 @!p0 $0x1  }
0x6c: {  	_ =	swait.ge @!p0 [sflag:s0], s1  }
0x6d: {  	s1 =	ssub.s32 @!p0 $0x0, s1;
	[sflag:s0] =	ssyncset.done @!p0 $0x0  }
0x6e: {  	[sflag:s0] =	ssyncadd.s32 @!p0 s1  }
0x6f: {  	[bflag:$0x3] =	sbarrier.arrive $0xFFFF  }
0x70: {  	_ =	shalt  }

// kernel: kernel.13.cloned.1.call-start
scs
__scs_entry_jumppad:
0x0: {  	(pc) =	sbr.rel $0x88, $3  }
0x1: {  	(tag) =	ssettag $0x0;
	lr =	simm.s32 $0x1  }
0x2: {  	[smem:$0x3F99] =	sst lr;
	_ =	strace $0xD0000000  }
0x3: {  	_ = 	snop  }
0x4: {  	_ = 	snop  }
0x5: {  	_ = 	snop  }
0x6: {  	_ = 	snop  }
0x7: {  	_ = 	snop  }
__scs_overlays_trampoline_lowered:
0x8: {  	[smem:$0x3FA8] =	sst s0  }
0x9: {  	[smem:$0x3FA9] =	sst s1  }
0xa: {  	[smem:$0x3FAA] =	sst s2  }
0xb: {  	[smem:$0x3FAB] =	sst s3  }
0xc: {  	[smem:$0x3FAC] =	sst s4  }
0xd: {  	[smem:$0x3FAD] =	sst s5  }
0xe: {  	[smem:$0x3FAE] =	sst s6  }
0xf: {  	[smem:$0x3FAF] =	sst s7  }
0x10: {  	[smem:$0x3FB0] =	sst s8  }
0x11: {  	[smem:$0x3FB1] =	sst s9;
	s0 =	simm.s32 @!p0 $0x0  }
0x12: {  	s1 =	sld [smem:$0x3F97];
	s0 =	simm.s32 @p0 $0x1  }
0x13: {  	[smem:$0x3FB2] =	sst s0;
	s0 =	simm.s32 @!p1 $0x0  }
0x14: {  	s2 =	sld [smem:$0x3F96];
	s0 =	simm.s32 @p1 $0x1  }
0x15: {  	[smem:$0x3FB3] =	sst s0;
	s0 =	simm.s32 @!p2 $0x0  }
0x16: {  	s3 =	sld [smem:$0x3FDB];
	s0 =	simm.s32 @p2 $0x1  }
0x17: {  	s4 =	simm.s32 $0x1BF5;
	[smem:$0x3FB5] =	sst s0  }
0x18: {  	s0 =	sld [smem:$0x3F98];
	_ =	swait.ge [sflag:s4], $0x0  }
0x19: {  	s7 =	sld [smem:$0x3F99]  }
0x1a: {  	s8 =	sadd.s32 $0xFFFFE003, lr  }
0x1b: {  	s9 =	sadd.s32 $0xFFFFFEF7, lr;
	s5 =	simm.s32 $0xFFFFFFFF;
	p2 =	slt.u32 s8, $0xFFFFF086  }
0x1c: {  	p1 =	slt.u32 s9, $0xF7A;
	s5 =	simm.s32 @!p2 $0x0  }
0x1d: {  	s5 =	simm.s32 @p1 $0x1;
	p0 =	seq.s32 s7, s2  }
0x1e: {  	s7 =	smul.u32 @!p0 $0xF7A, s2;
	p2 =	seq.s32 @!p0 s5, $0x0  }
0x1f: {  	s9 =	smul.u32 $0xF7A, s1;
	s8 =	simm.s32 @!p0 $0x1BF5;
	p2 =	por !p2, p0  }
0x20: {  	[sflag:s8] =	ssyncset.s32 @!p0 $0xFFFFF086;
	s6 =	sadd.s32 @!p0 s3, s7;
	s7 =	simm.s32 @!p0 $0x108  }
0x21: {  	s3 =	sadd.s32 s3, s9;
	s6 =	sadd.s32 @!p0 $0x88, s6;
	s7 =	simm.s32 @p2 $0x1082  }
0x22: {  	[simem:s7], [sflag:s8] =	dma.local @!p0 [hbm:s6], $0xF7A  }
0x23: {  	s9 =	sor.u32 $0xD0000000, s2;
	s6 =	simm.s32 $0x108;
	_ =	swait.ge @!p0 [sflag:s8], $0x0  }
0x24: {  	s3 =	sadd.s32 $0x88, s3;
	s6 =	simm.s32 @!p1 $0x1082;
	[sflag:s4] =	ssyncset.s32 $0xFFFFF086  }
0x25: {  	[simem:s6], [sflag:s4] =	dma.local [hbm:s3], $0xF7A  }
0x26: {  	[smem:$0x3F99] =	sst s1;
	(tag) =	ssettag s2;
	_ =	strace s9  }
0x27: {  	s1 =	sld [smem:$0x3FA9]  }
0x28: {  	s2 =	sld [smem:$0x3FAA]  }
0x29: {  	s4 =	sld [smem:$0x3FAC]  }
0x2a: {  	p0 =	seq.s32 s5, $0x0;
	s5 =	sld [smem:$0x3FAD]  }
0x2b: {  	s6 =	sld [smem:$0x3FAE]  }
0x2c: {  	s7 =	sld [smem:$0x3FAF]  }
0x2d: {  	s3 =	simm.s32 $0x108;
	s8 =	sld [smem:$0x3FB0]  }
0x2e: {  	s3 =	simm.s32 @!p0 $0x1082;
	s9 =	sld [smem:$0x3FB1]  }
0x2f: {  	lr =	sadd.s32 s0, s3;
	s0 =	sld [smem:$0x3FA8]  }
0x30: {  	s3 =	sld [smem:$0x3FAB]  }
0x31: {  	[smem:$0x3FB4] =	sst s10  }
0x32: {  	s10 =	sld [smem:$0x3FB2];
	_ =	sdelay $0x3  }
0x33: {  	p0 =	seq.s32 s10, $0x1;
	s10 =	sld [smem:$0x3FB4];
	_ =	sdelay $0x3  }
0x34: {  	[smem:$0x3FB4] =	sst s10  }
0x35: {  	s10 =	sld [smem:$0x3FB3];
	_ =	sdelay $0x3  }
0x36: {  	p1 =	seq.s32 s10, $0x1;
	s10 =	sld [smem:$0x3FB4];
	_ =	sdelay $0x3  }
0x37: {  	[smem:$0x3FB4] =	sst s10  }
0x38: {  	s10 =	sld [smem:$0x3FB5]  }
0x39: {  	_ = 	snop;
	(pc) =	sbr.ind lr, $3  }
0x3a: {  	_ = 	snop  }
0x3b: {  	_ = 	snop  }
0x3c: {  	p2 =	seq.s32 s10, $0x1;
	s10 =	sld [smem:$0x3FB4]  }
0x3d: {  	_ =	shalt  }
0x3e: {  	_ =	shalt  }
0x3f: {  	_ =	shalt  }
0x40: {  	_ =	shalt  }
0x41: {  	_ =	shalt  }
0x42: {  	_ =	shalt  }
0x43: {  	_ =	shalt  }
0x44: {  	_ =	shalt  }
0x45: {  	_ =	shalt  }
0x46: {  	_ =	shalt  }
0x47: {  	_ =	shalt  }
0x48: {  	_ =	shalt  }
0x49: {  	_ =	shalt  }
0x4a: {  	_ =	shalt  }
0x4b: {  	_ =	shalt  }
0x4c: {  	_ =	shalt  }
0x4d: {  	_ =	shalt  }
0x4e: {  	_ =	shalt  }
0x4f: {  	_ =	shalt  }
0x50: {  	_ =	shalt  }
0x51: {  	_ =	shalt  }
0x52: {  	_ =	shalt  }
0x53: {  	_ =	shalt  }
0x54: {  	_ =	shalt  }
0x55: {  	_ =	shalt  }
0x56: {  	_ =	shalt  }
0x57: {  	_ =	shalt  }
0x58: {  	_ =	shalt  }
0x59: {  	_ =	shalt  }
0x5a: {  	_ =	shalt  }
0x5b: {  	_ =	shalt  }
0x5c: {  	_ =	shalt  }
0x5d: {  	_ =	shalt  }
0x5e: {  	_ =	shalt  }
0x5f: {  	_ =	shalt  }
0x60: {  	_ =	shalt  }
0x61: {  	_ =	shalt  }
0x62: {  	_ =	shalt  }
0x63: {  	_ =	shalt  }
0x64: {  	_ =	shalt  }
0x65: {  	_ =	shalt  }
0x66: {  	_ =	shalt  }
0x67: {  	_ =	shalt  }
0x68: {  	_ =	shalt  }
0x69: {  	_ =	shalt  }
0x6a: {  	_ =	shalt  }
0x6b: {  	_ =	shalt  }
0x6c: {  	_ =	shalt  }
0x6d: {  	_ =	shalt  }
0x6e: {  	_ =	shalt  }
0x6f: {  	_ =	shalt  }
0x70: {  	_ =	shalt  }
0x71: {  	_ =	shalt  }
0x72: {  	_ =	shalt  }
0x73: {  	_ =	shalt  }
0x74: {  	_ =	shalt  }
0x75: {  	_ =	shalt  }
0x76: {  	_ =	shalt  }
0x77: {  	_ =	shalt  }
0x78: {  	_ =	shalt  }
0x79: {  	_ =	shalt  }
0x7a: {  	_ =	shalt  }
0x7b: {  	_ =	shalt  }
0x7c: {  	_ =	shalt  }
0x7d: {  	_ =	shalt  }
0x7e: {  	_ =	shalt  }
0x7f: {  	_ =	shalt  }
0x80: {  	_ =	shalt  }
0x81: {  	_ =	shalt  }
0x82: {  	_ =	shalt  }
0x83: {  	_ =	shalt  }
0x84: {  	_ =	shalt  }
0x85: {  	_ =	shalt  }
0x86: {  	_ =	shalt  }
0x87: {  	_ =	shalt  }
.Lfunc_end0:
.L_simem_size_0:
called_computation.1_lowered:
.L_overlay_start_0:
0x88: {  	s2 =	sld [smem:$0x3FD9]  }
0x89: {  	s3 =	sld [smem:$0x3FFE];
	_ =	sdelay $0x1  }
0x8a: {  	s1 =	srdreg.scid  }
0x8b: {  	s0 =	sand.u32 $0x1, s1  }
0x8c: {  	s17 =	sshll.u32 s0, $0xA;
	s2 =	sadd.s32 s3, s2  }
0x8d: {  	s2 =	sadd.s32 s2, s17  }
0x8e: {  	[smem:$0x3FC0] =	sst s2  }
0x8f: {  	_ = 	snop  }
0x90: {  	s2 =	sld [smem:$0x3FD0];
	(tm) =	ssettm $0x1  }
0x91: {  	s18 =	sld [smem:$0x3FFB];
	_ =	sdelay $0x3  }
0x92: {  	_ =	strace s18  }
0x93: {  	s3 =	sld [smem:$0x3FFC];
	_ =	sdelay $0x3  }
0x94: {  	_ =	strace s3  }
0x95: {  	s3 =	sld [smem:$0x3FFD];
	_ =	sdelay $0x3  }
0x96: {  	_ =	strace s3  }
0x97: {  	_ =	strace $0x8FFFFFFF  }
0x98: {  	s19 =	sld [smem:$0x3FDB];
	_ =	sdelay $0x1  }
0x99: {  	s4 =	simm.s32 $_scs_section_size  }
0x9a: {  	s5 =	simm.s32 $_size__tile_overlayer_lowered;
	s6 =	simm.s32 $_tile_overlayer_lowered  }
0x9b: {  	s22 =	simm.s32 $0x1BFF;
	s21 =	sshll.u32 s6, $0x1;
	s3 =	sadd.s32 s4, s19  }
0x9c: {  	s7 =	simm.s32 $0x0;
	s20 =	sshll.u32 s5, $0x1;
	s5 =	sadd.s32 s21, s3  }
0x9d: {  	[timem:s7], [sflag:s22] =	dma.local [hbm:s5], s20  }
0x9e: {  	_ =	swait.ge [sflag:s22], s20  }
0x9f: {  	s4 =	ssub.s32 $0x0, s20;
	[sflag:s22] =	ssyncset.done $0x0  }
0xa0: {  	[sflag:s22] =	ssyncadd.s32 s4;
	_ =	sdelay $0x1  }
0xa1: {  	s23 =	simm.s32 $0x1B8B  }
0xa2: {  	_ =	swait.ge [sflag:s23], $0x1  }
0xa3: {  	[sflag:s23] =	ssyncset.done $0x0  }
0xa4: {  	s25 =	simm.s32 $0x1B8E;
	s24 =	sld [smem:$0x3FFE];
	[sflag:s23] =	ssyncadd.s32 $0xFFFFFFFF  }
0xa5: {  	s26 =	simm.s32 $execute0_lowered;
	[smem:$0x3FD2] =	sst s25  }
0xa6: {  	s5 =	sshll.u32 s26, $0x1;
	_ =	strace $0x80000049;
	[dreg:$0x1] =	wrdreg $0xFFFFFFFF  }
0xa7: {  	s28 =	simm.s32 $_size_execute0_lowered;
	s3 =	sadd.s32 s3, s5;
	[dreg:$0x0] =	wrdreg $0x0  }
0xa8: {  	s5 =	sshll.u32 s28, $0x1;
	[dreg:$0x2] =	wrdreg s3  }
0xa9: {  	[dreg:$0x3] =	wrdreg s5  }
0xaa: {  	[dreg:$0x4] =	wrdreg $0xC0  }
0xab: {  	_ =	task [dreg:s7], $0x5FFFF  }
0xac: {  	[dreg:$0x1] =	wrdreg $0xFFFFFFFF  }
0xad: {  	[dreg:$0x0] =	wrdreg $0x60  }
0xae: {  	[dreg:$0x2] =	wrdreg s24  }
0xaf: {  	[dreg:$0x3] =	wrdreg s2  }
0xb0: {  	[dreg:$0x4] =	wrdreg $0x45000  }
0xb1: {  	[dreg:$0x5] =	wrdreg $0x9  }
0xb2: {  	_ =	task.clear_ibuf [dreg:s7], $0x6FFFF;
	_ =	strace $0x90000049  }
0xb3: {  	s29 =	simm.s32 $0x9;
	_ =	strace $0x8000004B  }
0xb4: {  	_ =	swait.ge [sflag:s29], $0x1  }
0xb5: {  	[sflag:s29] =	ssyncadd.s32 $0xFFFFFFFF  }
0xb6: {  	_ =	strace $0x9000004B  }
0xb7: {  	_ =	sfence  }
0xb8: {  	s30 =	sld [smem:$0x0];
	_ =	sdelay $0x2  }
0xb9: {  	s31 =	sshll.u32 s1, $0xD;
	s1 =	sshrl.u32 s1, $0x2  }
0xba: {  	s3 =	sand.u32 $0x4000, s31;
	s1 =	sadd.s32 s1, s30  }
0xbb: {  	s0 =	sor.u32 s3, s0;
	s1 =	sshll.u32 s1, $0x11  }
0xbc: {  	s0 =	sor.u32 s1, s0  }
0xbd: {  	s0 =	sadd.s32 $0x8F2B, s0  }
0xbe: {  	[sflag:s0] =	ssyncadd.remote.s32 $0x1  }
0xbf: {  	_ =	sfence.sel $0xFFFF  }
0xc0: {  	[dreg:$0x0] =	wrdreg $0xFFFFFFFF;
	(pc) =	sbr.abs _section_cstart, $3  }
0xc1: {  	[dreg:$0x1] =	wrdreg $0xFFFFFFFF  }
0xc2: {  	_ =	task.clear_ibuf [dreg:s7], $0x2FFFF;
	_ =	strace $0x9FFFFFFF  }
0xc3: {  	(tm) =	ssettm $0x7FFFFFFF  }
tec
execute0_lowered:
.L_overlay_start_1:
0x0: {  	(tag) =	ssettag $0x1  }
0x1: {  	s5 =	rddreg [dreg:$0x0]  }
0x2: {  	s9 =	rddreg [dreg:$0x1]  }
0x3: {  	s0 =	stileid.u32;
	s1 =	srdreg.scid  }
0x4: {  	s2 =	rddreg [dreg:$0x2];
	s3 =	simm.s32 $0x0;
	s10 =	smul.u32 $0x9E0, s0  }
0x5: {  	s16 =	simm.s32 $0x1;
	s17 =	simm.s32 $0x4100;
	s7 =	smul.u32 $0x14000, s0  }
0x6: {  	s11 =	sand.u32 $0x1, s1;
	s1 =	rddreg [dreg:$0x3];
	s8 =	smul.u32 $0x50000, s0  }
0x7: {  	s18 =	simm.s32 $0x0;
	[smem:$0x7FF] =	sst s3;
	s28 =	smul.u32 $0x2800, s0  }
0x8: {  	s4 =	sadd.s32 $0xD400, s5;
	s31 =	sshll.u32 s0, $0x6;
	s6 =	smul.u32 $0x140000, s11  }
0x9: {  	_ =	strace $0x8000004A;
	s25 =	ssub.s32 $0x2, s11;
	s15 =	smul.u32 $0x4F0, s11  }
0xa: {  	p0 =	sne.s32 s11, $0x0;
	s11 =	sor.u32 $0x1C02, s31;
	s12 =	sadd.s32 s10, s5  }
0xb: {  	s26 =	sshrl.u32 s25, $0x1;
	s29 =	sshrl.u32 s8, $0x2;
	s9 =	sadd.s32 s10, s9  }
0xc: {  	s6 =	sadd.s32 s7, s6;
	s14 =	ssub.s32 s25, s26;
	s30 =	sadd.s32 s15, s12  }
0xd: {  	s9 =	sadd.s32 s15, s9;
	s15 =	simm.s32 $0x100;
	s6 =	sshrl.u32 s6, $0x3  }
0xe: {  	s8 =	smax.u32 s14, $0x1;
	s10 =	sadd.s32 $0x3600, s30;
	s14 =	simm.s32 $0x80  }
0xf: {  	s13 =	sadd.s32 s6, s5;
	s5 =	sadd.s32 s29, s2;
	s6 =	sadd.s32 s4, s28  }
0x10: {  	v0 =	vimm.f32 $0.0e+00;
	s7 =	sadd.s32 $0x35400, s13;
	s12 =	sshrl.u32 s5, $0x3;
	s13 =	simm.s32 $0x2  }
.LBB2_1:
.Ltmp0:
0x11: {  	(pc) =	sbr.rel @p0 .LBB2_3-.Ltmp0, $1  }
0x12: {  	_ =	sdelay $0x3  }
.Ltmp1:
0x13: {  	(pc) =	sbr.rel .LBB2_6-.Ltmp1, $4  }
0x14: {  	[spmem:s12], [sflag:s11] =	dma.local [hbm:s6], $0x2800  }
0x15: {  	_ =	swait.ge [sflag:s13], $0x2800  }
0x16: {  	[sflag:s13] =	ssyncset.done $0x0  }
0x17: {  	[sflag:s13] =	ssyncadd.s32 $0xFFFFD800  }
.LBB2_3:
0x18: {  	[tilespmem:$0x4100] =	vst v0  }
0x19: {  	[tilespmem:$0x4110] =	vst v0  }
0x1a: {  	[tilespmem:$0x4120] =	vst v0  }
0x1b: {  	[tilespmem:$0x4130] =	vst v0  }
0x1c: {  	[tilespmem:$0x4140] =	vst v0  }
0x1d: {  	[tilespmem:$0x4150] =	vst v0  }
0x1e: {  	[tilespmem:$0x4160] =	vst v0  }
0x1f: {  	[tilespmem:$0x4170] =	vst v0  }
0x20: {  	[tilespmem:$0x4180] =	vst v0  }
0x21: {  	[tilespmem:$0x4190] =	vst v0  }
0x22: {  	[tilespmem:$0x41A0] =	vst v0  }
0x23: {  	[tilespmem:$0x41B0] =	vst v0  }
0x24: {  	[tilespmem:$0x41C0] =	vst v0  }
0x25: {  	[tilespmem:$0x41D0] =	vst v0  }
0x26: {  	[tilespmem:$0x41E0] =	vst v0  }
0x27: {  	[tilespmem:$0x41F0] =	vst v0  }
0x28: {  	[tilespmem:$0x4200] =	vst v0  }
0x29: {  	[tilespmem:$0x4210] =	vst v0  }
0x2a: {  	[tilespmem:$0x4220] =	vst v0  }
0x2b: {  	[tilespmem:$0x4230] =	vst v0  }
0x2c: {  	[tilespmem:$0x4240] =	vst v0  }
0x2d: {  	[tilespmem:$0x4250] =	vst v0  }
0x2e: {  	[tilespmem:$0x4260] =	vst v0  }
0x2f: {  	[tilespmem:$0x4270] =	vst v0  }
0x30: {  	[tilespmem:$0x4280] =	vst v0  }
0x31: {  	[tilespmem:$0x4290] =	vst v0  }
0x32: {  	[tilespmem:$0x42A0] =	vst v0  }
0x33: {  	[tilespmem:$0x42B0] =	vst v0  }
0x34: {  	[tilespmem:$0x42C0] =	vst v0  }
0x35: {  	[tilespmem:$0x42D0] =	vst v0  }
0x36: {  	[tilespmem:$0x42E0] =	vst v0  }
0x37: {  	[tilespmem:$0x42F0] =	vst v0  }
0x38: {  	[tilespmem:$0x4300] =	vst v0  }
0x39: {  	[tilespmem:$0x4310] =	vst v0  }
0x3a: {  	[tilespmem:$0x4320] =	vst v0  }
0x3b: {  	[tilespmem:$0x4330] =	vst v0  }
0x3c: {  	[tilespmem:$0x4340] =	vst v0  }
0x3d: {  	[tilespmem:$0x4350] =	vst v0  }
0x3e: {  	[tilespmem:$0x4360] =	vst v0  }
0x3f: {  	[tilespmem:$0x4370] =	vst v0  }
0x40: {  	[tilespmem:$0x4380] =	vst v0  }
0x41: {  	[tilespmem:$0x4390] =	vst v0  }
0x42: {  	[tilespmem:$0x43A0] =	vst v0  }
0x43: {  	[tilespmem:$0x43B0] =	vst v0  }
0x44: {  	[tilespmem:$0x43C0] =	vst v0  }
0x45: {  	[tilespmem:$0x43D0] =	vst v0  }
0x46: {  	[tilespmem:$0x43E0] =	vst v0  }
0x47: {  	[tilespmem:$0x43F0] =	vst v0  }
0x48: {  	[tilespmem:$0x4400] =	vst v0  }
0x49: {  	[tilespmem:$0x4410] =	vst v0  }
0x4a: {  	[tilespmem:$0x4420] =	vst v0  }
0x4b: {  	[tilespmem:$0x4430] =	vst v0  }
0x4c: {  	[tilespmem:$0x4440] =	vst v0  }
0x4d: {  	[tilespmem:$0x4450] =	vst v0  }
0x4e: {  	[tilespmem:$0x4460] =	vst v0  }
0x4f: {  	[tilespmem:$0x4470] =	vst v0  }
0x50: {  	[tilespmem:$0x4480] =	vst v0  }
0x51: {  	[tilespmem:$0x4490] =	vst v0  }
0x52: {  	[tilespmem:$0x44A0] =	vst v0  }
0x53: {  	[tilespmem:$0x44B0] =	vst v0  }
0x54: {  	[tilespmem:$0x44C0] =	vst v0  }
0x55: {  	[tilespmem:$0x44D0] =	vst v0  }
0x56: {  	[tilespmem:$0x44E0] =	vst v0  }
0x57: {  	[tilespmem:$0x44F0] =	vst v0;
	s19 =	sadd.s32 $0x0, s5  }
0x58: {  	[spmem:s19] =	stream.linear.scatter [tilespmem:s17], [sflag:$0x2], $0x400, $0x38;
	[tilespmem:$0x18500] =	vst v63  }
0x59: {  	s19 =	simm.s32 $0x1000;
	_ =	swait.ge [sflag:s13], $0x400  }
.LBB2_4:
0x5a: {  	s20 =	sshra.s32 s19, $0x2;
	[sflag:s13] =	ssyncset.done $0x0;
	p1 =	sne.s32 s19, $0x4F000  }
.Ltmp2:
0x5b: {  	s20 =	sadd.s32 s20, s5;
	[sflag:s13] =	ssyncadd.s32 $0xFFFFFC00;
	(pc) =	sbr.rel @p1 .LBB2_4-.Ltmp2, $3  }
0x5c: {  	[spmem:s20] =	stream.linear.scatter [tilespmem:s17], [sflag:$0x2], $0x400, $0x38;
	[tilespmem:$0x18500] =	vst v63  }
0x5d: {  	s19 =	sadd.s32 $0x1000, s19;
	_ =	sdelay $0x1  }
0x5e: {  	_ =	swait.ge [sflag:s13], $0x400  }
0x5f: {  	[sflag:s13] =	ssyncset.done $0x0  }
0x60: {  	[sflag:s13] =	ssyncadd.s32 $0xFFFFFC00  }
.LBB2_6:
0x61: {  	[bflag:$0x0] =	sbarrier.arrive $0xFFFF;
	s19 =	sadd.s32 $0x0, s10  }
0x62: {  	[tilespmem:s3], [sflag:$0x2] =	stream.linear.gather [hbm4b:s19+s3], $0x80, $0x38;
	[tilespmem:$0x18500] =	vst v63  }
0x63: {  	_ =	swait.ge [sflag:s13], $0x80  }
0x64: {  	[sflag:s13] =	ssyncset.done $0x0  }
0x65: {  	s31 =	sadd.s32 $0x0, s9;
	[sflag:s13] =	ssyncadd.s32 $0xFFFFFF80  }
0x66: {  	[tilespmem:s14], [sflag:$0x2] =	stream.linear.gather [hbm4b:s31+s3], $0x80, $0x38;
	[tilespmem:$0x18500] =	vst v63  }
0x67: {  	_ =	swait.ge [sflag:s13], $0x80  }
0x68: {  	[sflag:s13] =	ssyncset.done $0x0  }
0x69: {  	[sflag:s13] =	ssyncadd.s32 $0xFFFFFF80  }
0x6a: {  	[tilespmem:s15], [sflag:$0x1] =	stream.indirect.gather [hbm4b:s4+s14], $0x80, s3, s14, $0xb8;
	[tilespmem:$0x18500] =	vst v63  }
0x6b: {  	_ =	swait.ge [sflag:s16], $0x4000  }
0x6c: {  	[sflag:s16] =	ssyncset.done $0x0  }
0x6d: {  	[sflag:s16] =	ssyncadd.s32 $0xFFFFC000  }
0x6e: {  	[spmem:s2] =	stream.indirect.scatter.add.f32 [tilespmem:s15], [sflag:$0x2], $0x80, s14, s14, $0xb8;
	[tilespmem:$0x18500] =	vst v63  }
0x6f: {  	_ =	swait.ge [sflag:s13], $0x4000  }
0x70: {  	s20 =	simm.s32 $0x20;
	s19 =	simm.s32 $0x10;
	[sflag:s13] =	ssyncset.done $0x0  }
.LBB2_7:
0x71: {  	s21 =	sadd.s32 s19, s10  }
0x72: {  	[sflag:s13] =	ssyncadd.s32 $0xFFFFC000;
	s22 =	smov.u32 s20;
	s23 =	sadd.s32 $0x10, s20  }
0x73: {  	[tilespmem:s3], [sflag:$0x2] =	stream.linear.gather [hbm4b:s21+s3], $0x80, $0x38;
	[tilespmem:$0x18500] =	vst v63  }
0x74: {  	p1 =	sne.s32 s20, $0x4E0;
	_ =	swait.ge [sflag:s13], $0x80  }
0x75: {  	[sflag:s13] =	ssyncset.done $0x0  }
0x76: {  	s20 =	sadd.s32 s19, s9;
	s19 =	smov.u32 s22;
	[sflag:s13] =	ssyncadd.s32 $0xFFFFFF80  }
0x77: {  	[tilespmem:s14], [sflag:$0x2] =	stream.linear.gather [hbm4b:s20+s3], $0x80, $0x38;
	[tilespmem:$0x18500] =	vst v63  }
0x78: {  	_ =	swait.ge [sflag:s13], $0x80  }
0x79: {  	[sflag:s13] =	ssyncset.done $0x0  }
0x7a: {  	[sflag:s13] =	ssyncadd.s32 $0xFFFFFF80  }
0x7b: {  	[tilespmem:s15], [sflag:$0x1] =	stream.indirect.gather [hbm4b:s4+s14], $0x80, s3, s14, $0xb8;
	[tilespmem:$0x18500] =	vst v63  }
0x7c: {  	_ =	swait.ge [sflag:s16], $0x4000  }
.Ltmp3:
0x7d: {  	[sflag:s16] =	ssyncset.done $0x0;
	(pc) =	sbr.rel @p1 .LBB2_7-.Ltmp3, $4  }
0x7e: {  	[sflag:s16] =	ssyncadd.s32 $0xFFFFC000  }
0x7f: {  	[spmem:s2] =	stream.indirect.scatter.add.f32 [tilespmem:s15], [sflag:$0x2], $0x80, s14, s14, $0xb8;
	[tilespmem:$0x18500] =	vst v63  }
0x80: {  	_ =	swait.ge [sflag:s13], $0x4000  }
0x81: {  	s20 =	smov.u32 s23;
	[sflag:s13] =	ssyncset.done $0x0  }
0x82: {  	s20 =	sadd.s32 s19, s10;
	[sflag:s13] =	ssyncadd.s32 $0xFFFFC000  }
0x83: {  	[tilespmem:s3], [sflag:$0x2] =	stream.linear.gather [hbm4b:s20+s3], $0x80, $0x38;
	[tilespmem:$0x18500] =	vst v63  }
0x84: {  	_ =	swait.ge [sflag:s13], $0x80  }
0x85: {  	[sflag:s13] =	ssyncset.done $0x0  }
0x86: {  	s31 =	sadd.s32 s19, s9;
	[sflag:s13] =	ssyncadd.s32 $0xFFFFFF80  }
0x87: {  	[tilespmem:s14], [sflag:$0x2] =	stream.linear.gather [hbm4b:s31+s3], $0x80, $0x38;
	[tilespmem:$0x18500] =	vst v63  }
0x88: {  	_ =	swait.ge [sflag:s13], $0x80  }
0x89: {  	[sflag:s13] =	ssyncset.done $0x0  }
0x8a: {  	[sflag:s13] =	ssyncadd.s32 $0xFFFFFF80  }
0x8b: {  	[tilespmem:s15], [sflag:$0x1] =	stream.indirect.gather [hbm4b:s4+s14], $0x80, s3, s14, $0xb8;
	[tilespmem:$0x18500] =	vst v63  }
0x8c: {  	_ =	swait.ge [sflag:s16], $0x4000  }
0x8d: {  	[sflag:s16] =	ssyncset.done $0x0  }
0x8e: {  	[sflag:s16] =	ssyncadd.s32 $0xFFFFC000  }
0x8f: {  	[spmem:s2] =	stream.indirect.scatter.add.f32 [tilespmem:s15], [sflag:$0x2], $0x80, s14, s14, $0xb8;
	[tilespmem:$0x18500] =	vst v63  }
0x90: {  	_ =	swait.ge [sflag:s13], $0x4000  }
0x91: {  	s18 =	sadd.s32 $0x1, s18;
	[sflag:s13] =	ssyncset.done $0x0  }
0x92: {  	p1 =	sne.s32 s18, s8;
	[sflag:s13] =	ssyncadd.s32 $0xFFFFC000  }
.Ltmp4:
0x93: {  	[bflag:$0x0] =	sbarrier.arrive $0xFFFF;
	(pc) =	sbr.rel @p1 .LBB2_1-.Ltmp4, $4  }
0x94: {  	[hbm:s7], [sflag:s11] =	dma.local [spmem:s12], $0x2800  }
0x95: {  	_ =	swait.ge [sflag:s13], $0x2800  }
0x96: {  	[sflag:s13] =	ssyncset.done $0x0  }
0x97: {  	[sflag:s13] =	ssyncadd.s32 $0xFFFFD800  }
0x98: {  	_ =	sfence.sel $0x180000  }
0x99: {  	[bflag:$0x0] =	sbarrier.arrive $0xFFFF  }
0x9a: {  	p0 =	sne.s32 s0, $0x0;
	_ =	strace $0x9000004A  }
0x9b: {  	s0 =	sadd.s32 @!p0 $0x100000, s1;
	[bflag:$0x2] =	sbarrier.arrive $0xFFFF  }
0x9c: {  	[sflag:s0] =	ssyncadd.tile.s32 @!p0 $0x1;
	_ =	shalt  }
.Lfunc_end2:
_tile_overlayer_lowered:
.L_overlay_start_2:
0x9d: {  	(tag) =	ssettag $0x2  }
0x9e: {  	s0 =	rddreg [dreg:$0x0];
	s2 =	stileid.u32  }
0x9f: {  	s1 =	rddreg [dreg:$0x1];
	p0 =	sne.s32 s2, $0x0  }
0xa0: {  	s3 =	rddreg [dreg:$0x2];
	[bflag:$0x3] =	sbarrier.arrive $0xFFFF;
	s2 =	simm.s32 @!p0 $0x1C02  }
0xa1: {  	[timem:s3], [sflag:s2] =	dma.local @!p0 [hbm:s0], s1  }
0xa2: {  	s0 =	simm.s32 @!p0 $0x2  }
0xa3: {  	_ =	swait.ge @!p0 [sflag:s0], s1  }
0xa4: {  	s1 =	ssub.s32 @!p0 $0x0, s1;
	[sflag:s0] =	ssyncset.done @!p0 $0x0  }
0xa5: {  	[sflag:s0] =	ssyncadd.s32 @!p0 s1  }
0xa6: {  	[bflag:$0x3] =	sbarrier.arrive $0xFFFF  }
0xa7: {  	_ =	shalt  }

// kernel: kernel.16.cloned.1.call-start
scs
__scs_entry_jumppad:
0x0: {  	(pc) =	sbr.rel $0x88, $3  }
0x1: {  	(tag) =	ssettag $0x0;
	lr =	simm.s32 $0x1  }
0x2: {  	[smem:$0x3F99] =	sst lr;
	_ =	strace $0xD0000000  }
0x3: {  	_ = 	snop  }
0x4: {  	_ = 	snop  }
0x5: {  	_ = 	snop  }
0x6: {  	_ = 	snop  }
0x7: {  	_ = 	snop  }
__scs_overlays_trampoline_lowered:
0x8: {  	[smem:$0x3FA8] =	sst s0  }
0x9: {  	[smem:$0x3FA9] =	sst s1  }
0xa: {  	[smem:$0x3FAA] =	sst s2  }
0xb: {  	[smem:$0x3FAB] =	sst s3  }
0xc: {  	[smem:$0x3FAC] =	sst s4  }
0xd: {  	[smem:$0x3FAD] =	sst s5  }
0xe: {  	[smem:$0x3FAE] =	sst s6  }
0xf: {  	[smem:$0x3FAF] =	sst s7  }
0x10: {  	[smem:$0x3FB0] =	sst s8  }
0x11: {  	[smem:$0x3FB1] =	sst s9;
	s0 =	simm.s32 @!p0 $0x0  }
0x12: {  	s1 =	sld [smem:$0x3F97];
	s0 =	simm.s32 @p0 $0x1  }
0x13: {  	[smem:$0x3FB2] =	sst s0;
	s0 =	simm.s32 @!p1 $0x0  }
0x14: {  	s2 =	sld [smem:$0x3F96];
	s0 =	simm.s32 @p1 $0x1  }
0x15: {  	[smem:$0x3FB3] =	sst s0;
	s0 =	simm.s32 @!p2 $0x0  }
0x16: {  	s3 =	sld [smem:$0x3FDB];
	s0 =	simm.s32 @p2 $0x1  }
0x17: {  	s4 =	simm.s32 $0x1BF5;
	[smem:$0x3FB5] =	sst s0  }
0x18: {  	s0 =	sld [smem:$0x3F98];
	_ =	swait.ge [sflag:s4], $0x0  }
0x19: {  	s7 =	sld [smem:$0x3F99]  }
0x1a: {  	s8 =	sadd.s32 $0xFFFFE003, lr  }
0x1b: {  	s9 =	sadd.s32 $0xFFFFFEF7, lr;
	s5 =	simm.s32 $0xFFFFFFFF;
	p2 =	slt.u32 s8, $0xFFFFF086  }
0x1c: {  	p1 =	slt.u32 s9, $0xF7A;
	s5 =	simm.s32 @!p2 $0x0  }
0x1d: {  	s5 =	simm.s32 @p1 $0x1;
	p0 =	seq.s32 s7, s2  }
0x1e: {  	s7 =	smul.u32 @!p0 $0xF7A, s2;
	p2 =	seq.s32 @!p0 s5, $0x0  }
0x1f: {  	s9 =	smul.u32 $0xF7A, s1;
	s8 =	simm.s32 @!p0 $0x1BF5;
	p2 =	por !p2, p0  }
0x20: {  	[sflag:s8] =	ssyncset.s32 @!p0 $0xFFFFF086;
	s6 =	sadd.s32 @!p0 s3, s7;
	s7 =	simm.s32 @!p0 $0x108  }
0x21: {  	s3 =	sadd.s32 s3, s9;
	s6 =	sadd.s32 @!p0 $0x88, s6;
	s7 =	simm.s32 @p2 $0x1082  }
0x22: {  	[simem:s7], [sflag:s8] =	dma.local @!p0 [hbm:s6], $0xF7A  }
0x23: {  	s9 =	sor.u32 $0xD0000000, s2;
	s6 =	simm.s32 $0x108;
	_ =	swait.ge @!p0 [sflag:s8], $0x0  }
0x24: {  	s3 =	sadd.s32 $0x88, s3;
	s6 =	simm.s32 @!p1 $0x1082;
	[sflag:s4] =	ssyncset.s32 $0xFFFFF086  }
0x25: {  	[simem:s6], [sflag:s4] =	dma.local [hbm:s3], $0xF7A  }
0x26: {  	[smem:$0x3F99] =	sst s1;
	(tag) =	ssettag s2;
	_ =	strace s9  }
0x27: {  	s1 =	sld [smem:$0x3FA9]  }
0x28: {  	s2 =	sld [smem:$0x3FAA]  }
0x29: {  	s4 =	sld [smem:$0x3FAC]  }
0x2a: {  	p0 =	seq.s32 s5, $0x0;
	s5 =	sld [smem:$0x3FAD]  }
0x2b: {  	s6 =	sld [smem:$0x3FAE]  }
0x2c: {  	s7 =	sld [smem:$0x3FAF]  }
0x2d: {  	s3 =	simm.s32 $0x108;
	s8 =	sld [smem:$0x3FB0]  }
0x2e: {  	s3 =	simm.s32 @!p0 $0x1082;
	s9 =	sld [smem:$0x3FB1]  }
0x2f: {  	lr =	sadd.s32 s0, s3;
	s0 =	sld [smem:$0x3FA8]  }
0x30: {  	s3 =	sld [smem:$0x3FAB]  }
0x31: {  	[smem:$0x3FB4] =	sst s10  }
0x32: {  	s10 =	sld [smem:$0x3FB2];
	_ =	sdelay $0x3  }
0x33: {  	p0 =	seq.s32 s10, $0x1;
	s10 =	sld [smem:$0x3FB4];
	_ =	sdelay $0x3  }
0x34: {  	[smem:$0x3FB4] =	sst s10  }
0x35: {  	s10 =	sld [smem:$0x3FB3];
	_ =	sdelay $0x3  }
0x36: {  	p1 =	seq.s32 s10, $0x1;
	s10 =	sld [smem:$0x3FB4];
	_ =	sdelay $0x3  }
0x37: {  	[smem:$0x3FB4] =	sst s10  }
0x38: {  	s10 =	sld [smem:$0x3FB5]  }
0x39: {  	_ = 	snop;
	(pc) =	sbr.ind lr, $3  }
0x3a: {  	_ = 	snop  }
0x3b: {  	_ = 	snop  }
0x3c: {  	p2 =	seq.s32 s10, $0x1;
	s10 =	sld [smem:$0x3FB4]  }
0x3d: {  	_ =	shalt  }
0x3e: {  	_ =	shalt  }
0x3f: {  	_ =	shalt  }
0x40: {  	_ =	shalt  }
0x41: {  	_ =	shalt  }
0x42: {  	_ =	shalt  }
0x43: {  	_ =	shalt  }
0x44: {  	_ =	shalt  }
0x45: {  	_ =	shalt  }
0x46: {  	_ =	shalt  }
0x47: {  	_ =	shalt  }
0x48: {  	_ =	shalt  }
0x49: {  	_ =	shalt  }
0x4a: {  	_ =	shalt  }
0x4b: {  	_ =	shalt  }
0x4c: {  	_ =	shalt  }
0x4d: {  	_ =	shalt  }
0x4e: {  	_ =	shalt  }
0x4f: {  	_ =	shalt  }
0x50: {  	_ =	shalt  }
0x51: {  	_ =	shalt  }
0x52: {  	_ =	shalt  }
0x53: {  	_ =	shalt  }
0x54: {  	_ =	shalt  }
0x55: {  	_ =	shalt  }
0x56: {  	_ =	shalt  }
0x57: {  	_ =	shalt  }
0x58: {  	_ =	shalt  }
0x59: {  	_ =	shalt  }
0x5a: {  	_ =	shalt  }
0x5b: {  	_ =	shalt  }
0x5c: {  	_ =	shalt  }
0x5d: {  	_ =	shalt  }
0x5e: {  	_ =	shalt  }
0x5f: {  	_ =	shalt  }
0x60: {  	_ =	shalt  }
0x61: {  	_ =	shalt  }
0x62: {  	_ =	shalt  }
0x63: {  	_ =	shalt  }
0x64: {  	_ =	shalt  }
0x65: {  	_ =	shalt  }
0x66: {  	_ =	shalt  }
0x67: {  	_ =	shalt  }
0x68: {  	_ =	shalt  }
0x69: {  	_ =	shalt  }
0x6a: {  	_ =	shalt  }
0x6b: {  	_ =	shalt  }
0x6c: {  	_ =	shalt  }
0x6d: {  	_ =	shalt  }
0x6e: {  	_ =	shalt  }
0x6f: {  	_ =	shalt  }
0x70: {  	_ =	shalt  }
0x71: {  	_ =	shalt  }
0x72: {  	_ =	shalt  }
0x73: {  	_ =	shalt  }
0x74: {  	_ =	shalt  }
0x75: {  	_ =	shalt  }
0x76: {  	_ =	shalt  }
0x77: {  	_ =	shalt  }
0x78: {  	_ =	shalt  }
0x79: {  	_ =	shalt  }
0x7a: {  	_ =	shalt  }
0x7b: {  	_ =	shalt  }
0x7c: {  	_ =	shalt  }
0x7d: {  	_ =	shalt  }
0x7e: {  	_ =	shalt  }
0x7f: {  	_ =	shalt  }
0x80: {  	_ =	shalt  }
0x81: {  	_ =	shalt  }
0x82: {  	_ =	shalt  }
0x83: {  	_ =	shalt  }
0x84: {  	_ =	shalt  }
0x85: {  	_ =	shalt  }
0x86: {  	_ =	shalt  }
0x87: {  	_ =	shalt  }
.Lfunc_end0:
.L_simem_size_0:
called_computation.2_lowered:
.L_overlay_start_0:
0x88: {  	s2 =	sld [smem:$0x3FD9]  }
0x89: {  	s3 =	sld [smem:$0x3FFE];
	_ =	sdelay $0x1  }
0x8a: {  	s1 =	srdreg.scid  }
0x8b: {  	s0 =	sand.u32 $0x1, s1  }
0x8c: {  	s17 =	sshll.u32 s0, $0xA;
	s2 =	sadd.s32 s3, s2  }
0x8d: {  	s2 =	sadd.s32 s2, s17  }
0x8e: {  	[smem:$0x3FC0] =	sst s2  }
0x8f: {  	_ = 	snop  }
0x90: {  	s2 =	sld [smem:$0x3FD0];
	(tm) =	ssettm $0x1  }
0x91: {  	s18 =	sld [smem:$0x3FFB];
	_ =	sdelay $0x3  }
0x92: {  	_ =	strace s18  }
0x93: {  	s3 =	sld [smem:$0x3FFC];
	_ =	sdelay $0x3  }
0x94: {  	_ =	strace s3  }
0x95: {  	s3 =	sld [smem:$0x3FFD];
	_ =	sdelay $0x3  }
0x96: {  	_ =	strace s3  }
0x97: {  	_ =	strace $0x8FFFFFFF  }
0x98: {  	s19 =	sld [smem:$0x3FDB];
	_ =	sdelay $0x1  }
0x99: {  	s4 =	simm.s32 $_scs_section_size  }
0x9a: {  	s5 =	simm.s32 $_size__tile_overlayer_lowered;
	s6 =	simm.s32 $_tile_overlayer_lowered  }
0x9b: {  	s22 =	simm.s32 $0x1BFF;
	s21 =	sshll.u32 s6, $0x1;
	s3 =	sadd.s32 s4, s19  }
0x9c: {  	s7 =	simm.s32 $0x0;
	s20 =	sshll.u32 s5, $0x1;
	s5 =	sadd.s32 s21, s3  }
0x9d: {  	[timem:s7], [sflag:s22] =	dma.local [hbm:s5], s20  }
0x9e: {  	_ =	swait.ge [sflag:s22], s20  }
0x9f: {  	s4 =	ssub.s32 $0x0, s20;
	[sflag:s22] =	ssyncset.done $0x0  }
0xa0: {  	[sflag:s22] =	ssyncadd.s32 s4;
	_ =	sdelay $0x1  }
0xa1: {  	s23 =	simm.s32 $0x1B8B  }
0xa2: {  	_ =	swait.ge [sflag:s23], $0x1  }
0xa3: {  	[sflag:s23] =	ssyncset.done $0x0  }
0xa4: {  	s25 =	simm.s32 $0x1B8E;
	s24 =	sld [smem:$0x3FFE];
	[sflag:s23] =	ssyncadd.s32 $0xFFFFFFFF  }
0xa5: {  	s26 =	simm.s32 $execute0_lowered;
	[smem:$0x3FD2] =	sst s25  }
0xa6: {  	s5 =	sshll.u32 s26, $0x1;
	_ =	strace $0x8000004C;
	[dreg:$0x1] =	wrdreg $0xFFFFFFFF  }
0xa7: {  	s28 =	simm.s32 $_size_execute0_lowered;
	s3 =	sadd.s32 s3, s5;
	[dreg:$0x0] =	wrdreg $0x0  }
0xa8: {  	s5 =	sshll.u32 s28, $0x1;
	[dreg:$0x2] =	wrdreg s3  }
0xa9: {  	[dreg:$0x3] =	wrdreg s5  }
0xaa: {  	[dreg:$0x4] =	wrdreg $0xC0  }
0xab: {  	_ =	task [dreg:s7], $0x5FFFF  }
0xac: {  	[dreg:$0x1] =	wrdreg $0xFFFFFFFF  }
0xad: {  	[dreg:$0x0] =	wrdreg $0x60  }
0xae: {  	[dreg:$0x2] =	wrdreg s24  }
0xaf: {  	[dreg:$0x3] =	wrdreg s2  }
0xb0: {  	[dreg:$0x4] =	wrdreg $0x45000  }
0xb1: {  	[dreg:$0x5] =	wrdreg $0x9  }
0xb2: {  	_ =	task.clear_ibuf [dreg:s7], $0x6FFFF;
	_ =	strace $0x9000004C  }
0xb3: {  	s29 =	simm.s32 $0x9;
	_ =	strace $0x8000004E  }
0xb4: {  	_ =	swait.ge [sflag:s29], $0x1  }
0xb5: {  	[sflag:s29] =	ssyncadd.s32 $0xFFFFFFFF  }
0xb6: {  	_ =	strace $0x9000004E  }
0xb7: {  	_ =	sfence  }
0xb8: {  	s30 =	sld [smem:$0x0];
	_ =	sdelay $0x2  }
0xb9: {  	s31 =	sshll.u32 s1, $0xD;
	s1 =	sshrl.u32 s1, $0x2  }
0xba: {  	s3 =	sand.u32 $0x4000, s31;
	s1 =	sadd.s32 s1, s30  }
0xbb: {  	s0 =	sor.u32 s3, s0;
	s1 =	sshll.u32 s1, $0x11  }
0xbc: {  	s0 =	sor.u32 s1, s0  }
0xbd: {  	s0 =	sadd.s32 $0x8F2B, s0  }
0xbe: {  	[sflag:s0] =	ssyncadd.remote.s32 $0x1  }
0xbf: {  	_ =	sfence.sel $0xFFFF  }
0xc0: {  	[dreg:$0x0] =	wrdreg $0xFFFFFFFF;
	(pc) =	sbr.abs _section_cstart, $3  }
0xc1: {  	[dreg:$0x1] =	wrdreg $0xFFFFFFFF  }
0xc2: {  	_ =	task.clear_ibuf [dreg:s7], $0x2FFFF;
	_ =	strace $0x9FFFFFFF  }
0xc3: {  	(tm) =	ssettm $0x7FFFFFFF  }
tec
execute0_lowered:
.L_overlay_start_1:
0x0: {  	(tag) =	ssettag $0x1  }
0x1: {  	s5 =	rddreg [dreg:$0x0]  }
0x2: {  	s9 =	rddreg [dreg:$0x1]  }
0x3: {  	s0 =	stileid.u32;
	s1 =	srdreg.scid  }
0x4: {  	s2 =	rddreg [dreg:$0x2];
	s3 =	simm.s32 $0x0;
	s10 =	smul.u32 $0x9E0, s0  }
0x5: {  	s16 =	simm.s32 $0x1;
	s17 =	simm.s32 $0x4100;
	s7 =	smul.u32 $0x14000, s0  }
0x6: {  	s11 =	sand.u32 $0x1, s1;
	s1 =	rddreg [dreg:$0x3];
	s8 =	smul.u32 $0x50000, s0  }
0x7: {  	s18 =	simm.s32 $0x0;
	[smem:$0x7FF] =	sst s3;
	s28 =	smul.u32 $0x2800, s0  }
0x8: {  	s4 =	sadd.s32 $0xD400, s5;
	s31 =	sshll.u32 s0, $0x6;
	s6 =	smul.u32 $0x140000, s11  }
0x9: {  	_ =	strace $0x8000004D;
	s25 =	ssub.s32 $0x2, s11;
	s15 =	smul.u32 $0x4F0, s11  }
0xa: {  	p0 =	sne.s32 s11, $0x0;
	s11 =	sor.u32 $0x1C02, s31;
	s12 =	sadd.s32 s10, s5  }
0xb: {  	s26 =	sshrl.u32 s25, $0x1;
	s29 =	sshrl.u32 s8, $0x2;
	s9 =	sadd.s32 s10, s9  }
0xc: {  	s6 =	sadd.s32 s7, s6;
	s14 =	ssub.s32 s25, s26;
	s30 =	sadd.s32 s15, s12  }
0xd: {  	s9 =	sadd.s32 s15, s9;
	s15 =	simm.s32 $0x100;
	s6 =	sshrl.u32 s6, $0x3  }
0xe: {  	s8 =	smax.u32 s14, $0x1;
	s10 =	sadd.s32 $0x3600, s30;
	s14 =	simm.s32 $0x80  }
0xf: {  	s13 =	sadd.s32 s6, s5;
	s5 =	sadd.s32 s29, s2;
	s6 =	sadd.s32 s4, s28  }
0x10: {  	v0 =	vimm.f32 $0.0e+00;
	s7 =	sadd.s32 $0x35400, s13;
	s12 =	sshrl.u32 s5, $0x3;
	s13 =	simm.s32 $0x2  }
.LBB2_1:
.Ltmp0:
0x11: {  	(pc) =	sbr.rel @p0 .LBB2_3-.Ltmp0, $1  }
0x12: {  	_ =	sdelay $0x3  }
.Ltmp1:
0x13: {  	(pc) =	sbr.rel .LBB2_6-.Ltmp1, $4  }
0x14: {  	[spmem:s12], [sflag:s11] =	dma.local [hbm:s6], $0x2800  }
0x15: {  	_ =	swait.ge [sflag:s13], $0x2800  }
0x16: {  	[sflag:s13] =	ssyncset.done $0x0  }
0x17: {  	[sflag:s13] =	ssyncadd.s32 $0xFFFFD800  }
.LBB2_3:
0x18: {  	[tilespmem:$0x4100] =	vst v0  }
0x19: {  	[tilespmem:$0x4110] =	vst v0  }
0x1a: {  	[tilespmem:$0x4120] =	vst v0  }
0x1b: {  	[tilespmem:$0x4130] =	vst v0  }
0x1c: {  	[tilespmem:$0x4140] =	vst v0  }
0x1d: {  	[tilespmem:$0x4150] =	vst v0  }
0x1e: {  	[tilespmem:$0x4160] =	vst v0  }
0x1f: {  	[tilespmem:$0x4170] =	vst v0  }
0x20: {  	[tilespmem:$0x4180] =	vst v0  }
0x21: {  	[tilespmem:$0x4190] =	vst v0  }
0x22: {  	[tilespmem:$0x41A0] =	vst v0  }
0x23: {  	[tilespmem:$0x41B0] =	vst v0  }
0x24: {  	[tilespmem:$0x41C0] =	vst v0  }
0x25: {  	[tilespmem:$0x41D0] =	vst v0  }
0x26: {  	[tilespmem:$0x41E0] =	vst v0  }
0x27: {  	[tilespmem:$0x41F0] =	vst v0  }
0x28: {  	[tilespmem:$0x4200] =	vst v0  }
0x29: {  	[tilespmem:$0x4210] =	vst v0  }
0x2a: {  	[tilespmem:$0x4220] =	vst v0  }
0x2b: {  	[tilespmem:$0x4230] =	vst v0  }
0x2c: {  	[tilespmem:$0x4240] =	vst v0  }
0x2d: {  	[tilespmem:$0x4250] =	vst v0  }
0x2e: {  	[tilespmem:$0x4260] =	vst v0  }
0x2f: {  	[tilespmem:$0x4270] =	vst v0  }
0x30: {  	[tilespmem:$0x4280] =	vst v0  }
0x31: {  	[tilespmem:$0x4290] =	vst v0  }
0x32: {  	[tilespmem:$0x42A0] =	vst v0  }
0x33: {  	[tilespmem:$0x42B0] =	vst v0  }
0x34: {  	[tilespmem:$0x42C0] =	vst v0  }
0x35: {  	[tilespmem:$0x42D0] =	vst v0  }
0x36: {  	[tilespmem:$0x42E0] =	vst v0  }
0x37: {  	[tilespmem:$0x42F0] =	vst v0  }
0x38: {  	[tilespmem:$0x4300] =	vst v0  }
0x39: {  	[tilespmem:$0x4310] =	vst v0  }
0x3a: {  	[tilespmem:$0x4320] =	vst v0  }
0x3b: {  	[tilespmem:$0x4330] =	vst v0  }
0x3c: {  	[tilespmem:$0x4340] =	vst v0  }
0x3d: {  	[tilespmem:$0x4350] =	vst v0  }
0x3e: {  	[tilespmem:$0x4360] =	vst v0  }
0x3f: {  	[tilespmem:$0x4370] =	vst v0  }
0x40: {  	[tilespmem:$0x4380] =	vst v0  }
0x41: {  	[tilespmem:$0x4390] =	vst v0  }
0x42: {  	[tilespmem:$0x43A0] =	vst v0  }
0x43: {  	[tilespmem:$0x43B0] =	vst v0  }
0x44: {  	[tilespmem:$0x43C0] =	vst v0  }
0x45: {  	[tilespmem:$0x43D0] =	vst v0  }
0x46: {  	[tilespmem:$0x43E0] =	vst v0  }
0x47: {  	[tilespmem:$0x43F0] =	vst v0  }
0x48: {  	[tilespmem:$0x4400] =	vst v0  }
0x49: {  	[tilespmem:$0x4410] =	vst v0  }
0x4a: {  	[tilespmem:$0x4420] =	vst v0  }
0x4b: {  	[tilespmem:$0x4430] =	vst v0  }
0x4c: {  	[tilespmem:$0x4440] =	vst v0  }
0x4d: {  	[tilespmem:$0x4450] =	vst v0  }
0x4e: {  	[tilespmem:$0x4460] =	vst v0  }
0x4f: {  	[tilespmem:$0x4470] =	vst v0  }
0x50: {  	[tilespmem:$0x4480] =	vst v0  }
0x51: {  	[tilespmem:$0x4490] =	vst v0  }
0x52: {  	[tilespmem:$0x44A0] =	vst v0  }
0x53: {  	[tilespmem:$0x44B0] =	vst v0  }
0x54: {  	[tilespmem:$0x44C0] =	vst v0  }
0x55: {  	[tilespmem:$0x44D0] =	vst v0  }
0x56: {  	[tilespmem:$0x44E0] =	vst v0  }
0x57: {  	[tilespmem:$0x44F0] =	vst v0;
	s19 =	sadd.s32 $0x0, s5  }
0x58: {  	[spmem:s19] =	stream.linear.scatter [tilespmem:s17], [sflag:$0x2], $0x400, $0x38;
	[tilespmem:$0x18500] =	vst v63  }
0x59: {  	s19 =	simm.s32 $0x1000;
	_ =	swait.ge [sflag:s13], $0x400  }
.LBB2_4:
0x5a: {  	s20 =	sshra.s32 s19, $0x2;
	[sflag:s13] =	ssyncset.done $0x0;
	p1 =	sne.s32 s19, $0x4F000  }
.Ltmp2:
0x5b: {  	s20 =	sadd.s32 s20, s5;
	[sflag:s13] =	ssyncadd.s32 $0xFFFFFC00;
	(pc) =	sbr.rel @p1 .LBB2_4-.Ltmp2, $3  }
0x5c: {  	[spmem:s20] =	stream.linear.scatter [tilespmem:s17], [sflag:$0x2], $0x400, $0x38;
	[tilespmem:$0x18500] =	vst v63  }
0x5d: {  	s19 =	sadd.s32 $0x1000, s19;
	_ =	sdelay $0x1  }
0x5e: {  	_ =	swait.ge [sflag:s13], $0x400  }
0x5f: {  	[sflag:s13] =	ssyncset.done $0x0  }
0x60: {  	[sflag:s13] =	ssyncadd.s32 $0xFFFFFC00  }
.LBB2_6:
0x61: {  	[bflag:$0x0] =	sbarrier.arrive $0xFFFF;
	s19 =	sadd.s32 $0x0, s10  }
0x62: {  	[tilespmem:s3], [sflag:$0x2] =	stream.linear.gather [hbm4b:s19+s3], $0x80, $0x38;
	[tilespmem:$0x18500] =	vst v63  }
0x63: {  	_ =	swait.ge [sflag:s13], $0x80  }
0x64: {  	[sflag:s13] =	ssyncset.done $0x0  }
0x65: {  	s31 =	sadd.s32 $0x0, s9;
	[sflag:s13] =	ssyncadd.s32 $0xFFFFFF80  }
0x66: {  	[tilespmem:s14], [sflag:$0x2] =	stream.linear.gather [hbm4b:s31+s3], $0x80, $0x38;
	[tilespmem:$0x18500] =	vst v63  }
0x67: {  	_ =	swait.ge [sflag:s13], $0x80  }
0x68: {  	[sflag:s13] =	ssyncset.done $0x0  }
0x69: {  	[sflag:s13] =	ssyncadd.s32 $0xFFFFFF80  }
0x6a: {  	[tilespmem:s15], [sflag:$0x1] =	stream.indirect.gather [hbm4b:s4+s14], $0x80, s3, s14, $0xb8;
	[tilespmem:$0x18500] =	vst v63  }
0x6b: {  	_ =	swait.ge [sflag:s16], $0x4000  }
0x6c: {  	[sflag:s16] =	ssyncset.done $0x0  }
0x6d: {  	[sflag:s16] =	ssyncadd.s32 $0xFFFFC000  }
0x6e: {  	[spmem:s2] =	stream.indirect.scatter.add.f32 [tilespmem:s15], [sflag:$0x2], $0x80, s14, s14, $0xb8;
	[tilespmem:$0x18500] =	vst v63  }
0x6f: {  	_ =	swait.ge [sflag:s13], $0x4000  }
0x70: {  	s20 =	simm.s32 $0x20;
	s19 =	simm.s32 $0x10;
	[sflag:s13] =	ssyncset.done $0x0  }
.LBB2_7:
0x71: {  	s21 =	sadd.s32 s19, s10  }
0x72: {  	[sflag:s13] =	ssyncadd.s32 $0xFFFFC000;
	s22 =	smov.u32 s20;
	s23 =	sadd.s32 $0x10, s20  }
0x73: {  	[tilespmem:s3], [sflag:$0x2] =	stream.linear.gather [hbm4b:s21+s3], $0x80, $0x38;
	[tilespmem:$0x18500] =	vst v63  }
0x74: {  	p1 =	sne.s32 s20, $0x4E0;
	_ =	swait.ge [sflag:s13], $0x80  }
0x75: {  	[sflag:s13] =	ssyncset.done $0x0  }
0x76: {  	s20 =	sadd.s32 s19, s9;
	s19 =	smov.u32 s22;
	[sflag:s13] =	ssyncadd.s32 $0xFFFFFF80  }
0x77: {  	[tilespmem:s14], [sflag:$0x2] =	stream.linear.gather [hbm4b:s20+s3], $0x80, $0x38;
	[tilespmem:$0x18500] =	vst v63  }
0x78: {  	_ =	swait.ge [sflag:s13], $0x80  }
0x79: {  	[sflag:s13] =	ssyncset.done $0x0  }
0x7a: {  	[sflag:s13] =	ssyncadd.s32 $0xFFFFFF80  }
0x7b: {  	[tilespmem:s15], [sflag:$0x1] =	stream.indirect.gather [hbm4b:s4+s14], $0x80, s3, s14, $0xb8;
	[tilespmem:$0x18500] =	vst v63  }
0x7c: {  	_ =	swait.ge [sflag:s16], $0x4000  }
.Ltmp3:
0x7d: {  	[sflag:s16] =	ssyncset.done $0x0;
	(pc) =	sbr.rel @p1 .LBB2_7-.Ltmp3, $4  }
0x7e: {  	[sflag:s16] =	ssyncadd.s32 $0xFFFFC000  }
0x7f: {  	[spmem:s2] =	stream.indirect.scatter.add.f32 [tilespmem:s15], [sflag:$0x2], $0x80, s14, s14, $0xb8;
	[tilespmem:$0x18500] =	vst v63  }
0x80: {  	_ =	swait.ge [sflag:s13], $0x4000  }
0x81: {  	s20 =	smov.u32 s23;
	[sflag:s13] =	ssyncset.done $0x0  }
0x82: {  	s20 =	sadd.s32 s19, s10;
	[sflag:s13] =	ssyncadd.s32 $0xFFFFC000  }
0x83: {  	[tilespmem:s3], [sflag:$0x2] =	stream.linear.gather [hbm4b:s20+s3], $0x80, $0x38;
	[tilespmem:$0x18500] =	vst v63  }
0x84: {  	_ =	swait.ge [sflag:s13], $0x80  }
0x85: {  	[sflag:s13] =	ssyncset.done $0x0  }
0x86: {  	s31 =	sadd.s32 s19, s9;
	[sflag:s13] =	ssyncadd.s32 $0xFFFFFF80  }
0x87: {  	[tilespmem:s14], [sflag:$0x2] =	stream.linear.gather [hbm4b:s31+s3], $0x80, $0x38;
	[tilespmem:$0x18500] =	vst v63  }
0x88: {  	_ =	swait.ge [sflag:s13], $0x80  }
0x89: {  	[sflag:s13] =	ssyncset.done $0x0  }
0x8a: {  	[sflag:s13] =	ssyncadd.s32 $0xFFFFFF80  }
0x8b: {  	[tilespmem:s15], [sflag:$0x1] =	stream.indirect.gather [hbm4b:s4+s14], $0x80, s3, s14, $0xb8;
	[tilespmem:$0x18500] =	vst v63  }
0x8c: {  	_ =	swait.ge [sflag:s16], $0x4000  }
0x8d: {  	[sflag:s16] =	ssyncset.done $0x0  }
0x8e: {  	[sflag:s16] =	ssyncadd.s32 $0xFFFFC000  }
0x8f: {  	[spmem:s2] =	stream.indirect.scatter.add.f32 [tilespmem:s15], [sflag:$0x2], $0x80, s14, s14, $0xb8;
	[tilespmem:$0x18500] =	vst v63  }
0x90: {  	_ =	swait.ge [sflag:s13], $0x4000  }
0x91: {  	s18 =	sadd.s32 $0x1, s18;
	[sflag:s13] =	ssyncset.done $0x0  }
0x92: {  	p1 =	sne.s32 s18, s8;
	[sflag:s13] =	ssyncadd.s32 $0xFFFFC000  }
.Ltmp4:
0x93: {  	[bflag:$0x0] =	sbarrier.arrive $0xFFFF;
	(pc) =	sbr.rel @p1 .LBB2_1-.Ltmp4, $4  }
0x94: {  	[hbm:s7], [sflag:s11] =	dma.local [spmem:s12], $0x2800  }
0x95: {  	_ =	swait.ge [sflag:s13], $0x2800  }
0x96: {  	[sflag:s13] =	ssyncset.done $0x0  }
0x97: {  	[sflag:s13] =	ssyncadd.s32 $0xFFFFD800  }
0x98: {  	_ =	sfence.sel $0x180000  }
0x99: {  	[bflag:$0x0] =	sbarrier.arrive $0xFFFF  }
0x9a: {  	p0 =	sne.s32 s0, $0x0;
	_ =	strace $0x9000004D  }
0x9b: {  	s0 =	sadd.s32 @!p0 $0x100000, s1;
	[bflag:$0x2] =	sbarrier.arrive $0xFFFF  }
0x9c: {  	[sflag:s0] =	ssyncadd.tile.s32 @!p0 $0x1;
	_ =	shalt  }
.Lfunc_end2:
_tile_overlayer_lowered:
.L_overlay_start_2:
0x9d: {  	(tag) =	ssettag $0x2  }
0x9e: {  	s0 =	rddreg [dreg:$0x0];
	s2 =	stileid.u32  }
0x9f: {  	s1 =	rddreg [dreg:$0x1];
	p0 =	sne.s32 s2, $0x0  }
0xa0: {  	s3 =	rddreg [dreg:$0x2];
	[bflag:$0x3] =	sbarrier.arrive $0xFFFF;
	s2 =	simm.s32 @!p0 $0x1C02  }
0xa1: {  	[timem:s3], [sflag:s2] =	dma.local @!p0 [hbm:s0], s1  }
0xa2: {  	s0 =	simm.s32 @!p0 $0x2  }
0xa3: {  	_ =	swait.ge @!p0 [sflag:s0], s1  }
0xa4: {  	s1 =	ssub.s32 @!p0 $0x0, s1;
	[sflag:s0] =	ssyncset.done @!p0 $0x0  }
0xa5: {  	[sflag:s0] =	ssyncadd.s32 @!p0 s1  }
0xa6: {  	[bflag:$0x3] =	sbarrier.arrive $0xFFFF  }
0xa7: {  	_ =	shalt  }

// kernel: kernel.19.cloned.1.call-start
scs
__scs_entry_jumppad:
0x0: {  	(pc) =	sbr.rel $0x88, $3  }
0x1: {  	(tag) =	ssettag $0x0;
	lr =	simm.s32 $0x1  }
0x2: {  	[smem:$0x3F99] =	sst lr;
	_ =	strace $0xD0000000  }
0x3: {  	_ = 	snop  }
0x4: {  	_ = 	snop  }
0x5: {  	_ = 	snop  }
0x6: {  	_ = 	snop  }
0x7: {  	_ = 	snop  }
__scs_overlays_trampoline_lowered:
0x8: {  	[smem:$0x3FA8] =	sst s0  }
0x9: {  	[smem:$0x3FA9] =	sst s1  }
0xa: {  	[smem:$0x3FAA] =	sst s2  }
0xb: {  	[smem:$0x3FAB] =	sst s3  }
0xc: {  	[smem:$0x3FAC] =	sst s4  }
0xd: {  	[smem:$0x3FAD] =	sst s5  }
0xe: {  	[smem:$0x3FAE] =	sst s6  }
0xf: {  	[smem:$0x3FAF] =	sst s7  }
0x10: {  	[smem:$0x3FB0] =	sst s8  }
0x11: {  	[smem:$0x3FB1] =	sst s9;
	s0 =	simm.s32 @!p0 $0x0  }
0x12: {  	s1 =	sld [smem:$0x3F97];
	s0 =	simm.s32 @p0 $0x1  }
0x13: {  	[smem:$0x3FB2] =	sst s0;
	s0 =	simm.s32 @!p1 $0x0  }
0x14: {  	s2 =	sld [smem:$0x3F96];
	s0 =	simm.s32 @p1 $0x1  }
0x15: {  	[smem:$0x3FB3] =	sst s0;
	s0 =	simm.s32 @!p2 $0x0  }
0x16: {  	s3 =	sld [smem:$0x3FDB];
	s0 =	simm.s32 @p2 $0x1  }
0x17: {  	s4 =	simm.s32 $0x1BF5;
	[smem:$0x3FB5] =	sst s0  }
0x18: {  	s0 =	sld [smem:$0x3F98];
	_ =	swait.ge [sflag:s4], $0x0  }
0x19: {  	s7 =	sld [smem:$0x3F99]  }
0x1a: {  	s8 =	sadd.s32 $0xFFFFE003, lr  }
0x1b: {  	s9 =	sadd.s32 $0xFFFFFEF7, lr;
	s5 =	simm.s32 $0xFFFFFFFF;
	p2 =	slt.u32 s8, $0xFFFFF086  }
0x1c: {  	p1 =	slt.u32 s9, $0xF7A;
	s5 =	simm.s32 @!p2 $0x0  }
0x1d: {  	s5 =	simm.s32 @p1 $0x1;
	p0 =	seq.s32 s7, s2  }
0x1e: {  	s7 =	smul.u32 @!p0 $0xF7A, s2;
	p2 =	seq.s32 @!p0 s5, $0x0  }
0x1f: {  	s9 =	smul.u32 $0xF7A, s1;
	s8 =	simm.s32 @!p0 $0x1BF5;
	p2 =	por !p2, p0  }
0x20: {  	[sflag:s8] =	ssyncset.s32 @!p0 $0xFFFFF086;
	s6 =	sadd.s32 @!p0 s3, s7;
	s7 =	simm.s32 @!p0 $0x108  }
0x21: {  	s3 =	sadd.s32 s3, s9;
	s6 =	sadd.s32 @!p0 $0x88, s6;
	s7 =	simm.s32 @p2 $0x1082  }
0x22: {  	[simem:s7], [sflag:s8] =	dma.local @!p0 [hbm:s6], $0xF7A  }
0x23: {  	s9 =	sor.u32 $0xD0000000, s2;
	s6 =	simm.s32 $0x108;
	_ =	swait.ge @!p0 [sflag:s8], $0x0  }
0x24: {  	s3 =	sadd.s32 $0x88, s3;
	s6 =	simm.s32 @!p1 $0x1082;
	[sflag:s4] =	ssyncset.s32 $0xFFFFF086  }
0x25: {  	[simem:s6], [sflag:s4] =	dma.local [hbm:s3], $0xF7A  }
0x26: {  	[smem:$0x3F99] =	sst s1;
	(tag) =	ssettag s2;
	_ =	strace s9  }
0x27: {  	s1 =	sld [smem:$0x3FA9]  }
0x28: {  	s2 =	sld [smem:$0x3FAA]  }
0x29: {  	s4 =	sld [smem:$0x3FAC]  }
0x2a: {  	p0 =	seq.s32 s5, $0x0;
	s5 =	sld [smem:$0x3FAD]  }
0x2b: {  	s6 =	sld [smem:$0x3FAE]  }
0x2c: {  	s7 =	sld [smem:$0x3FAF]  }
0x2d: {  	s3 =	simm.s32 $0x108;
	s8 =	sld [smem:$0x3FB0]  }
0x2e: {  	s3 =	simm.s32 @!p0 $0x1082;
	s9 =	sld [smem:$0x3FB1]  }
0x2f: {  	lr =	sadd.s32 s0, s3;
	s0 =	sld [smem:$0x3FA8]  }
0x30: {  	s3 =	sld [smem:$0x3FAB]  }
0x31: {  	[smem:$0x3FB4] =	sst s10  }
0x32: {  	s10 =	sld [smem:$0x3FB2];
	_ =	sdelay $0x3  }
0x33: {  	p0 =	seq.s32 s10, $0x1;
	s10 =	sld [smem:$0x3FB4];
	_ =	sdelay $0x3  }
0x34: {  	[smem:$0x3FB4] =	sst s10  }
0x35: {  	s10 =	sld [smem:$0x3FB3];
	_ =	sdelay $0x3  }
0x36: {  	p1 =	seq.s32 s10, $0x1;
	s10 =	sld [smem:$0x3FB4];
	_ =	sdelay $0x3  }
0x37: {  	[smem:$0x3FB4] =	sst s10  }
0x38: {  	s10 =	sld [smem:$0x3FB5]  }
0x39: {  	_ = 	snop;
	(pc) =	sbr.ind lr, $3  }
0x3a: {  	_ = 	snop  }
0x3b: {  	_ = 	snop  }
0x3c: {  	p2 =	seq.s32 s10, $0x1;
	s10 =	sld [smem:$0x3FB4]  }
0x3d: {  	_ =	shalt  }
0x3e: {  	_ =	shalt  }
0x3f: {  	_ =	shalt  }
0x40: {  	_ =	shalt  }
0x41: {  	_ =	shalt  }
0x42: {  	_ =	shalt  }
0x43: {  	_ =	shalt  }
0x44: {  	_ =	shalt  }
0x45: {  	_ =	shalt  }
0x46: {  	_ =	shalt  }
0x47: {  	_ =	shalt  }
0x48: {  	_ =	shalt  }
0x49: {  	_ =	shalt  }
0x4a: {  	_ =	shalt  }
0x4b: {  	_ =	shalt  }
0x4c: {  	_ =	shalt  }
0x4d: {  	_ =	shalt  }
0x4e: {  	_ =	shalt  }
0x4f: {  	_ =	shalt  }
0x50: {  	_ =	shalt  }
0x51: {  	_ =	shalt  }
0x52: {  	_ =	shalt  }
0x53: {  	_ =	shalt  }
0x54: {  	_ =	shalt  }
0x55: {  	_ =	shalt  }
0x56: {  	_ =	shalt  }
0x57: {  	_ =	shalt  }
0x58: {  	_ =	shalt  }
0x59: {  	_ =	shalt  }
0x5a: {  	_ =	shalt  }
0x5b: {  	_ =	shalt  }
0x5c: {  	_ =	shalt  }
0x5d: {  	_ =	shalt  }
0x5e: {  	_ =	shalt  }
0x5f: {  	_ =	shalt  }
0x60: {  	_ =	shalt  }
0x61: {  	_ =	shalt  }
0x62: {  	_ =	shalt  }
0x63: {  	_ =	shalt  }
0x64: {  	_ =	shalt  }
0x65: {  	_ =	shalt  }
0x66: {  	_ =	shalt  }
0x67: {  	_ =	shalt  }
0x68: {  	_ =	shalt  }
0x69: {  	_ =	shalt  }
0x6a: {  	_ =	shalt  }
0x6b: {  	_ =	shalt  }
0x6c: {  	_ =	shalt  }
0x6d: {  	_ =	shalt  }
0x6e: {  	_ =	shalt  }
0x6f: {  	_ =	shalt  }
0x70: {  	_ =	shalt  }
0x71: {  	_ =	shalt  }
0x72: {  	_ =	shalt  }
0x73: {  	_ =	shalt  }
0x74: {  	_ =	shalt  }
0x75: {  	_ =	shalt  }
0x76: {  	_ =	shalt  }
0x77: {  	_ =	shalt  }
0x78: {  	_ =	shalt  }
0x79: {  	_ =	shalt  }
0x7a: {  	_ =	shalt  }
0x7b: {  	_ =	shalt  }
0x7c: {  	_ =	shalt  }
0x7d: {  	_ =	shalt  }
0x7e: {  	_ =	shalt  }
0x7f: {  	_ =	shalt  }
0x80: {  	_ =	shalt  }
0x81: {  	_ =	shalt  }
0x82: {  	_ =	shalt  }
0x83: {  	_ =	shalt  }
0x84: {  	_ =	shalt  }
0x85: {  	_ =	shalt  }
0x86: {  	_ =	shalt  }
0x87: {  	_ =	shalt  }
.Lfunc_end0:
.L_simem_size_0:
called_computation.3_lowered:
.L_overlay_start_0:
0x88: {  	s2 =	sld [smem:$0x3FD9]  }
0x89: {  	s3 =	sld [smem:$0x3FFE];
	_ =	sdelay $0x1  }
0x8a: {  	s1 =	srdreg.scid  }
0x8b: {  	s0 =	sand.u32 $0x1, s1  }
0x8c: {  	s17 =	sshll.u32 s0, $0xA;
	s2 =	sadd.s32 s3, s2  }
0x8d: {  	s2 =	sadd.s32 s2, s17  }
0x8e: {  	[smem:$0x3FC0] =	sst s2  }
0x8f: {  	_ = 	snop  }
0x90: {  	s2 =	sld [smem:$0x3FD0];
	(tm) =	ssettm $0x1  }
0x91: {  	s18 =	sld [smem:$0x3FFB];
	_ =	sdelay $0x3  }
0x92: {  	_ =	strace s18  }
0x93: {  	s3 =	sld [smem:$0x3FFC];
	_ =	sdelay $0x3  }
0x94: {  	_ =	strace s3  }
0x95: {  	s3 =	sld [smem:$0x3FFD];
	_ =	sdelay $0x3  }
0x96: {  	_ =	strace s3  }
0x97: {  	_ =	strace $0x8FFFFFFF  }
0x98: {  	s19 =	sld [smem:$0x3FDB];
	_ =	sdelay $0x1  }
0x99: {  	s4 =	simm.s32 $_scs_section_size  }
0x9a: {  	s5 =	simm.s32 $_size__tile_overlayer_lowered;
	s6 =	simm.s32 $_tile_overlayer_lowered  }
0x9b: {  	s22 =	simm.s32 $0x1BFF;
	s21 =	sshll.u32 s6, $0x1;
	s3 =	sadd.s32 s4, s19  }
0x9c: {  	s7 =	simm.s32 $0x0;
	s20 =	sshll.u32 s5, $0x1;
	s5 =	sadd.s32 s21, s3  }
0x9d: {  	[timem:s7], [sflag:s22] =	dma.local [hbm:s5], s20  }
0x9e: {  	_ =	swait.ge [sflag:s22], s20  }
0x9f: {  	s4 =	ssub.s32 $0x0, s20;
	[sflag:s22] =	ssyncset.done $0x0  }
0xa0: {  	[sflag:s22] =	ssyncadd.s32 s4;
	_ =	sdelay $0x1  }
0xa1: {  	s23 =	simm.s32 $0x1B8B  }
0xa2: {  	_ =	swait.ge [sflag:s23], $0x1  }
0xa3: {  	[sflag:s23] =	ssyncset.done $0x0  }
0xa4: {  	s25 =	simm.s32 $0x1B8E;
	s24 =	sld [smem:$0x3FFE];
	[sflag:s23] =	ssyncadd.s32 $0xFFFFFFFF  }
0xa5: {  	s26 =	simm.s32 $execute0_lowered;
	[smem:$0x3FD2] =	sst s25  }
0xa6: {  	s5 =	sshll.u32 s26, $0x1;
	_ =	strace $0x8000004F;
	[dreg:$0x1] =	wrdreg $0xFFFFFFFF  }
0xa7: {  	s28 =	simm.s32 $_size_execute0_lowered;
	s3 =	sadd.s32 s3, s5;
	[dreg:$0x0] =	wrdreg $0x0  }
0xa8: {  	s5 =	sshll.u32 s28, $0x1;
	[dreg:$0x2] =	wrdreg s3  }
0xa9: {  	[dreg:$0x3] =	wrdreg s5  }
0xaa: {  	[dreg:$0x4] =	wrdreg $0xC0  }
0xab: {  	_ =	task [dreg:s7], $0x5FFFF  }
0xac: {  	[dreg:$0x1] =	wrdreg $0xFFFFFFFF  }
0xad: {  	[dreg:$0x0] =	wrdreg $0x60  }
0xae: {  	[dreg:$0x2] =	wrdreg s24  }
0xaf: {  	[dreg:$0x3] =	wrdreg s2  }
0xb0: {  	[dreg:$0x4] =	wrdreg $0x45000  }
0xb1: {  	[dreg:$0x5] =	wrdreg $0x9  }
0xb2: {  	_ =	task.clear_ibuf [dreg:s7], $0x6FFFF;
	_ =	strace $0x9000004F  }
0xb3: {  	s29 =	simm.s32 $0x9;
	_ =	strace $0x80000051  }
0xb4: {  	_ =	swait.ge [sflag:s29], $0x1  }
0xb5: {  	[sflag:s29] =	ssyncadd.s32 $0xFFFFFFFF  }
0xb6: {  	_ =	strace $0x90000051  }
0xb7: {  	_ =	sfence  }
0xb8: {  	s30 =	sld [smem:$0x0];
	_ =	sdelay $0x2  }
0xb9: {  	s31 =	sshll.u32 s1, $0xD;
	s1 =	sshrl.u32 s1, $0x2  }
0xba: {  	s3 =	sand.u32 $0x4000, s31;
	s1 =	sadd.s32 s1, s30  }
0xbb: {  	s0 =	sor.u32 s3, s0;
	s1 =	sshll.u32 s1, $0x11  }
0xbc: {  	s0 =	sor.u32 s1, s0  }
0xbd: {  	s0 =	sadd.s32 $0x8F2B, s0  }
0xbe: {  	[sflag:s0] =	ssyncadd.remote.s32 $0x1  }
0xbf: {  	_ =	sfence.sel $0xFFFF  }
0xc0: {  	[dreg:$0x0] =	wrdreg $0xFFFFFFFF;
	(pc) =	sbr.abs _section_cstart, $3  }
0xc1: {  	[dreg:$0x1] =	wrdreg $0xFFFFFFFF  }
0xc2: {  	_ =	task.clear_ibuf [dreg:s7], $0x2FFFF;
	_ =	strace $0x9FFFFFFF  }
0xc3: {  	(tm) =	ssettm $0x7FFFFFFF  }
tec
execute0_lowered:
.L_overlay_start_1:
0x0: {  	(tag) =	ssettag $0x1  }
0x1: {  	s5 =	rddreg [dreg:$0x0]  }
0x2: {  	s9 =	rddreg [dreg:$0x1]  }
0x3: {  	s0 =	stileid.u32;
	s1 =	srdreg.scid  }
0x4: {  	s2 =	rddreg [dreg:$0x2];
	s3 =	simm.s32 $0x0;
	s10 =	smul.u32 $0x9E0, s0  }
0x5: {  	s16 =	simm.s32 $0x1;
	s17 =	simm.s32 $0x4100;
	s7 =	smul.u32 $0x14000, s0  }
0x6: {  	s11 =	sand.u32 $0x1, s1;
	s1 =	rddreg [dreg:$0x3];
	s8 =	smul.u32 $0x50000, s0  }
0x7: {  	s18 =	simm.s32 $0x0;
	[smem:$0x7FF] =	sst s3;
	s28 =	smul.u32 $0x2800, s0  }
0x8: {  	s4 =	sadd.s32 $0xD400, s5;
	s31 =	sshll.u32 s0, $0x6;
	s6 =	smul.u32 $0x140000, s11  }
0x9: {  	_ =	strace $0x80000050;
	s25 =	ssub.s32 $0x2, s11;
	s15 =	smul.u32 $0x4F0, s11  }
0xa: {  	p0 =	sne.s32 s11, $0x0;
	s11 =	sor.u32 $0x1C02, s31;
	s12 =	sadd.s32 s10, s5  }
0xb: {  	s26 =	sshrl.u32 s25, $0x1;
	s29 =	sshrl.u32 s8, $0x2;
	s9 =	sadd.s32 s10, s9  }
0xc: {  	s6 =	sadd.s32 s7, s6;
	s14 =	ssub.s32 s25, s26;
	s30 =	sadd.s32 s15, s12  }
0xd: {  	s9 =	sadd.s32 s15, s9;
	s15 =	simm.s32 $0x100;
	s6 =	sshrl.u32 s6, $0x3  }
0xe: {  	s8 =	smax.u32 s14, $0x1;
	s10 =	sadd.s32 $0x3600, s30;
	s14 =	simm.s32 $0x80  }
0xf: {  	s13 =	sadd.s32 s6, s5;
	s5 =	sadd.s32 s29, s2;
	s6 =	sadd.s32 s4, s28  }
0x10: {  	v0 =	vimm.f32 $0.0e+00;
	s7 =	sadd.s32 $0x35400, s13;
	s12 =	sshrl.u32 s5, $0x3;
	s13 =	simm.s32 $0x2  }
.LBB2_1:
.Ltmp0:
0x11: {  	(pc) =	sbr.rel @p0 .LBB2_3-.Ltmp0, $1  }
0x12: {  	_ =	sdelay $0x3  }
.Ltmp1:
0x13: {  	(pc) =	sbr.rel .LBB2_6-.Ltmp1, $4  }
0x14: {  	[spmem:s12], [sflag:s11] =	dma.local [hbm:s6], $0x2800  }
0x15: {  	_ =	swait.ge [sflag:s13], $0x2800  }
0x16: {  	[sflag:s13] =	ssyncset.done $0x0  }
0x17: {  	[sflag:s13] =	ssyncadd.s32 $0xFFFFD800  }
.LBB2_3:
0x18: {  	[tilespmem:$0x4100] =	vst v0  }
0x19: {  	[tilespmem:$0x4110] =	vst v0  }
0x1a: {  	[tilespmem:$0x4120] =	vst v0  }
0x1b: {  	[tilespmem:$0x4130] =	vst v0  }
0x1c: {  	[tilespmem:$0x4140] =	vst v0  }
0x1d: {  	[tilespmem:$0x4150] =	vst v0  }
0x1e: {  	[tilespmem:$0x4160] =	vst v0  }
0x1f: {  	[tilespmem:$0x4170] =	vst v0  }
0x20: {  	[tilespmem:$0x4180] =	vst v0  }
0x21: {  	[tilespmem:$0x4190] =	vst v0  }
0x22: {  	[tilespmem:$0x41A0] =	vst v0  }
0x23: {  	[tilespmem:$0x41B0] =	vst v0  }
0x24: {  	[tilespmem:$0x41C0] =	vst v0  }
0x25: {  	[tilespmem:$0x41D0] =	vst v0  }
0x26: {  	[tilespmem:$0x41E0] =	vst v0  }
0x27: {  	[tilespmem:$0x41F0] =	vst v0  }
0x28: {  	[tilespmem:$0x4200] =	vst v0  }
0x29: {  	[tilespmem:$0x4210] =	vst v0  }
0x2a: {  	[tilespmem:$0x4220] =	vst v0  }
0x2b: {  	[tilespmem:$0x4230] =	vst v0  }
0x2c: {  	[tilespmem:$0x4240] =	vst v0  }
0x2d: {  	[tilespmem:$0x4250] =	vst v0  }
0x2e: {  	[tilespmem:$0x4260] =	vst v0  }
0x2f: {  	[tilespmem:$0x4270] =	vst v0  }
0x30: {  	[tilespmem:$0x4280] =	vst v0  }
0x31: {  	[tilespmem:$0x4290] =	vst v0  }
0x32: {  	[tilespmem:$0x42A0] =	vst v0  }
0x33: {  	[tilespmem:$0x42B0] =	vst v0  }
0x34: {  	[tilespmem:$0x42C0] =	vst v0  }
0x35: {  	[tilespmem:$0x42D0] =	vst v0  }
0x36: {  	[tilespmem:$0x42E0] =	vst v0  }
0x37: {  	[tilespmem:$0x42F0] =	vst v0  }
0x38: {  	[tilespmem:$0x4300] =	vst v0  }
0x39: {  	[tilespmem:$0x4310] =	vst v0  }
0x3a: {  	[tilespmem:$0x4320] =	vst v0  }
0x3b: {  	[tilespmem:$0x4330] =	vst v0  }
0x3c: {  	[tilespmem:$0x4340] =	vst v0  }
0x3d: {  	[tilespmem:$0x4350] =	vst v0  }
0x3e: {  	[tilespmem:$0x4360] =	vst v0  }
0x3f: {  	[tilespmem:$0x4370] =	vst v0  }
0x40: {  	[tilespmem:$0x4380] =	vst v0  }
0x41: {  	[tilespmem:$0x4390] =	vst v0  }
0x42: {  	[tilespmem:$0x43A0] =	vst v0  }
0x43: {  	[tilespmem:$0x43B0] =	vst v0  }
0x44: {  	[tilespmem:$0x43C0] =	vst v0  }
0x45: {  	[tilespmem:$0x43D0] =	vst v0  }
0x46: {  	[tilespmem:$0x43E0] =	vst v0  }
0x47: {  	[tilespmem:$0x43F0] =	vst v0  }
0x48: {  	[tilespmem:$0x4400] =	vst v0  }
0x49: {  	[tilespmem:$0x4410] =	vst v0  }
0x4a: {  	[tilespmem:$0x4420] =	vst v0  }
0x4b: {  	[tilespmem:$0x4430] =	vst v0  }
0x4c: {  	[tilespmem:$0x4440] =	vst v0  }
0x4d: {  	[tilespmem:$0x4450] =	vst v0  }
0x4e: {  	[tilespmem:$0x4460] =	vst v0  }
0x4f: {  	[tilespmem:$0x4470] =	vst v0  }
0x50: {  	[tilespmem:$0x4480] =	vst v0  }
0x51: {  	[tilespmem:$0x4490] =	vst v0  }
0x52: {  	[tilespmem:$0x44A0] =	vst v0  }
0x53: {  	[tilespmem:$0x44B0] =	vst v0  }
0x54: {  	[tilespmem:$0x44C0] =	vst v0  }
0x55: {  	[tilespmem:$0x44D0] =	vst v0  }
0x56: {  	[tilespmem:$0x44E0] =	vst v0  }
0x57: {  	[tilespmem:$0x44F0] =	vst v0;
	s19 =	sadd.s32 $0x0, s5  }
0x58: {  	[spmem:s19] =	stream.linear.scatter [tilespmem:s17], [sflag:$0x2], $0x400, $0x38;
	[tilespmem:$0x18500] =	vst v63  }
0x59: {  	s19 =	simm.s32 $0x1000;
	_ =	swait.ge [sflag:s13], $0x400  }
.LBB2_4:
0x5a: {  	s20 =	sshra.s32 s19, $0x2;
	[sflag:s13] =	ssyncset.done $0x0;
	p1 =	sne.s32 s19, $0x4F000  }
.Ltmp2:
0x5b: {  	s20 =	sadd.s32 s20, s5;
	[sflag:s13] =	ssyncadd.s32 $0xFFFFFC00;
	(pc) =	sbr.rel @p1 .LBB2_4-.Ltmp2, $3  }
0x5c: {  	[spmem:s20] =	stream.linear.scatter [tilespmem:s17], [sflag:$0x2], $0x400, $0x38;
	[tilespmem:$0x18500] =	vst v63  }
0x5d: {  	s19 =	sadd.s32 $0x1000, s19;
	_ =	sdelay $0x1  }
0x5e: {  	_ =	swait.ge [sflag:s13], $0x400  }
0x5f: {  	[sflag:s13] =	ssyncset.done $0x0  }
0x60: {  	[sflag:s13] =	ssyncadd.s32 $0xFFFFFC00  }
.LBB2_6:
0x61: {  	[bflag:$0x0] =	sbarrier.arrive $0xFFFF;
	s19 =	sadd.s32 $0x0, s10  }
0x62: {  	[tilespmem:s3], [sflag:$0x2] =	stream.linear.gather [hbm4b:s19+s3], $0x80, $0x38;
	[tilespmem:$0x18500] =	vst v63  }
0x63: {  	_ =	swait.ge [sflag:s13], $0x80  }
0x64: {  	[sflag:s13] =	ssyncset.done $0x0  }
0x65: {  	s31 =	sadd.s32 $0x0, s9;
	[sflag:s13] =	ssyncadd.s32 $0xFFFFFF80  }
0x66: {  	[tilespmem:s14], [sflag:$0x2] =	stream.linear.gather [hbm4b:s31+s3], $0x80, $0x38;
	[tilespmem:$0x18500] =	vst v63  }
0x67: {  	_ =	swait.ge [sflag:s13], $0x80  }
0x68: {  	[sflag:s13] =	ssyncset.done $0x0  }
0x69: {  	[sflag:s13] =	ssyncadd.s32 $0xFFFFFF80  }
0x6a: {  	[tilespmem:s15], [sflag:$0x1] =	stream.indirect.gather [hbm4b:s4+s14], $0x80, s3, s14, $0xb8;
	[tilespmem:$0x18500] =	vst v63  }
0x6b: {  	_ =	swait.ge [sflag:s16], $0x4000  }
0x6c: {  	[sflag:s16] =	ssyncset.done $0x0  }
0x6d: {  	[sflag:s16] =	ssyncadd.s32 $0xFFFFC000  }
0x6e: {  	[spmem:s2] =	stream.indirect.scatter.add.f32 [tilespmem:s15], [sflag:$0x2], $0x80, s14, s14, $0xb8;
	[tilespmem:$0x18500] =	vst v63  }
0x6f: {  	_ =	swait.ge [sflag:s13], $0x4000  }
0x70: {  	s20 =	simm.s32 $0x20;
	s19 =	simm.s32 $0x10;
	[sflag:s13] =	ssyncset.done $0x0  }
.LBB2_7:
0x71: {  	s21 =	sadd.s32 s19, s10  }
0x72: {  	[sflag:s13] =	ssyncadd.s32 $0xFFFFC000;
	s22 =	smov.u32 s20;
	s23 =	sadd.s32 $0x10, s20  }
0x73: {  	[tilespmem:s3], [sflag:$0x2] =	stream.linear.gather [hbm4b:s21+s3], $0x80, $0x38;
	[tilespmem:$0x18500] =	vst v63  }
0x74: {  	p1 =	sne.s32 s20, $0x4E0;
	_ =	swait.ge [sflag:s13], $0x80  }
0x75: {  	[sflag:s13] =	ssyncset.done $0x0  }
0x76: {  	s20 =	sadd.s32 s19, s9;
	s19 =	smov.u32 s22;
	[sflag:s13] =	ssyncadd.s32 $0xFFFFFF80  }
0x77: {  	[tilespmem:s14], [sflag:$0x2] =	stream.linear.gather [hbm4b:s20+s3], $0x80, $0x38;
	[tilespmem:$0x18500] =	vst v63  }
0x78: {  	_ =	swait.ge [sflag:s13], $0x80  }
0x79: {  	[sflag:s13] =	ssyncset.done $0x0  }
0x7a: {  	[sflag:s13] =	ssyncadd.s32 $0xFFFFFF80  }
0x7b: {  	[tilespmem:s15], [sflag:$0x1] =	stream.indirect.gather [hbm4b:s4+s14], $0x80, s3, s14, $0xb8;
	[tilespmem:$0x18500] =	vst v63  }
0x7c: {  	_ =	swait.ge [sflag:s16], $0x4000  }
.Ltmp3:
0x7d: {  	[sflag:s16] =	ssyncset.done $0x0;
	(pc) =	sbr.rel @p1 .LBB2_7-.Ltmp3, $4  }
0x7e: {  	[sflag:s16] =	ssyncadd.s32 $0xFFFFC000  }
0x7f: {  	[spmem:s2] =	stream.indirect.scatter.add.f32 [tilespmem:s15], [sflag:$0x2], $0x80, s14, s14, $0xb8;
	[tilespmem:$0x18500] =	vst v63  }
0x80: {  	_ =	swait.ge [sflag:s13], $0x4000  }
0x81: {  	s20 =	smov.u32 s23;
	[sflag:s13] =	ssyncset.done $0x0  }
0x82: {  	s20 =	sadd.s32 s19, s10;
	[sflag:s13] =	ssyncadd.s32 $0xFFFFC000  }
0x83: {  	[tilespmem:s3], [sflag:$0x2] =	stream.linear.gather [hbm4b:s20+s3], $0x80, $0x38;
	[tilespmem:$0x18500] =	vst v63  }
0x84: {  	_ =	swait.ge [sflag:s13], $0x80  }
0x85: {  	[sflag:s13] =	ssyncset.done $0x0  }
0x86: {  	s31 =	sadd.s32 s19, s9;
	[sflag:s13] =	ssyncadd.s32 $0xFFFFFF80  }
0x87: {  	[tilespmem:s14], [sflag:$0x2] =	stream.linear.gather [hbm4b:s31+s3], $0x80, $0x38;
	[tilespmem:$0x18500] =	vst v63  }
0x88: {  	_ =	swait.ge [sflag:s13], $0x80  }
0x89: {  	[sflag:s13] =	ssyncset.done $0x0  }
0x8a: {  	[sflag:s13] =	ssyncadd.s32 $0xFFFFFF80  }
0x8b: {  	[tilespmem:s15], [sflag:$0x1] =	stream.indirect.gather [hbm4b:s4+s14], $0x80, s3, s14, $0xb8;
	[tilespmem:$0x18500] =	vst v63  }
0x8c: {  	_ =	swait.ge [sflag:s16], $0x4000  }
0x8d: {  	[sflag:s16] =	ssyncset.done $0x0  }
0x8e: {  	[sflag:s16] =	ssyncadd.s32 $0xFFFFC000  }
0x8f: {  	[spmem:s2] =	stream.indirect.scatter.add.f32 [tilespmem:s15], [sflag:$0x2], $0x80, s14, s14, $0xb8;
	[tilespmem:$0x18500] =	vst v63  }
0x90: {  	_ =	swait.ge [sflag:s13], $0x4000  }
0x91: {  	s18 =	sadd.s32 $0x1, s18;
	[sflag:s13] =	ssyncset.done $0x0  }
0x92: {  	p1 =	sne.s32 s18, s8;
	[sflag:s13] =	ssyncadd.s32 $0xFFFFC000  }
.Ltmp4:
0x93: {  	[bflag:$0x0] =	sbarrier.arrive $0xFFFF;
	(pc) =	sbr.rel @p1 .LBB2_1-.Ltmp4, $4  }
0x94: {  	[hbm:s7], [sflag:s11] =	dma.local [spmem:s12], $0x2800  }
0x95: {  	_ =	swait.ge [sflag:s13], $0x2800  }
0x96: {  	[sflag:s13] =	ssyncset.done $0x0  }
0x97: {  	[sflag:s13] =	ssyncadd.s32 $0xFFFFD800  }
0x98: {  	_ =	sfence.sel $0x180000  }
0x99: {  	[bflag:$0x0] =	sbarrier.arrive $0xFFFF  }
0x9a: {  	p0 =	sne.s32 s0, $0x0;
	_ =	strace $0x90000050  }
0x9b: {  	s0 =	sadd.s32 @!p0 $0x100000, s1;
	[bflag:$0x2] =	sbarrier.arrive $0xFFFF  }
0x9c: {  	[sflag:s0] =	ssyncadd.tile.s32 @!p0 $0x1;
	_ =	shalt  }
.Lfunc_end2:
_tile_overlayer_lowered:
.L_overlay_start_2:
0x9d: {  	(tag) =	ssettag $0x2  }
0x9e: {  	s0 =	rddreg [dreg:$0x0];
	s2 =	stileid.u32  }
0x9f: {  	s1 =	rddreg [dreg:$0x1];
	p0 =	sne.s32 s2, $0x0  }
0xa0: {  	s3 =	rddreg [dreg:$0x2];
	[bflag:$0x3] =	sbarrier.arrive $0xFFFF;
	s2 =	simm.s32 @!p0 $0x1C02  }
0xa1: {  	[timem:s3], [sflag:s2] =	dma.local @!p0 [hbm:s0], s1  }
0xa2: {  	s0 =	simm.s32 @!p0 $0x2  }
0xa3: {  	_ =	swait.ge @!p0 [sflag:s0], s1  }
0xa4: {  	s1 =	ssub.s32 @!p0 $0x0, s1;
	[sflag:s0] =	ssyncset.done @!p0 $0x0  }
0xa5: {  	[sflag:s0] =	ssyncadd.s32 @!p0 s1  }
0xa6: {  	[bflag:$0x3] =	sbarrier.arrive $0xFFFF  }
0xa7: {  	_ =	shalt  }

</sc_bundles>
